<compile_context>
chip_gen: v7x
topology: tpu7x:2x2x1
jax: 0.10.2.dev20260603
libtpu: 0.0.44.dev20260713+nightly
codegen_flags: <defaults>
</compile_context>

<pallas_src>
import functools

import jax
import jax.numpy as jnp
from jax import lax
from jax.experimental import pallas as pl
from jax.experimental.pallas import tpu as pltpu
from jax.experimental.pallas import tpu_sc as plsc

B = 4096
L = 200
E = 32
H = 64
TOT = B * L
NC, NS = 2, 16
NW = NC * NS
ROWS_PER_W = TOT // NW
CH = 128
NG = 10
GROUP = CH * NG
NGROUPS = ROWS_PER_W // GROUP
IDX_ROWS_PER_W = ROWS_PER_W // CH


def _sc_gather(table, idx2d, tot, ck):
    rows_per_w = tot // NW
    idx_rows_per_w = rows_per_w // CH
    ngroups = rows_per_w // GROUP
    assert ngroups % 2 == 0 and ngroups * GROUP == rows_per_w
    idx_base = ck * (tot // CH)
    mesh = plsc.VectorSubcoreMesh(core_axis_name="c", subcore_axis_name="s")

    @functools.partial(
        pl.kernel,
        mesh=mesh,
        out_type=jax.ShapeDtypeStruct((tot, E), jnp.float32),
        scratch_types=[
            pltpu.VMEM((NG, CH), jnp.int32),
            pltpu.VMEM((NG, CH), jnp.int32),
            pltpu.VMEM((GROUP, E), jnp.float32),
            pltpu.VMEM((GROUP, E), jnp.float32),
            pltpu.SemaphoreType.DMA,
            pltpu.SemaphoreType.DMA,
            pltpu.SemaphoreType.DMA,
        ],
        compiler_params=pltpu.CompilerParams(use_tc_tiling_on_sc=False),
    )
    def k(table_hbm, idx_hbm, out_hbm, idx0, idx1, rows0, rows1, gsem,
          osem0, osem1):
        wid = lax.axis_index("s") * NC + lax.axis_index("c")
        row0 = wid * rows_per_w
        irow0 = idx_base + wid * idx_rows_per_w

        def half(g, idx_v, rows_v, osem, first):
            @pl.when(jnp.logical_not(first))
            def _():
                pltpu.make_async_copy(
                    rows_v, out_hbm.at[pl.ds(row0, GROUP)], osem).wait()
            pltpu.sync_copy(idx_hbm.at[pl.ds(irow0 + g * NG, NG)], idx_v)
            handles = []
            for j in range(NG):
                handles.append(
                    pltpu.async_copy(
                        table_hbm.at[idx_v.at[j]],
                        rows_v.at[pl.ds(j * CH, CH)],
                        gsem,
                    )
                )
            for h in handles:
                h.wait()
            pltpu.async_copy(
                rows_v, out_hbm.at[pl.ds(row0 + g * GROUP, GROUP)], osem)

        def body(i, carry):
            half(2 * i, idx0, rows0, osem0, i == 0)
            half(2 * i + 1, idx1, rows1, osem1, i == 0)
            return carry

        lax.fori_loop(0, ngroups // 2, body, 0)
        pltpu.make_async_copy(
            rows0, out_hbm.at[pl.ds(row0, GROUP)], osem0).wait()
        pltpu.make_async_copy(
            rows1, out_hbm.at[pl.ds(row0, GROUP)], osem1).wait()

    return k(table, idx2d)


PK = 128 // E
LP = L // PK
VOCAB = 1000000


VC = 32768
VQ = VC // PK
NBLK = pl.cdiv(VOCAB, VC)
TVOCAB = NBLK * VC


def _tc_pack_table(embT):

    def body(x0_ref, x1_ref, x2_ref, x3_ref, o_ref):
        xbig = jnp.concatenate(
            [x0_ref[...], x1_ref[...], x2_ref[...], x3_ref[...]], axis=0)
        o_ref[...] = jnp.transpose(xbig)

    last_blk = (VOCAB - 1) // VQ

    def spec(k):
        return pl.BlockSpec(
            (E, VQ), lambda i, _k=k: (0, jnp.minimum(i * PK + _k, last_blk)))

    return pl.pallas_call(
        body,
        grid=(NBLK,),
        in_specs=[spec(0), spec(1), spec(2), spec(3)],
        out_specs=pl.BlockSpec((VQ, PK * E), lambda i: (i, 0)),
        out_shape=jax.ShapeDtypeStruct((TVOCAB // PK, PK * E), jnp.float32),
    )(embT, embT, embT, embT)


def _permute_idx(v):
    blk = v // VC
    j = v % VC
    return blk * VC + (j % VQ) * PK + j // VQ


def _tc_mlp(g128, W1b, b1t, W2b, b2, W3, b3, W4, b4, bck):
    BB = 128
    NR = BB * LP

    def dotd(a, b):
        return jnp.dot(a.astype(jnp.bfloat16), b.astype(jnp.bfloat16),
                       preferred_element_type=jnp.float32)

    def body(x_ref, w1_ref, b1_ref, w2_ref, b2_ref, w3_ref, b3_ref, w4_ref,
             b4_ref, o_ref):
        x = x_ref[...]
        h = jnp.maximum(dotd(x, w1_ref[...]) + b1_ref[...], 0.0)
        h2 = dotd(h, w2_ref[...])
        pooled = jnp.mean(h2.reshape(BB, LP, PK * H), axis=1)
        p = 0.25 * (pooled[:, 0:H] + pooled[:, H:2 * H] +
                    pooled[:, 2 * H:3 * H] + pooled[:, 3 * H:4 * H])
        p = p + b2_ref[...]
        q = jnp.maximum(dotd(p, w3_ref[...]) + b3_ref[...], 0.0)
        o_ref[...] = dotd(q, w4_ref[...]) + b4_ref[...]

    full = lambda shape: pl.BlockSpec(shape, lambda i: (0,) * len(shape))
    return pl.pallas_call(
        body,
        grid=(bck // BB,),
        in_specs=[
            pl.BlockSpec((NR, 128), lambda i: (i, 0)),
            full((128, PK * H)), full((1, PK * H)),
            full((PK * H, PK * H)), full((1, H)),
            full((H, H)), full((1, H)),
            full((H, 1)), full((1, 1)),
        ],
        out_specs=pl.BlockSpec((BB, 1), lambda i: (i, 0)),
        out_shape=jax.ShapeDtypeStruct((bck, 1), jnp.float32),
    )(g128, W1b, b1t, W2b, b2.reshape(1, H),
      W3, b3.reshape(1, H), W4, b4.reshape(1, 1))


NCK = 2


def kernel(events, emb, W1, b1, W2, b2, W3, b3, W4, b4):
    idx2d = _permute_idx(events.astype(jnp.int32)).reshape(TOT // CH, CH)
    table = _tc_pack_table(emb.T).reshape(TVOCAB, E)
    W1b = jnp.zeros((128, PK * H), dtype=jnp.float32)
    W2b = jnp.zeros((PK * H, PK * H), dtype=jnp.float32)
    for k in range(PK):
        W1b = W1b.at[k * E:(k + 1) * E, k * H:(k + 1) * H].set(W1)
        W2b = W2b.at[k * H:(k + 1) * H, k * H:(k + 1) * H].set(W2)
    b1t = jnp.tile(b1, PK).reshape(1, PK * H)
    tot_ck = TOT // NCK
    outs = []
    for ck in range(NCK):
        g = _sc_gather(table, idx2d, tot_ck, ck)
        g128 = g.reshape(tot_ck // PK, 128)
        outs.append(
            _tc_mlp(g128, W1b, b1t, W2b, b2, W3, b3, W4, b4, B // NCK))
    return jnp.concatenate(outs, axis=0)

# --- scband reference (transcript-rebuilt; emitter-appended) ---
"""Pipeline reference for scband-embedding-model-40664750359121 (READ-ONLY COPY).

The authoritative reference and input builder live on the scoring server;
editing this copy changes nothing except your own understanding.
"""

import jax, jax.numpy as jnp
import numpy as np

VOCAB = 1000000
EMBED_DIM = 32
HIDDEN = 64
OUT_DIM = 1
BATCH = 4096
HIST = 200


def setup_inputs(seed: int = 0) -> dict:
    key = jax.random.key(seed)
    ks = jax.random.split(key, 10)
    events = jax.random.randint(ks[0], (BATCH, HIST), 0, VOCAB, dtype=jnp.int64 if jax.config.jax_enable_x64 else jnp.int32)
    emb = jax.random.normal(ks[1], (VOCAB, EMBED_DIM), dtype=jnp.float32) * 0.02
    W1 = jax.random.normal(ks[2], (EMBED_DIM, HIDDEN), dtype=jnp.float32) * (1.0 / np.sqrt(EMBED_DIM))
    b1 = jnp.zeros((HIDDEN,), dtype=jnp.float32)
    W2 = jax.random.normal(ks[3], (HIDDEN, HIDDEN), dtype=jnp.float32) * (1.0 / np.sqrt(HIDDEN))
    b2 = jnp.zeros((HIDDEN,), dtype=jnp.float32)
    W3 = jax.random.normal(ks[4], (HIDDEN, HIDDEN), dtype=jnp.float32) * (1.0 / np.sqrt(HIDDEN))
    b3 = jnp.zeros((HIDDEN,), dtype=jnp.float32)
    W4 = jax.random.normal(ks[5], (HIDDEN, OUT_DIM), dtype=jnp.float32) * (1.0 / np.sqrt(HIDDEN))
    b4 = jnp.zeros((OUT_DIM,), dtype=jnp.float32)
    return {"events": events, "emb": emb, "W1": W1, "b1": b1, "W2": W2, "b2": b2, "W3": W3, "b3": b3, "W4": W4, "b4": b4}


def reference(events, emb, W1, b1, W2, b2, W3, b3, W4, b4):
    # embedding lookup: [B, L] -> [B, L, E]
    h = jnp.take(emb, events, axis=0)
    # parallel_mlp: Linear -> ReLU -> Linear, applied per token
    h = jax.nn.relu(h @ W1 + b1)
    h = h @ W2 + b2
    # mean pool over sequence dim
    pooled = h.mean(axis=1)
    # mlp: Linear -> ReLU -> Linear
    out = jax.nn.relu(pooled @ W3 + b3)
    out = out @ W4 + b4
    return out

if __name__ == "__main__":
    import jax
    _d = setup_inputs()
    print(jax.jit(kernel)(*tuple(_d.values())))

</pallas_src>

<mosaic_0001>
#map = affine_map<(d0, d1) -> (0, 0)>
module attributes {stable_mosaic.version = 14 : i64} {
  func.func @k(%arg0: i32, %arg1: i32, %arg2: memref<1015808x32xf32, #tpu.memory_space<hbm>>, %arg3: memref<6400x128xi32, #tpu.memory_space<hbm>>, %arg4: memref<409600x32xf32, #tpu.memory_space<hbm>>, %arg5: memref<10x128xi32, #tpu.memory_space<vmem>>, %arg6: memref<10x128xi32, #tpu.memory_space<vmem>>, %arg7: memref<1280x32xf32, #tpu.memory_space<vmem>>, %arg8: memref<1280x32xf32, #tpu.memory_space<vmem>>, %arg9: memref<!tpu.dma_semaphore, #tpu.memory_space<semaphore_mem>>, %arg10: memref<!tpu.dma_semaphore, #tpu.memory_space<semaphore_mem>>, %arg11: memref<!tpu.dma_semaphore, #tpu.memory_space<semaphore_mem>>) attributes {dimension_semantics = [#tpu.dimension_semantics<core_parallel>, #tpu.dimension_semantics<subcore_parallel>], iteration_bounds = array<i64: 2, 16>, scalar_prefetch = 0 : i64, scratch_operands = 7 : i64, tpu.core_type = #tpu.core_type<sc_vector_subcore>, window_params = [{transform_indices = #map}, {transform_indices = #map}, {transform_indices = #map}]} {
    %mul3A = arith.constant 2 : i32
    %mul3A_0 = arith.muli %arg1, %mul3A : i32
    %add3A = arith.addi %mul3A_0, %arg0 : i32
    %mul3A_1 = arith.constant 12800 : i32
    %mul3A_2 = arith.muli %add3A, %mul3A_1 : i32
    %mul3A_3 = arith.constant 100 : i32
    %mul3A_4 = arith.muli %add3A, %mul3A_3 : i32
    %add3A_5 = arith.constant 0 : i32
    %add3A_6 = arith.addi %add3A_5, %mul3A_4 : i32
    %scan3A = arith.constant 0 : i32
    %scan3A_7 = arith.constant 0 : i32
    %scan3A_8 = arith.constant 5 : i32
    %scan3A_9 = arith.addi %scan3A_7, %scan3A_8 : i32
    %scan3A_10 = arith.constant 1 : i32
    scf.for %scan3A_19 = %scan3A_7 to %scan3A_9 step %scan3A_10  : i32 {
      %mul3A_20 = arith.constant 2 : i32
      %mul3A_21 = arith.muli %mul3A_20, %scan3A_19 : i32
      %eq3A = arith.constant 0 : i32
      %eq3A_22 = arith.cmpi eq, %scan3A_19, %eq3A : i32
      %not3A = arith.constant true
      %not3A_23 = arith.xori %eq3A_22, %not3A : i1
      %convert_element_type3A = arith.extui %not3A_23 : i1 to i32
      %cond3A = arith.constant 0 : i32
      %cond3A_24 = arith.cmpi ne, %convert_element_type3A, %cond3A : i32
      scf.if %cond3A_24 {
        %dma_wait3A_455 = arith.constant 0 : i32
        %dma_wait3A_456 = tpu.memref_slice %arg4[%mul3A_2, %dma_wait3A_455] : memref<409600x32xf32, #tpu.memory_space<hbm>> -> memref<1280x32xf32, #tpu.memory_space<hbm>>
        %dma_wait3A_457 = arith.constant 0 : i32
        %dma_wait3A_458 = tpu.memref_slice %arg4[%mul3A_2, %dma_wait3A_457] : memref<409600x32xf32, #tpu.memory_space<hbm>> -> memref<1280x32xf32, #tpu.memory_space<hbm>>
        tpu.wait_dma2 semaphore(%arg10 : memref<!tpu.dma_semaphore, #tpu.memory_space<semaphore_mem>>) src(%arg7 : memref<1280x32xf32, #tpu.memory_space<vmem>>) dst(%dma_wait3A_458 : memref<1280x32xf32, #tpu.memory_space<hbm>>)
      } else {
      }
      %mul3A_25 = arith.constant 10 : i32
      %mul3A_26 = arith.muli %mul3A_21, %mul3A_25 : i32
      %add3A_27 = arith.addi %add3A_6, %mul3A_26 : i32
      "tpu.region"() ({
        %run_scoped3A = tpu.sem_alloc : memref<!tpu.dma_semaphore, #tpu.memory_space<semaphore_mem>>
        %dma_start3A_455 = arith.constant 0 : i32
        %dma_start3A_456 = tpu.memref_slice %arg3[%add3A_27, %dma_start3A_455] : memref<6400x128xi32, #tpu.memory_space<hbm>> -> memref<10x128xi32, #tpu.memory_space<hbm>>
        %dma_start3A_457 = arith.constant 0 : i32
        %dma_start3A_458 = tpu.memref_slice %arg3[%add3A_27, %dma_start3A_457] : memref<6400x128xi32, #tpu.memory_space<hbm>> -> memref<10x128xi32, #tpu.memory_space<hbm>>
        tpu.enqueue_dma source(%dma_start3A_458 : memref<10x128xi32, #tpu.memory_space<hbm>>) target(%arg5 : memref<10x128xi32, #tpu.memory_space<vmem>>) target_semaphore(%run_scoped3A : memref<!tpu.dma_semaphore, #tpu.memory_space<semaphore_mem>>)
        %dma_wait3A_459 = arith.constant 0 : i32
        %dma_wait3A_460 = tpu.memref_slice %arg3[%add3A_27, %dma_wait3A_459] : memref<6400x128xi32, #tpu.memory_space<hbm>> -> memref<10x128xi32, #tpu.memory_space<hbm>>
        %dma_wait3A_461 = arith.constant 0 : i32
        %dma_wait3A_462 = tpu.memref_slice %arg3[%add3A_27, %dma_wait3A_461] : memref<6400x128xi32, #tpu.memory_space<hbm>> -> memref<10x128xi32, #tpu.memory_space<hbm>>
        tpu.wait_dma2 semaphore(%run_scoped3A : memref<!tpu.dma_semaphore, #tpu.memory_space<semaphore_mem>>) src(%dma_wait3A_462 : memref<10x128xi32, #tpu.memory_space<hbm>>) dst(%arg5 : memref<10x128xi32, #tpu.memory_space<vmem>>)
        tpu.yield
      }) : () -> ()
      %dma_start3A = arith.constant 0 : i32
      %dma_start3A_28 = arith.constant 0 : i32
      %dma_start3A_29 = arith.constant 0 : i32
      %dma_start3A_30 = tpu.memref_slice %arg7[%dma_start3A_28, %dma_start3A_29] : memref<1280x32xf32, #tpu.memory_space<vmem>> -> memref<128x32xf32, #tpu.memory_space<vmem>>
      %dma_start3A_31 = arith.constant 0 : i32
      %dma_start3A_32 = tpu.memref_slice %arg5[%dma_start3A, %dma_start3A_31] : memref<10x128xi32, #tpu.memory_space<vmem>> -> memref<1x128xi32, #tpu.memory_space<vmem>>
      %dma_start3A_33 = tpu.memref_squeeze %dma_start3A_32 : memref<1x128xi32, #tpu.memory_space<vmem>> -> memref<128xi32, #tpu.memory_space<vmem>>
      %dma_start3A_34 = arith.constant 0 : i32
      %dma_start3A_35 = arith.constant 0 : i32
      %dma_start3A_36 = tpu.memref_slice %arg2[%dma_start3A_34, %dma_start3A_35] : memref<1015808x32xf32, #tpu.memory_space<hbm>> -> memref<1015808x32xf32, #tpu.memory_space<hbm>>
      tpu.enqueue_indirect_dma source(%dma_start3A_36 : memref<1015808x32xf32, #tpu.memory_space<hbm>>) target(%dma_start3A_30 : memref<128x32xf32, #tpu.memory_space<vmem>>) offsets(%dma_start3A_33 : memref<128xi32, #tpu.memory_space<vmem>>) semaphore(%arg9 : memref<!tpu.dma_semaphore, #tpu.memory_space<semaphore_mem>>)
      %dma_start3A_37 = arith.constant 1 : i32
      %dma_start3A_38 = arith.constant 128 : i32
      %dma_start3A_39 = arith.constant 0 : i32
      %dma_start3A_40 = tpu.memref_slice %arg7[%dma_start3A_38, %dma_start3A_39] : memref<1280x32xf32, #tpu.memory_space<vmem>> -> memref<128x32xf32, #tpu.memory_space<vmem>>
      %dma_start3A_41 = arith.constant 0 : i32
      %dma_start3A_42 = tpu.memref_slice %arg5[%dma_start3A_37, %dma_start3A_41] : memref<10x128xi32, #tpu.memory_space<vmem>> -> memref<1x128xi32, #tpu.memory_space<vmem>>
      %dma_start3A_43 = tpu.memref_squeeze %dma_start3A_42 : memref<1x128xi32, #tpu.memory_space<vmem>> -> memref<128xi32, #tpu.memory_space<vmem>>
      %dma_start3A_44 = arith.constant 0 : i32
      %dma_start3A_45 = arith.constant 0 : i32
      %dma_start3A_46 = tpu.memref_slice %arg2[%dma_start3A_44, %dma_start3A_45] : memref<1015808x32xf32, #tpu.memory_space<hbm>> -> memref<1015808x32xf32, #tpu.memory_space<hbm>>
      tpu.enqueue_indirect_dma source(%dma_start3A_46 : memref<1015808x32xf32, #tpu.memory_space<hbm>>) target(%dma_start3A_40 : memref<128x32xf32, #tpu.memory_space<vmem>>) offsets(%dma_start3A_43 : memref<128xi32, #tpu.memory_space<vmem>>) semaphore(%arg9 : memref<!tpu.dma_semaphore, #tpu.memory_space<semaphore_mem>>)
      %dma_start3A_47 = arith.constant 2 : i32
      %dma_start3A_48 = arith.constant 256 : i32
      %dma_start3A_49 = arith.constant 0 : i32
      %dma_start3A_50 = tpu.memref_slice %arg7[%dma_start3A_48, %dma_start3A_49] : memref<1280x32xf32, #tpu.memory_space<vmem>> -> memref<128x32xf32, #tpu.memory_space<vmem>>
      %dma_start3A_51 = arith.constant 0 : i32
      %dma_start3A_52 = tpu.memref_slice %arg5[%dma_start3A_47, %dma_start3A_51] : memref<10x128xi32, #tpu.memory_space<vmem>> -> memref<1x128xi32, #tpu.memory_space<vmem>>
      %dma_start3A_53 = tpu.memref_squeeze %dma_start3A_52 : memref<1x128xi32, #tpu.memory_space<vmem>> -> memref<128xi32, #tpu.memory_space<vmem>>
      %dma_start3A_54 = arith.constant 0 : i32
      %dma_start3A_55 = arith.constant 0 : i32
      %dma_start3A_56 = tpu.memref_slice %arg2[%dma_start3A_54, %dma_start3A_55] : memref<1015808x32xf32, #tpu.memory_space<hbm>> -> memref<1015808x32xf32, #tpu.memory_space<hbm>>
      tpu.enqueue_indirect_dma source(%dma_start3A_56 : memref<1015808x32xf32, #tpu.memory_space<hbm>>) target(%dma_start3A_50 : memref<128x32xf32, #tpu.memory_space<vmem>>) offsets(%dma_start3A_53 : memref<128xi32, #tpu.memory_space<vmem>>) semaphore(%arg9 : memref<!tpu.dma_semaphore, #tpu.memory_space<semaphore_mem>>)
      %dma_start3A_57 = arith.constant 3 : i32
      %dma_start3A_58 = arith.constant 384 : i32
      %dma_start3A_59 = arith.constant 0 : i32
      %dma_start3A_60 = tpu.memref_slice %arg7[%dma_start3A_58, %dma_start3A_59] : memref<1280x32xf32, #tpu.memory_space<vmem>> -> memref<128x32xf32, #tpu.memory_space<vmem>>
      %dma_start3A_61 = arith.constant 0 : i32
      %dma_start3A_62 = tpu.memref_slice %arg5[%dma_start3A_57, %dma_start3A_61] : memref<10x128xi32, #tpu.memory_space<vmem>> -> memref<1x128xi32, #tpu.memory_space<vmem>>
      %dma_start3A_63 = tpu.memref_squeeze %dma_start3A_62 : memref<1x128xi32, #tpu.memory_space<vmem>> -> memref<128xi32, #tpu.memory_space<vmem>>
      %dma_start3A_64 = arith.constant 0 : i32
      %dma_start3A_65 = arith.constant 0 : i32
      %dma_start3A_66 = tpu.memref_slice %arg2[%dma_start3A_64, %dma_start3A_65] : memref<1015808x32xf32, #tpu.memory_space<hbm>> -> memref<1015808x32xf32, #tpu.memory_space<hbm>>
      tpu.enqueue_indirect_dma source(%dma_start3A_66 : memref<1015808x32xf32, #tpu.memory_space<hbm>>) target(%dma_start3A_60 : memref<128x32xf32, #tpu.memory_space<vmem>>) offsets(%dma_start3A_63 : memref<128xi32, #tpu.memory_space<vmem>>) semaphore(%arg9 : memref<!tpu.dma_semaphore, #tpu.memory_space<semaphore_mem>>)
      %dma_start3A_67 = arith.constant 4 : i32
      %dma_start3A_68 = arith.constant 512 : i32
      %dma_start3A_69 = arith.constant 0 : i32
      %dma_start3A_70 = tpu.memref_slice %arg7[%dma_start3A_68, %dma_start3A_69] : memref<1280x32xf32, #tpu.memory_space<vmem>> -> memref<128x32xf32, #tpu.memory_space<vmem>>
      %dma_start3A_71 = arith.constant 0 : i32
      %dma_start3A_72 = tpu.memref_slice %arg5[%dma_start3A_67, %dma_start3A_71] : memref<10x128xi32, #tpu.memory_space<vmem>> -> memref<1x128xi32, #tpu.memory_space<vmem>>
      %dma_start3A_73 = tpu.memref_squeeze %dma_start3A_72 : memref<1x128xi32, #tpu.memory_space<vmem>> -> memref<128xi32, #tpu.memory_space<vmem>>
      %dma_start3A_74 = arith.constant 0 : i32
      %dma_start3A_75 = arith.constant 0 : i32
      %dma_start3A_76 = tpu.memref_slice %arg2[%dma_start3A_74, %dma_start3A_75] : memref<1015808x32xf32, #tpu.memory_space<hbm>> -> memref<1015808x32xf32, #tpu.memory_space<hbm>>
      tpu.enqueue_indirect_dma source(%dma_start3A_76 : memref<1015808x32xf32, #tpu.memory_space<hbm>>) target(%dma_start3A_70 : memref<128x32xf32, #tpu.memory_space<vmem>>) offsets(%dma_start3A_73 : memref<128xi32, #tpu.memory_space<vmem>>) semaphore(%arg9 : memref<!tpu.dma_semaphore, #tpu.memory_space<semaphore_mem>>)
      %dma_start3A_77 = arith.constant 5 : i32
      %dma_start3A_78 = arith.constant 640 : i32
      %dma_start3A_79 = arith.constant 0 : i32
      %dma_start3A_80 = tpu.memref_slice %arg7[%dma_start3A_78, %dma_start3A_79] : memref<1280x32xf32, #tpu.memory_space<vmem>> -> memref<128x32xf32, #tpu.memory_space<vmem>>
      %dma_start3A_81 = arith.constant 0 : i32
      %dma_start3A_82 = tpu.memref_slice %arg5[%dma_start3A_77, %dma_start3A_81] : memref<10x128xi32, #tpu.memory_space<vmem>> -> memref<1x128xi32, #tpu.memory_space<vmem>>
      %dma_start3A_83 = tpu.memref_squeeze %dma_start3A_82 : memref<1x128xi32, #tpu.memory_space<vmem>> -> memref<128xi32, #tpu.memory_space<vmem>>
      %dma_start3A_84 = arith.constant 0 : i32
      %dma_start3A_85 = arith.constant 0 : i32
      %dma_start3A_86 = tpu.memref_slice %arg2[%dma_start3A_84, %dma_start3A_85] : memref<1015808x32xf32, #tpu.memory_space<hbm>> -> memref<1015808x32xf32, #tpu.memory_space<hbm>>
      tpu.enqueue_indirect_dma source(%dma_start3A_86 : memref<1015808x32xf32, #tpu.memory_space<hbm>>) target(%dma_start3A_80 : memref<128x32xf32, #tpu.memory_space<vmem>>) offsets(%dma_start3A_83 : memref<128xi32, #tpu.memory_space<vmem>>) semaphore(%arg9 : memref<!tpu.dma_semaphore, #tpu.memory_space<semaphore_mem>>)
      %dma_start3A_87 = arith.constant 6 : i32
      %dma_start3A_88 = arith.constant 768 : i32
      %dma_start3A_89 = arith.constant 0 : i32
      %dma_start3A_90 = tpu.memref_slice %arg7[%dma_start3A_88, %dma_start3A_89] : memref<1280x32xf32, #tpu.memory_space<vmem>> -> memref<128x32xf32, #tpu.memory_space<vmem>>
      %dma_start3A_91 = arith.constant 0 : i32
      %dma_start3A_92 = tpu.memref_slice %arg5[%dma_start3A_87, %dma_start3A_91] : memref<10x128xi32, #tpu.memory_space<vmem>> -> memref<1x128xi32, #tpu.memory_space<vmem>>
      %dma_start3A_93 = tpu.memref_squeeze %dma_start3A_92 : memref<1x128xi32, #tpu.memory_space<vmem>> -> memref<128xi32, #tpu.memory_space<vmem>>
      %dma_start3A_94 = arith.constant 0 : i32
      %dma_start3A_95 = arith.constant 0 : i32
      %dma_start3A_96 = tpu.memref_slice %arg2[%dma_start3A_94, %dma_start3A_95] : memref<1015808x32xf32, #tpu.memory_space<hbm>> -> memref<1015808x32xf32, #tpu.memory_space<hbm>>
      tpu.enqueue_indirect_dma source(%dma_start3A_96 : memref<1015808x32xf32, #tpu.memory_space<hbm>>) target(%dma_start3A_90 : memref<128x32xf32, #tpu.memory_space<vmem>>) offsets(%dma_start3A_93 : memref<128xi32, #tpu.memory_space<vmem>>) semaphore(%arg9 : memref<!tpu.dma_semaphore, #tpu.memory_space<semaphore_mem>>)
      %dma_start3A_97 = arith.constant 7 : i32
      %dma_start3A_98 = arith.constant 896 : i32
      %dma_start3A_99 = arith.constant 0 : i32
      %dma_start3A_100 = tpu.memref_slice %arg7[%dma_start3A_98, %dma_start3A_99] : memref<1280x32xf32, #tpu.memory_space<vmem>> -> memref<128x32xf32, #tpu.memory_space<vmem>>
      %dma_start3A_101 = arith.constant 0 : i32
      %dma_start3A_102 = tpu.memref_slice %arg5[%dma_start3A_97, %dma_start3A_101] : memref<10x128xi32, #tpu.memory_space<vmem>> -> memref<1x128xi32, #tpu.memory_space<vmem>>
      %dma_start3A_103 = tpu.memref_squeeze %dma_start3A_102 : memref<1x128xi32, #tpu.memory_space<vmem>> -> memref<128xi32, #tpu.memory_space<vmem>>
      %dma_start3A_104 = arith.constant 0 : i32
      %dma_start3A_105 = arith.constant 0 : i32
      %dma_start3A_106 = tpu.memref_slice %arg2[%dma_start3A_104, %dma_start3A_105] : memref<1015808x32xf32, #tpu.memory_space<hbm>> -> memref<1015808x32xf32, #tpu.memory_space<hbm>>
      tpu.enqueue_indirect_dma source(%dma_start3A_106 : memref<1015808x32xf32, #tpu.memory_space<hbm>>) target(%dma_start3A_100 : memref<128x32xf32, #tpu.memory_space<vmem>>) offsets(%dma_start3A_103 : memref<128xi32, #tpu.memory_space<vmem>>) semaphore(%arg9 : memref<!tpu.dma_semaphore, #tpu.memory_space<semaphore_mem>>)
      %dma_start3A_107 = arith.constant 8 : i32
      %dma_start3A_108 = arith.constant 1024 : i32
      %dma_start3A_109 = arith.constant 0 : i32
      %dma_start3A_110 = tpu.memref_slice %arg7[%dma_start3A_108, %dma_start3A_109] : memref<1280x32xf32, #tpu.memory_space<vmem>> -> memref<128x32xf32, #tpu.memory_space<vmem>>
      %dma_start3A_111 = arith.constant 0 : i32
      %dma_start3A_112 = tpu.memref_slice %arg5[%dma_start3A_107, %dma_start3A_111] : memref<10x128xi32, #tpu.memory_space<vmem>> -> memref<1x128xi32, #tpu.memory_space<vmem>>
      %dma_start3A_113 = tpu.memref_squeeze %dma_start3A_112 : memref<1x128xi32, #tpu.memory_space<vmem>> -> memref<128xi32, #tpu.memory_space<vmem>>
      %dma_start3A_114 = arith.constant 0 : i32
      %dma_start3A_115 = arith.constant 0 : i32
      %dma_start3A_116 = tpu.memref_slice %arg2[%dma_start3A_114, %dma_start3A_115] : memref<1015808x32xf32, #tpu.memory_space<hbm>> -> memref<1015808x32xf32, #tpu.memory_space<hbm>>
      tpu.enqueue_indirect_dma source(%dma_start3A_116 : memref<1015808x32xf32, #tpu.memory_space<hbm>>) target(%dma_start3A_110 : memref<128x32xf32, #tpu.memory_space<vmem>>) offsets(%dma_start3A_113 : memref<128xi32, #tpu.memory_space<vmem>>) semaphore(%arg9 : memref<!tpu.dma_semaphore, #tpu.memory_space<semaphore_mem>>)
      %dma_start3A_117 = arith.constant 9 : i32
      %dma_start3A_118 = arith.constant 1152 : i32
      %dma_start3A_119 = arith.constant 0 : i32
      %dma_start3A_120 = tpu.memref_slice %arg7[%dma_start3A_118, %dma_start3A_119] : memref<1280x32xf32, #tpu.memory_space<vmem>> -> memref<128x32xf32, #tpu.memory_space<vmem>>
      %dma_start3A_121 = arith.constant 0 : i32
      %dma_start3A_122 = tpu.memref_slice %arg5[%dma_start3A_117, %dma_start3A_121] : memref<10x128xi32, #tpu.memory_space<vmem>> -> memref<1x128xi32, #tpu.memory_space<vmem>>
      %dma_start3A_123 = tpu.memref_squeeze %dma_start3A_122 : memref<1x128xi32, #tpu.memory_space<vmem>> -> memref<128xi32, #tpu.memory_space<vmem>>
      %dma_start3A_124 = arith.constant 0 : i32
      %dma_start3A_125 = arith.constant 0 : i32
      %dma_start3A_126 = tpu.memref_slice %arg2[%dma_start3A_124, %dma_start3A_125] : memref<1015808x32xf32, #tpu.memory_space<hbm>> -> memref<1015808x32xf32, #tpu.memory_space<hbm>>
      tpu.enqueue_indirect_dma source(%dma_start3A_126 : memref<1015808x32xf32, #tpu.memory_space<hbm>>) target(%dma_start3A_120 : memref<128x32xf32, #tpu.memory_space<vmem>>) offsets(%dma_start3A_123 : memref<128xi32, #tpu.memory_space<vmem>>) semaphore(%arg9 : memref<!tpu.dma_semaphore, #tpu.memory_space<semaphore_mem>>)
      %dma_wait3A_127 = arith.constant 0 : i32
      %dma_wait3A_128 = arith.constant 0 : i32
      %dma_wait3A_129 = arith.constant 0 : i32
      %dma_wait3A_130 = tpu.memref_slice %arg7[%dma_wait3A_128, %dma_wait3A_129] : memref<1280x32xf32, #tpu.memory_space<vmem>> -> memref<128x32xf32, #tpu.memory_space<vmem>>
      %dma_wait3A_131 = arith.constant 0 : i32
      %dma_wait3A_132 = tpu.memref_slice %arg5[%dma_wait3A_127, %dma_wait3A_131] : memref<10x128xi32, #tpu.memory_space<vmem>> -> memref<1x128xi32, #tpu.memory_space<vmem>>
      %dma_wait3A_133 = tpu.memref_squeeze %dma_wait3A_132 : memref<1x128xi32, #tpu.memory_space<vmem>> -> memref<128xi32, #tpu.memory_space<vmem>>
      %dma_wait3A_134 = arith.constant 0 : i32
      %dma_wait3A_135 = arith.constant 0 : i32
      %dma_wait3A_136 = tpu.memref_slice %arg2[%dma_wait3A_134, %dma_wait3A_135] : memref<1015808x32xf32, #tpu.memory_space<hbm>> -> memref<1015808x32xf32, #tpu.memory_space<hbm>>
      tpu.wait_indirect_dma semaphore(%arg9 : memref<!tpu.dma_semaphore, #tpu.memory_space<semaphore_mem>>) src(%dma_wait3A_136 : memref<1015808x32xf32, #tpu.memory_space<hbm>>) dst(%dma_wait3A_130 : memref<128x32xf32, #tpu.memory_space<vmem>>)
      %dma_wait3A_137 = arith.constant 1 : i32
      %dma_wait3A_138 = arith.constant 128 : i32
      %dma_wait3A_139 = arith.constant 0 : i32
      %dma_wait3A_140 = tpu.memref_slice %arg7[%dma_wait3A_138, %dma_wait3A_139] : memref<1280x32xf32, #tpu.memory_space<vmem>> -> memref<128x32xf32, #tpu.memory_space<vmem>>
      %dma_wait3A_141 = arith.constant 0 : i32
      %dma_wait3A_142 = tpu.memref_slice %arg5[%dma_wait3A_137, %dma_wait3A_141] : memref<10x128xi32, #tpu.memory_space<vmem>> -> memref<1x128xi32, #tpu.memory_space<vmem>>
      %dma_wait3A_143 = tpu.memref_squeeze %dma_wait3A_142 : memref<1x128xi32, #tpu.memory_space<vmem>> -> memref<128xi32, #tpu.memory_space<vmem>>
      %dma_wait3A_144 = arith.constant 0 : i32
      %dma_wait3A_145 = arith.constant 0 : i32
      %dma_wait3A_146 = tpu.memref_slice %arg2[%dma_wait3A_144, %dma_wait3A_145] : memref<1015808x32xf32, #tpu.memory_space<hbm>> -> memref<1015808x32xf32, #tpu.memory_space<hbm>>
      tpu.wait_indirect_dma semaphore(%arg9 : memref<!tpu.dma_semaphore, #tpu.memory_space<semaphore_mem>>) src(%dma_wait3A_146 : memref<1015808x32xf32, #tpu.memory_space<hbm>>) dst(%dma_wait3A_140 : memref<128x32xf32, #tpu.memory_space<vmem>>)
      %dma_wait3A_147 = arith.constant 2 : i32
      %dma_wait3A_148 = arith.constant 256 : i32
      %dma_wait3A_149 = arith.constant 0 : i32
      %dma_wait3A_150 = tpu.memref_slice %arg7[%dma_wait3A_148, %dma_wait3A_149] : memref<1280x32xf32, #tpu.memory_space<vmem>> -> memref<128x32xf32, #tpu.memory_space<vmem>>
      %dma_wait3A_151 = arith.constant 0 : i32
      %dma_wait3A_152 = tpu.memref_slice %arg5[%dma_wait3A_147, %dma_wait3A_151] : memref<10x128xi32, #tpu.memory_space<vmem>> -> memref<1x128xi32, #tpu.memory_space<vmem>>
      %dma_wait3A_153 = tpu.memref_squeeze %dma_wait3A_152 : memref<1x128xi32, #tpu.memory_space<vmem>> -> memref<128xi32, #tpu.memory_space<vmem>>
      %dma_wait3A_154 = arith.constant 0 : i32
      %dma_wait3A_155 = arith.constant 0 : i32
      %dma_wait3A_156 = tpu.memref_slice %arg2[%dma_wait3A_154, %dma_wait3A_155] : memref<1015808x32xf32, #tpu.memory_space<hbm>> -> memref<1015808x32xf32, #tpu.memory_space<hbm>>
      tpu.wait_indirect_dma semaphore(%arg9 : memref<!tpu.dma_semaphore, #tpu.memory_space<semaphore_mem>>) src(%dma_wait3A_156 : memref<1015808x32xf32, #tpu.memory_space<hbm>>) dst(%dma_wait3A_150 : memref<128x32xf32, #tpu.memory_space<vmem>>)
      %dma_wait3A_157 = arith.constant 3 : i32
      %dma_wait3A_158 = arith.constant 384 : i32
      %dma_wait3A_159 = arith.constant 0 : i32
      %dma_wait3A_160 = tpu.memref_slice %arg7[%dma_wait3A_158, %dma_wait3A_159] : memref<1280x32xf32, #tpu.memory_space<vmem>> -> memref<128x32xf32, #tpu.memory_space<vmem>>
      %dma_wait3A_161 = arith.constant 0 : i32
      %dma_wait3A_162 = tpu.memref_slice %arg5[%dma_wait3A_157, %dma_wait3A_161] : memref<10x128xi32, #tpu.memory_space<vmem>> -> memref<1x128xi32, #tpu.memory_space<vmem>>
      %dma_wait3A_163 = tpu.memref_squeeze %dma_wait3A_162 : memref<1x128xi32, #tpu.memory_space<vmem>> -> memref<128xi32, #tpu.memory_space<vmem>>
      %dma_wait3A_164 = arith.constant 0 : i32
      %dma_wait3A_165 = arith.constant 0 : i32
      %dma_wait3A_166 = tpu.memref_slice %arg2[%dma_wait3A_164, %dma_wait3A_165] : memref<1015808x32xf32, #tpu.memory_space<hbm>> -> memref<1015808x32xf32, #tpu.memory_space<hbm>>
      tpu.wait_indirect_dma semaphore(%arg9 : memref<!tpu.dma_semaphore, #tpu.memory_space<semaphore_mem>>) src(%dma_wait3A_166 : memref<1015808x32xf32, #tpu.memory_space<hbm>>) dst(%dma_wait3A_160 : memref<128x32xf32, #tpu.memory_space<vmem>>)
      %dma_wait3A_167 = arith.constant 4 : i32
      %dma_wait3A_168 = arith.constant 512 : i32
      %dma_wait3A_169 = arith.constant 0 : i32
      %dma_wait3A_170 = tpu.memref_slice %arg7[%dma_wait3A_168, %dma_wait3A_169] : memref<1280x32xf32, #tpu.memory_space<vmem>> -> memref<128x32xf32, #tpu.memory_space<vmem>>
      %dma_wait3A_171 = arith.constant 0 : i32
      %dma_wait3A_172 = tpu.memref_slice %arg5[%dma_wait3A_167, %dma_wait3A_171] : memref<10x128xi32, #tpu.memory_space<vmem>> -> memref<1x128xi32, #tpu.memory_space<vmem>>
      %dma_wait3A_173 = tpu.memref_squeeze %dma_wait3A_172 : memref<1x128xi32, #tpu.memory_space<vmem>> -> memref<128xi32, #tpu.memory_space<vmem>>
      %dma_wait3A_174 = arith.constant 0 : i32
      %dma_wait3A_175 = arith.constant 0 : i32
      %dma_wait3A_176 = tpu.memref_slice %arg2[%dma_wait3A_174, %dma_wait3A_175] : memref<1015808x32xf32, #tpu.memory_space<hbm>> -> memref<1015808x32xf32, #tpu.memory_space<hbm>>
      tpu.wait_indirect_dma semaphore(%arg9 : memref<!tpu.dma_semaphore, #tpu.memory_space<semaphore_mem>>) src(%dma_wait3A_176 : memref<1015808x32xf32, #tpu.memory_space<hbm>>) dst(%dma_wait3A_170 : memref<128x32xf32, #tpu.memory_space<vmem>>)
      %dma_wait3A_177 = arith.constant 5 : i32
      %dma_wait3A_178 = arith.constant 640 : i32
      %dma_wait3A_179 = arith.constant 0 : i32
      %dma_wait3A_180 = tpu.memref_slice %arg7[%dma_wait3A_178, %dma_wait3A_179] : memref<1280x32xf32, #tpu.memory_space<vmem>> -> memref<128x32xf32, #tpu.memory_space<vmem>>
      %dma_wait3A_181 = arith.constant 0 : i32
      %dma_wait3A_182 = tpu.memref_slice %arg5[%dma_wait3A_177, %dma_wait3A_181] : memref<10x128xi32, #tpu.memory_space<vmem>> -> memref<1x128xi32, #tpu.memory_space<vmem>>
      %dma_wait3A_183 = tpu.memref_squeeze %dma_wait3A_182 : memref<1x128xi32, #tpu.memory_space<vmem>> -> memref<128xi32, #tpu.memory_space<vmem>>
      %dma_wait3A_184 = arith.constant 0 : i32
      %dma_wait3A_185 = arith.constant 0 : i32
      %dma_wait3A_186 = tpu.memref_slice %arg2[%dma_wait3A_184, %dma_wait3A_185] : memref<1015808x32xf32, #tpu.memory_space<hbm>> -> memref<1015808x32xf32, #tpu.memory_space<hbm>>
      tpu.wait_indirect_dma semaphore(%arg9 : memref<!tpu.dma_semaphore, #tpu.memory_space<semaphore_mem>>) src(%dma_wait3A_186 : memref<1015808x32xf32, #tpu.memory_space<hbm>>) dst(%dma_wait3A_180 : memref<128x32xf32, #tpu.memory_space<vmem>>)
      %dma_wait3A_187 = arith.constant 6 : i32
      %dma_wait3A_188 = arith.constant 768 : i32
      %dma_wait3A_189 = arith.constant 0 : i32
      %dma_wait3A_190 = tpu.memref_slice %arg7[%dma_wait3A_188, %dma_wait3A_189] : memref<1280x32xf32, #tpu.memory_space<vmem>> -> memref<128x32xf32, #tpu.memory_space<vmem>>
      %dma_wait3A_191 = arith.constant 0 : i32
      %dma_wait3A_192 = tpu.memref_slice %arg5[%dma_wait3A_187, %dma_wait3A_191] : memref<10x128xi32, #tpu.memory_space<vmem>> -> memref<1x128xi32, #tpu.memory_space<vmem>>
      %dma_wait3A_193 = tpu.memref_squeeze %dma_wait3A_192 : memref<1x128xi32, #tpu.memory_space<vmem>> -> memref<128xi32, #tpu.memory_space<vmem>>
      %dma_wait3A_194 = arith.constant 0 : i32
      %dma_wait3A_195 = arith.constant 0 : i32
      %dma_wait3A_196 = tpu.memref_slice %arg2[%dma_wait3A_194, %dma_wait3A_195] : memref<1015808x32xf32, #tpu.memory_space<hbm>> -> memref<1015808x32xf32, #tpu.memory_space<hbm>>
      tpu.wait_indirect_dma semaphore(%arg9 : memref<!tpu.dma_semaphore, #tpu.memory_space<semaphore_mem>>) src(%dma_wait3A_196 : memref<1015808x32xf32, #tpu.memory_space<hbm>>) dst(%dma_wait3A_190 : memref<128x32xf32, #tpu.memory_space<vmem>>)
      %dma_wait3A_197 = arith.constant 7 : i32
      %dma_wait3A_198 = arith.constant 896 : i32
      %dma_wait3A_199 = arith.constant 0 : i32
      %dma_wait3A_200 = tpu.memref_slice %arg7[%dma_wait3A_198, %dma_wait3A_199] : memref<1280x32xf32, #tpu.memory_space<vmem>> -> memref<128x32xf32, #tpu.memory_space<vmem>>
      %dma_wait3A_201 = arith.constant 0 : i32
      %dma_wait3A_202 = tpu.memref_slice %arg5[%dma_wait3A_197, %dma_wait3A_201] : memref<10x128xi32, #tpu.memory_space<vmem>> -> memref<1x128xi32, #tpu.memory_space<vmem>>
      %dma_wait3A_203 = tpu.memref_squeeze %dma_wait3A_202 : memref<1x128xi32, #tpu.memory_space<vmem>> -> memref<128xi32, #tpu.memory_space<vmem>>
      %dma_wait3A_204 = arith.constant 0 : i32
      %dma_wait3A_205 = arith.constant 0 : i32
      %dma_wait3A_206 = tpu.memref_slice %arg2[%dma_wait3A_204, %dma_wait3A_205] : memref<1015808x32xf32, #tpu.memory_space<hbm>> -> memref<1015808x32xf32, #tpu.memory_space<hbm>>
      tpu.wait_indirect_dma semaphore(%arg9 : memref<!tpu.dma_semaphore, #tpu.memory_space<semaphore_mem>>) src(%dma_wait3A_206 : memref<1015808x32xf32, #tpu.memory_space<hbm>>) dst(%dma_wait3A_200 : memref<128x32xf32, #tpu.memory_space<vmem>>)
      %dma_wait3A_207 = arith.constant 8 : i32
      %dma_wait3A_208 = arith.constant 1024 : i32
      %dma_wait3A_209 = arith.constant 0 : i32
      %dma_wait3A_210 = tpu.memref_slice %arg7[%dma_wait3A_208, %dma_wait3A_209] : memref<1280x32xf32, #tpu.memory_space<vmem>> -> memref<128x32xf32, #tpu.memory_space<vmem>>
      %dma_wait3A_211 = arith.constant 0 : i32
      %dma_wait3A_212 = tpu.memref_slice %arg5[%dma_wait3A_207, %dma_wait3A_211] : memref<10x128xi32, #tpu.memory_space<vmem>> -> memref<1x128xi32, #tpu.memory_space<vmem>>
      %dma_wait3A_213 = tpu.memref_squeeze %dma_wait3A_212 : memref<1x128xi32, #tpu.memory_space<vmem>> -> memref<128xi32, #tpu.memory_space<vmem>>
      %dma_wait3A_214 = arith.constant 0 : i32
      %dma_wait3A_215 = arith.constant 0 : i32
      %dma_wait3A_216 = tpu.memref_slice %arg2[%dma_wait3A_214, %dma_wait3A_215] : memref<1015808x32xf32, #tpu.memory_space<hbm>> -> memref<1015808x32xf32, #tpu.memory_space<hbm>>
      tpu.wait_indirect_dma semaphore(%arg9 : memref<!tpu.dma_semaphore, #tpu.memory_space<semaphore_mem>>) src(%dma_wait3A_216 : memref<1015808x32xf32, #tpu.memory_space<hbm>>) dst(%dma_wait3A_210 : memref<128x32xf32, #tpu.memory_space<vmem>>)
      %dma_wait3A_217 = arith.constant 9 : i32
      %dma_wait3A_218 = arith.constant 1152 : i32
      %dma_wait3A_219 = arith.constant 0 : i32
      %dma_wait3A_220 = tpu.memref_slice %arg7[%dma_wait3A_218, %dma_wait3A_219] : memref<1280x32xf32, #tpu.memory_space<vmem>> -> memref<128x32xf32, #tpu.memory_space<vmem>>
      %dma_wait3A_221 = arith.constant 0 : i32
      %dma_wait3A_222 = tpu.memref_slice %arg5[%dma_wait3A_217, %dma_wait3A_221] : memref<10x128xi32, #tpu.memory_space<vmem>> -> memref<1x128xi32, #tpu.memory_space<vmem>>
      %dma_wait3A_223 = tpu.memref_squeeze %dma_wait3A_222 : memref<1x128xi32, #tpu.memory_space<vmem>> -> memref<128xi32, #tpu.memory_space<vmem>>
      %dma_wait3A_224 = arith.constant 0 : i32
      %dma_wait3A_225 = arith.constant 0 : i32
      %dma_wait3A_226 = tpu.memref_slice %arg2[%dma_wait3A_224, %dma_wait3A_225] : memref<1015808x32xf32, #tpu.memory_space<hbm>> -> memref<1015808x32xf32, #tpu.memory_space<hbm>>
      tpu.wait_indirect_dma semaphore(%arg9 : memref<!tpu.dma_semaphore, #tpu.memory_space<semaphore_mem>>) src(%dma_wait3A_226 : memref<1015808x32xf32, #tpu.memory_space<hbm>>) dst(%dma_wait3A_220 : memref<128x32xf32, #tpu.memory_space<vmem>>)
      %mul3A_227 = arith.constant 1280 : i32
      %mul3A_228 = arith.muli %mul3A_21, %mul3A_227 : i32
      %add3A_229 = arith.addi %mul3A_2, %mul3A_228 : i32
      %dma_start3A_230 = arith.constant 0 : i32
      %dma_start3A_231 = tpu.memref_slice %arg4[%add3A_229, %dma_start3A_230] : memref<409600x32xf32, #tpu.memory_space<hbm>> -> memref<1280x32xf32, #tpu.memory_space<hbm>>
      %dma_start3A_232 = arith.constant 0 : i32
      %dma_start3A_233 = tpu.memref_slice %arg4[%add3A_229, %dma_start3A_232] : memref<409600x32xf32, #tpu.memory_space<hbm>> -> memref<1280x32xf32, #tpu.memory_space<hbm>>
      tpu.enqueue_dma source(%arg7 : memref<1280x32xf32, #tpu.memory_space<vmem>>) target(%dma_start3A_233 : memref<1280x32xf32, #tpu.memory_space<hbm>>) target_semaphore(%arg10 : memref<!tpu.dma_semaphore, #tpu.memory_space<semaphore_mem>>)
      %mul3A_234 = arith.constant 2 : i32
      %mul3A_235 = arith.muli %mul3A_234, %scan3A_19 : i32
      %add3A_236 = arith.constant 1 : i32
      %add3A_237 = arith.addi %mul3A_235, %add3A_236 : i32
      %eq3A_238 = arith.constant 0 : i32
      %eq3A_239 = arith.cmpi eq, %scan3A_19, %eq3A_238 : i32
      %not3A_240 = arith.constant true
      %not3A_241 = arith.xori %eq3A_239, %not3A_240 : i1
      %convert_element_type3A_242 = arith.extui %not3A_241 : i1 to i32
      %cond3A_243 = arith.constant 0 : i32
      %cond3A_244 = arith.cmpi ne, %convert_element_type3A_242, %cond3A_243 : i32
      scf.if %cond3A_244 {
        %dma_wait3A_455 = arith.constant 0 : i32
        %dma_wait3A_456 = tpu.memref_slice %arg4[%mul3A_2, %dma_wait3A_455] : memref<409600x32xf32, #tpu.memory_space<hbm>> -> memref<1280x32xf32, #tpu.memory_space<hbm>>
        %dma_wait3A_457 = arith.constant 0 : i32
        %dma_wait3A_458 = tpu.memref_slice %arg4[%mul3A_2, %dma_wait3A_457] : memref<409600x32xf32, #tpu.memory_space<hbm>> -> memref<1280x32xf32, #tpu.memory_space<hbm>>
        tpu.wait_dma2 semaphore(%arg11 : memref<!tpu.dma_semaphore, #tpu.memory_space<semaphore_mem>>) src(%arg8 : memref<1280x32xf32, #tpu.memory_space<vmem>>) dst(%dma_wait3A_458 : memref<1280x32xf32, #tpu.memory_space<hbm>>)
      } else {
      }
      %mul3A_245 = arith.constant 10 : i32
      %mul3A_246 = arith.muli %add3A_237, %mul3A_245 : i32
      %add3A_247 = arith.addi %add3A_6, %mul3A_246 : i32
      "tpu.region"() ({
        %run_scoped3A = tpu.sem_alloc : memref<!tpu.dma_semaphore, #tpu.memory_space<semaphore_mem>>
        %dma_start3A_455 = arith.constant 0 : i32
        %dma_start3A_456 = tpu.memref_slice %arg3[%add3A_247, %dma_start3A_455] : memref<6400x128xi32, #tpu.memory_space<hbm>> -> memref<10x128xi32, #tpu.memory_space<hbm>>
        %dma_start3A_457 = arith.constant 0 : i32
        %dma_start3A_458 = tpu.memref_slice %arg3[%add3A_247, %dma_start3A_457] : memref<6400x128xi32, #tpu.memory_space<hbm>> -> memref<10x128xi32, #tpu.memory_space<hbm>>
        tpu.enqueue_dma source(%dma_start3A_458 : memref<10x128xi32, #tpu.memory_space<hbm>>) target(%arg6 : memref<10x128xi32, #tpu.memory_space<vmem>>) target_semaphore(%run_scoped3A : memref<!tpu.dma_semaphore, #tpu.memory_space<semaphore_mem>>)
        %dma_wait3A_459 = arith.constant 0 : i32
        %dma_wait3A_460 = tpu.memref_slice %arg3[%add3A_247, %dma_wait3A_459] : memref<6400x128xi32, #tpu.memory_space<hbm>> -> memref<10x128xi32, #tpu.memory_space<hbm>>
        %dma_wait3A_461 = arith.constant 0 : i32
        %dma_wait3A_462 = tpu.memref_slice %arg3[%add3A_247, %dma_wait3A_461] : memref<6400x128xi32, #tpu.memory_space<hbm>> -> memref<10x128xi32, #tpu.memory_space<hbm>>
        tpu.wait_dma2 semaphore(%run_scoped3A : memref<!tpu.dma_semaphore, #tpu.memory_space<semaphore_mem>>) src(%dma_wait3A_462 : memref<10x128xi32, #tpu.memory_space<hbm>>) dst(%arg6 : memref<10x128xi32, #tpu.memory_space<vmem>>)
        tpu.yield
      }) : () -> ()
      %dma_start3A_248 = arith.constant 0 : i32
      %dma_start3A_249 = arith.constant 0 : i32
      %dma_start3A_250 = arith.constant 0 : i32
      %dma_start3A_251 = tpu.memref_slice %arg8[%dma_start3A_249, %dma_start3A_250] : memref<1280x32xf32, #tpu.memory_space<vmem>> -> memref<128x32xf32, #tpu.memory_space<vmem>>
      %dma_start3A_252 = arith.constant 0 : i32
      %dma_start3A_253 = tpu.memref_slice %arg6[%dma_start3A_248, %dma_start3A_252] : memref<10x128xi32, #tpu.memory_space<vmem>> -> memref<1x128xi32, #tpu.memory_space<vmem>>
      %dma_start3A_254 = tpu.memref_squeeze %dma_start3A_253 : memref<1x128xi32, #tpu.memory_space<vmem>> -> memref<128xi32, #tpu.memory_space<vmem>>
      %dma_start3A_255 = arith.constant 0 : i32
      %dma_start3A_256 = arith.constant 0 : i32
      %dma_start3A_257 = tpu.memref_slice %arg2[%dma_start3A_255, %dma_start3A_256] : memref<1015808x32xf32, #tpu.memory_space<hbm>> -> memref<1015808x32xf32, #tpu.memory_space<hbm>>
      tpu.enqueue_indirect_dma source(%dma_start3A_257 : memref<1015808x32xf32, #tpu.memory_space<hbm>>) target(%dma_start3A_251 : memref<128x32xf32, #tpu.memory_space<vmem>>) offsets(%dma_start3A_254 : memref<128xi32, #tpu.memory_space<vmem>>) semaphore(%arg9 : memref<!tpu.dma_semaphore, #tpu.memory_space<semaphore_mem>>)
      %dma_start3A_258 = arith.constant 1 : i32
      %dma_start3A_259 = arith.constant 128 : i32
      %dma_start3A_260 = arith.constant 0 : i32
      %dma_start3A_261 = tpu.memref_slice %arg8[%dma_start3A_259, %dma_start3A_260] : memref<1280x32xf32, #tpu.memory_space<vmem>> -> memref<128x32xf32, #tpu.memory_space<vmem>>
      %dma_start3A_262 = arith.constant 0 : i32
      %dma_start3A_263 = tpu.memref_slice %arg6[%dma_start3A_258, %dma_start3A_262] : memref<10x128xi32, #tpu.memory_space<vmem>> -> memref<1x128xi32, #tpu.memory_space<vmem>>
      %dma_start3A_264 = tpu.memref_squeeze %dma_start3A_263 : memref<1x128xi32, #tpu.memory_space<vmem>> -> memref<128xi32, #tpu.memory_space<vmem>>
      %dma_start3A_265 = arith.constant 0 : i32
      %dma_start3A_266 = arith.constant 0 : i32
      %dma_start3A_267 = tpu.memref_slice %arg2[%dma_start3A_265, %dma_start3A_266] : memref<1015808x32xf32, #tpu.memory_space<hbm>> -> memref<1015808x32xf32, #tpu.memory_space<hbm>>
      tpu.enqueue_indirect_dma source(%dma_start3A_267 : memref<1015808x32xf32, #tpu.memory_space<hbm>>) target(%dma_start3A_261 : memref<128x32xf32, #tpu.memory_space<vmem>>) offsets(%dma_start3A_264 : memref<128xi32, #tpu.memory_space<vmem>>) semaphore(%arg9 : memref<!tpu.dma_semaphore, #tpu.memory_space<semaphore_mem>>)
      %dma_start3A_268 = arith.constant 2 : i32
      %dma_start3A_269 = arith.constant 256 : i32
      %dma_start3A_270 = arith.constant 0 : i32
      %dma_start3A_271 = tpu.memref_slice %arg8[%dma_start3A_269, %dma_start3A_270] : memref<1280x32xf32, #tpu.memory_space<vmem>> -> memref<128x32xf32, #tpu.memory_space<vmem>>
      %dma_start3A_272 = arith.constant 0 : i32
      %dma_start3A_273 = tpu.memref_slice %arg6[%dma_start3A_268, %dma_start3A_272] : memref<10x128xi32, #tpu.memory_space<vmem>> -> memref<1x128xi32, #tpu.memory_space<vmem>>
      %dma_start3A_274 = tpu.memref_squeeze %dma_start3A_273 : memref<1x128xi32, #tpu.memory_space<vmem>> -> memref<128xi32, #tpu.memory_space<vmem>>
      %dma_start3A_275 = arith.constant 0 : i32
      %dma_start3A_276 = arith.constant 0 : i32
      %dma_start3A_277 = tpu.memref_slice %arg2[%dma_start3A_275, %dma_start3A_276] : memref<1015808x32xf32, #tpu.memory_space<hbm>> -> memref<1015808x32xf32, #tpu.memory_space<hbm>>
      tpu.enqueue_indirect_dma source(%dma_start3A_277 : memref<1015808x32xf32, #tpu.memory_space<hbm>>) target(%dma_start3A_271 : memref<128x32xf32, #tpu.memory_space<vmem>>) offsets(%dma_start3A_274 : memref<128xi32, #tpu.memory_space<vmem>>) semaphore(%arg9 : memref<!tpu.dma_semaphore, #tpu.memory_space<semaphore_mem>>)
      %dma_start3A_278 = arith.constant 3 : i32
      %dma_start3A_279 = arith.constant 384 : i32
      %dma_start3A_280 = arith.constant 0 : i32
      %dma_start3A_281 = tpu.memref_slice %arg8[%dma_start3A_279, %dma_start3A_280] : memref<1280x32xf32, #tpu.memory_space<vmem>> -> memref<128x32xf32, #tpu.memory_space<vmem>>
      %dma_start3A_282 = arith.constant 0 : i32
      %dma_start3A_283 = tpu.memref_slice %arg6[%dma_start3A_278, %dma_start3A_282] : memref<10x128xi32, #tpu.memory_space<vmem>> -> memref<1x128xi32, #tpu.memory_space<vmem>>
      %dma_start3A_284 = tpu.memref_squeeze %dma_start3A_283 : memref<1x128xi32, #tpu.memory_space<vmem>> -> memref<128xi32, #tpu.memory_space<vmem>>
      %dma_start3A_285 = arith.constant 0 : i32
      %dma_start3A_286 = arith.constant 0 : i32
      %dma_start3A_287 = tpu.memref_slice %arg2[%dma_start3A_285, %dma_start3A_286] : memref<1015808x32xf32, #tpu.memory_space<hbm>> -> memref<1015808x32xf32, #tpu.memory_space<hbm>>
      tpu.enqueue_indirect_dma source(%dma_start3A_287 : memref<1015808x32xf32, #tpu.memory_space<hbm>>) target(%dma_start3A_281 : memref<128x32xf32, #tpu.memory_space<vmem>>) offsets(%dma_start3A_284 : memref<128xi32, #tpu.memory_space<vmem>>) semaphore(%arg9 : memref<!tpu.dma_semaphore, #tpu.memory_space<semaphore_mem>>)
      %dma_start3A_288 = arith.constant 4 : i32
      %dma_start3A_289 = arith.constant 512 : i32
      %dma_start3A_290 = arith.constant 0 : i32
      %dma_start3A_291 = tpu.memref_slice %arg8[%dma_start3A_289, %dma_start3A_290] : memref<1280x32xf32, #tpu.memory_space<vmem>> -> memref<128x32xf32, #tpu.memory_space<vmem>>
      %dma_start3A_292 = arith.constant 0 : i32
      %dma_start3A_293 = tpu.memref_slice %arg6[%dma_start3A_288, %dma_start3A_292] : memref<10x128xi32, #tpu.memory_space<vmem>> -> memref<1x128xi32, #tpu.memory_space<vmem>>
      %dma_start3A_294 = tpu.memref_squeeze %dma_start3A_293 : memref<1x128xi32, #tpu.memory_space<vmem>> -> memref<128xi32, #tpu.memory_space<vmem>>
      %dma_start3A_295 = arith.constant 0 : i32
      %dma_start3A_296 = arith.constant 0 : i32
      %dma_start3A_297 = tpu.memref_slice %arg2[%dma_start3A_295, %dma_start3A_296] : memref<1015808x32xf32, #tpu.memory_space<hbm>> -> memref<1015808x32xf32, #tpu.memory_space<hbm>>
      tpu.enqueue_indirect_dma source(%dma_start3A_297 : memref<1015808x32xf32, #tpu.memory_space<hbm>>) target(%dma_start3A_291 : memref<128x32xf32, #tpu.memory_space<vmem>>) offsets(%dma_start3A_294 : memref<128xi32, #tpu.memory_space<vmem>>) semaphore(%arg9 : memref<!tpu.dma_semaphore, #tpu.memory_space<semaphore_mem>>)
      %dma_start3A_298 = arith.constant 5 : i32
      %dma_start3A_299 = arith.constant 640 : i32
      %dma_start3A_300 = arith.constant 0 : i32
      %dma_start3A_301 = tpu.memref_slice %arg8[%dma_start3A_299, %dma_start3A_300] : memref<1280x32xf32, #tpu.memory_space<vmem>> -> memref<128x32xf32, #tpu.memory_space<vmem>>
      %dma_start3A_302 = arith.constant 0 : i32
      %dma_start3A_303 = tpu.memref_slice %arg6[%dma_start3A_298, %dma_start3A_302] : memref<10x128xi32, #tpu.memory_space<vmem>> -> memref<1x128xi32, #tpu.memory_space<vmem>>
      %dma_start3A_304 = tpu.memref_squeeze %dma_start3A_303 : memref<1x128xi32, #tpu.memory_space<vmem>> -> memref<128xi32, #tpu.memory_space<vmem>>
      %dma_start3A_305 = arith.constant 0 : i32
      %dma_start3A_306 = arith.constant 0 : i32
      %dma_start3A_307 = tpu.memref_slice %arg2[%dma_start3A_305, %dma_start3A_306] : memref<1015808x32xf32, #tpu.memory_space<hbm>> -> memref<1015808x32xf32, #tpu.memory_space<hbm>>
      tpu.enqueue_indirect_dma source(%dma_start3A_307 : memref<1015808x32xf32, #tpu.memory_space<hbm>>) target(%dma_start3A_301 : memref<128x32xf32, #tpu.memory_space<vmem>>) offsets(%dma_start3A_304 : memref<128xi32, #tpu.memory_space<vmem>>) semaphore(%arg9 : memref<!tpu.dma_semaphore, #tpu.memory_space<semaphore_mem>>)
      %dma_start3A_308 = arith.constant 6 : i32
      %dma_start3A_309 = arith.constant 768 : i32
      %dma_start3A_310 = arith.constant 0 : i32
      %dma_start3A_311 = tpu.memref_slice %arg8[%dma_start3A_309, %dma_start3A_310] : memref<1280x32xf32, #tpu.memory_space<vmem>> -> memref<128x32xf32, #tpu.memory_space<vmem>>
      %dma_start3A_312 = arith.constant 0 : i32
      %dma_start3A_313 = tpu.memref_slice %arg6[%dma_start3A_308, %dma_start3A_312] : memref<10x128xi32, #tpu.memory_space<vmem>> -> memref<1x128xi32, #tpu.memory_space<vmem>>
      %dma_start3A_314 = tpu.memref_squeeze %dma_start3A_313 : memref<1x128xi32, #tpu.memory_space<vmem>> -> memref<128xi32, #tpu.memory_space<vmem>>
      %dma_start3A_315 = arith.constant 0 : i32
      %dma_start3A_316 = arith.constant 0 : i32
      %dma_start3A_317 = tpu.memref_slice %arg2[%dma_start3A_315, %dma_start3A_316] : memref<1015808x32xf32, #tpu.memory_space<hbm>> -> memref<1015808x32xf32, #tpu.memory_space<hbm>>
      tpu.enqueue_indirect_dma source(%dma_start3A_317 : memref<1015808x32xf32, #tpu.memory_space<hbm>>) target(%dma_start3A_311 : memref<128x32xf32, #tpu.memory_space<vmem>>) offsets(%dma_start3A_314 : memref<128xi32, #tpu.memory_space<vmem>>) semaphore(%arg9 : memref<!tpu.dma_semaphore, #tpu.memory_space<semaphore_mem>>)
      %dma_start3A_318 = arith.constant 7 : i32
      %dma_start3A_319 = arith.constant 896 : i32
      %dma_start3A_320 = arith.constant 0 : i32
      %dma_start3A_321 = tpu.memref_slice %arg8[%dma_start3A_319, %dma_start3A_320] : memref<1280x32xf32, #tpu.memory_space<vmem>> -> memref<128x32xf32, #tpu.memory_space<vmem>>
      %dma_start3A_322 = arith.constant 0 : i32
      %dma_start3A_323 = tpu.memref_slice %arg6[%dma_start3A_318, %dma_start3A_322] : memref<10x128xi32, #tpu.memory_space<vmem>> -> memref<1x128xi32, #tpu.memory_space<vmem>>
      %dma_start3A_324 = tpu.memref_squeeze %dma_start3A_323 : memref<1x128xi32, #tpu.memory_space<vmem>> -> memref<128xi32, #tpu.memory_space<vmem>>
      %dma_start3A_325 = arith.constant 0 : i32
      %dma_start3A_326 = arith.constant 0 : i32
      %dma_start3A_327 = tpu.memref_slice %arg2[%dma_start3A_325, %dma_start3A_326] : memref<1015808x32xf32, #tpu.memory_space<hbm>> -> memref<1015808x32xf32, #tpu.memory_space<hbm>>
      tpu.enqueue_indirect_dma source(%dma_start3A_327 : memref<1015808x32xf32, #tpu.memory_space<hbm>>) target(%dma_start3A_321 : memref<128x32xf32, #tpu.memory_space<vmem>>) offsets(%dma_start3A_324 : memref<128xi32, #tpu.memory_space<vmem>>) semaphore(%arg9 : memref<!tpu.dma_semaphore, #tpu.memory_space<semaphore_mem>>)
      %dma_start3A_328 = arith.constant 8 : i32
      %dma_start3A_329 = arith.constant 1024 : i32
      %dma_start3A_330 = arith.constant 0 : i32
      %dma_start3A_331 = tpu.memref_slice %arg8[%dma_start3A_329, %dma_start3A_330] : memref<1280x32xf32, #tpu.memory_space<vmem>> -> memref<128x32xf32, #tpu.memory_space<vmem>>
      %dma_start3A_332 = arith.constant 0 : i32
      %dma_start3A_333 = tpu.memref_slice %arg6[%dma_start3A_328, %dma_start3A_332] : memref<10x128xi32, #tpu.memory_space<vmem>> -> memref<1x128xi32, #tpu.memory_space<vmem>>
      %dma_start3A_334 = tpu.memref_squeeze %dma_start3A_333 : memref<1x128xi32, #tpu.memory_space<vmem>> -> memref<128xi32, #tpu.memory_space<vmem>>
      %dma_start3A_335 = arith.constant 0 : i32
      %dma_start3A_336 = arith.constant 0 : i32
      %dma_start3A_337 = tpu.memref_slice %arg2[%dma_start3A_335, %dma_start3A_336] : memref<1015808x32xf32, #tpu.memory_space<hbm>> -> memref<1015808x32xf32, #tpu.memory_space<hbm>>
      tpu.enqueue_indirect_dma source(%dma_start3A_337 : memref<1015808x32xf32, #tpu.memory_space<hbm>>) target(%dma_start3A_331 : memref<128x32xf32, #tpu.memory_space<vmem>>) offsets(%dma_start3A_334 : memref<128xi32, #tpu.memory_space<vmem>>) semaphore(%arg9 : memref<!tpu.dma_semaphore, #tpu.memory_space<semaphore_mem>>)
      %dma_start3A_338 = arith.constant 9 : i32
      %dma_start3A_339 = arith.constant 1152 : i32
      %dma_start3A_340 = arith.constant 0 : i32
      %dma_start3A_341 = tpu.memref_slice %arg8[%dma_start3A_339, %dma_start3A_340] : memref<1280x32xf32, #tpu.memory_space<vmem>> -> memref<128x32xf32, #tpu.memory_space<vmem>>
      %dma_start3A_342 = arith.constant 0 : i32
      %dma_start3A_343 = tpu.memref_slice %arg6[%dma_start3A_338, %dma_start3A_342] : memref<10x128xi32, #tpu.memory_space<vmem>> -> memref<1x128xi32, #tpu.memory_space<vmem>>
      %dma_start3A_344 = tpu.memref_squeeze %dma_start3A_343 : memref<1x128xi32, #tpu.memory_space<vmem>> -> memref<128xi32, #tpu.memory_space<vmem>>
      %dma_start3A_345 = arith.constant 0 : i32
      %dma_start3A_346 = arith.constant 0 : i32
      %dma_start3A_347 = tpu.memref_slice %arg2[%dma_start3A_345, %dma_start3A_346] : memref<1015808x32xf32, #tpu.memory_space<hbm>> -> memref<1015808x32xf32, #tpu.memory_space<hbm>>
      tpu.enqueue_indirect_dma source(%dma_start3A_347 : memref<1015808x32xf32, #tpu.memory_space<hbm>>) target(%dma_start3A_341 : memref<128x32xf32, #tpu.memory_space<vmem>>) offsets(%dma_start3A_344 : memref<128xi32, #tpu.memory_space<vmem>>) semaphore(%arg9 : memref<!tpu.dma_semaphore, #tpu.memory_space<semaphore_mem>>)
      %dma_wait3A_348 = arith.constant 0 : i32
      %dma_wait3A_349 = arith.constant 0 : i32
      %dma_wait3A_350 = arith.constant 0 : i32
      %dma_wait3A_351 = tpu.memref_slice %arg8[%dma_wait3A_349, %dma_wait3A_350] : memref<1280x32xf32, #tpu.memory_space<vmem>> -> memref<128x32xf32, #tpu.memory_space<vmem>>
      %dma_wait3A_352 = arith.constant 0 : i32
      %dma_wait3A_353 = tpu.memref_slice %arg6[%dma_wait3A_348, %dma_wait3A_352] : memref<10x128xi32, #tpu.memory_space<vmem>> -> memref<1x128xi32, #tpu.memory_space<vmem>>
      %dma_wait3A_354 = tpu.memref_squeeze %dma_wait3A_353 : memref<1x128xi32, #tpu.memory_space<vmem>> -> memref<128xi32, #tpu.memory_space<vmem>>
      %dma_wait3A_355 = arith.constant 0 : i32
      %dma_wait3A_356 = arith.constant 0 : i32
      %dma_wait3A_357 = tpu.memref_slice %arg2[%dma_wait3A_355, %dma_wait3A_356] : memref<1015808x32xf32, #tpu.memory_space<hbm>> -> memref<1015808x32xf32, #tpu.memory_space<hbm>>
      tpu.wait_indirect_dma semaphore(%arg9 : memref<!tpu.dma_semaphore, #tpu.memory_space<semaphore_mem>>) src(%dma_wait3A_357 : memref<1015808x32xf32, #tpu.memory_space<hbm>>) dst(%dma_wait3A_351 : memref<128x32xf32, #tpu.memory_space<vmem>>)
      %dma_wait3A_358 = arith.constant 1 : i32
      %dma_wait3A_359 = arith.constant 128 : i32
      %dma_wait3A_360 = arith.constant 0 : i32
      %dma_wait3A_361 = tpu.memref_slice %arg8[%dma_wait3A_359, %dma_wait3A_360] : memref<1280x32xf32, #tpu.memory_space<vmem>> -> memref<128x32xf32, #tpu.memory_space<vmem>>
      %dma_wait3A_362 = arith.constant 0 : i32
      %dma_wait3A_363 = tpu.memref_slice %arg6[%dma_wait3A_358, %dma_wait3A_362] : memref<10x128xi32, #tpu.memory_space<vmem>> -> memref<1x128xi32, #tpu.memory_space<vmem>>
      %dma_wait3A_364 = tpu.memref_squeeze %dma_wait3A_363 : memref<1x128xi32, #tpu.memory_space<vmem>> -> memref<128xi32, #tpu.memory_space<vmem>>
      %dma_wait3A_365 = arith.constant 0 : i32
      %dma_wait3A_366 = arith.constant 0 : i32
      %dma_wait3A_367 = tpu.memref_slice %arg2[%dma_wait3A_365, %dma_wait3A_366] : memref<1015808x32xf32, #tpu.memory_space<hbm>> -> memref<1015808x32xf32, #tpu.memory_space<hbm>>
      tpu.wait_indirect_dma semaphore(%arg9 : memref<!tpu.dma_semaphore, #tpu.memory_space<semaphore_mem>>) src(%dma_wait3A_367 : memref<1015808x32xf32, #tpu.memory_space<hbm>>) dst(%dma_wait3A_361 : memref<128x32xf32, #tpu.memory_space<vmem>>)
      %dma_wait3A_368 = arith.constant 2 : i32
      %dma_wait3A_369 = arith.constant 256 : i32
      %dma_wait3A_370 = arith.constant 0 : i32
      %dma_wait3A_371 = tpu.memref_slice %arg8[%dma_wait3A_369, %dma_wait3A_370] : memref<1280x32xf32, #tpu.memory_space<vmem>> -> memref<128x32xf32, #tpu.memory_space<vmem>>
      %dma_wait3A_372 = arith.constant 0 : i32
      %dma_wait3A_373 = tpu.memref_slice %arg6[%dma_wait3A_368, %dma_wait3A_372] : memref<10x128xi32, #tpu.memory_space<vmem>> -> memref<1x128xi32, #tpu.memory_space<vmem>>
      %dma_wait3A_374 = tpu.memref_squeeze %dma_wait3A_373 : memref<1x128xi32, #tpu.memory_space<vmem>> -> memref<128xi32, #tpu.memory_space<vmem>>
      %dma_wait3A_375 = arith.constant 0 : i32
      %dma_wait3A_376 = arith.constant 0 : i32
      %dma_wait3A_377 = tpu.memref_slice %arg2[%dma_wait3A_375, %dma_wait3A_376] : memref<1015808x32xf32, #tpu.memory_space<hbm>> -> memref<1015808x32xf32, #tpu.memory_space<hbm>>
      tpu.wait_indirect_dma semaphore(%arg9 : memref<!tpu.dma_semaphore, #tpu.memory_space<semaphore_mem>>) src(%dma_wait3A_377 : memref<1015808x32xf32, #tpu.memory_space<hbm>>) dst(%dma_wait3A_371 : memref<128x32xf32, #tpu.memory_space<vmem>>)
      %dma_wait3A_378 = arith.constant 3 : i32
      %dma_wait3A_379 = arith.constant 384 : i32
      %dma_wait3A_380 = arith.constant 0 : i32
      %dma_wait3A_381 = tpu.memref_slice %arg8[%dma_wait3A_379, %dma_wait3A_380] : memref<1280x32xf32, #tpu.memory_space<vmem>> -> memref<128x32xf32, #tpu.memory_space<vmem>>
      %dma_wait3A_382 = arith.constant 0 : i32
      %dma_wait3A_383 = tpu.memref_slice %arg6[%dma_wait3A_378, %dma_wait3A_382] : memref<10x128xi32, #tpu.memory_space<vmem>> -> memref<1x128xi32, #tpu.memory_space<vmem>>
      %dma_wait3A_384 = tpu.memref_squeeze %dma_wait3A_383 : memref<1x128xi32, #tpu.memory_space<vmem>> -> memref<128xi32, #tpu.memory_space<vmem>>
      %dma_wait3A_385 = arith.constant 0 : i32
      %dma_wait3A_386 = arith.constant 0 : i32
      %dma_wait3A_387 = tpu.memref_slice %arg2[%dma_wait3A_385, %dma_wait3A_386] : memref<1015808x32xf32, #tpu.memory_space<hbm>> -> memref<1015808x32xf32, #tpu.memory_space<hbm>>
      tpu.wait_indirect_dma semaphore(%arg9 : memref<!tpu.dma_semaphore, #tpu.memory_space<semaphore_mem>>) src(%dma_wait3A_387 : memref<1015808x32xf32, #tpu.memory_space<hbm>>) dst(%dma_wait3A_381 : memref<128x32xf32, #tpu.memory_space<vmem>>)
      %dma_wait3A_388 = arith.constant 4 : i32
      %dma_wait3A_389 = arith.constant 512 : i32
      %dma_wait3A_390 = arith.constant 0 : i32
      %dma_wait3A_391 = tpu.memref_slice %arg8[%dma_wait3A_389, %dma_wait3A_390] : memref<1280x32xf32, #tpu.memory_space<vmem>> -> memref<128x32xf32, #tpu.memory_space<vmem>>
      %dma_wait3A_392 = arith.constant 0 : i32
      %dma_wait3A_393 = tpu.memref_slice %arg6[%dma_wait3A_388, %dma_wait3A_392] : memref<10x128xi32, #tpu.memory_space<vmem>> -> memref<1x128xi32, #tpu.memory_space<vmem>>
      %dma_wait3A_394 = tpu.memref_squeeze %dma_wait3A_393 : memref<1x128xi32, #tpu.memory_space<vmem>> -> memref<128xi32, #tpu.memory_space<vmem>>
      %dma_wait3A_395 = arith.constant 0 : i32
      %dma_wait3A_396 = arith.constant 0 : i32
      %dma_wait3A_397 = tpu.memref_slice %arg2[%dma_wait3A_395, %dma_wait3A_396] : memref<1015808x32xf32, #tpu.memory_space<hbm>> -> memref<1015808x32xf32, #tpu.memory_space<hbm>>
      tpu.wait_indirect_dma semaphore(%arg9 : memref<!tpu.dma_semaphore, #tpu.memory_space<semaphore_mem>>) src(%dma_wait3A_397 : memref<1015808x32xf32, #tpu.memory_space<hbm>>) dst(%dma_wait3A_391 : memref<128x32xf32, #tpu.memory_space<vmem>>)
      %dma_wait3A_398 = arith.constant 5 : i32
      %dma_wait3A_399 = arith.constant 640 : i32
      %dma_wait3A_400 = arith.constant 0 : i32
      %dma_wait3A_401 = tpu.memref_slice %arg8[%dma_wait3A_399, %dma_wait3A_400] : memref<1280x32xf32, #tpu.memory_space<vmem>> -> memref<128x32xf32, #tpu.memory_space<vmem>>
      %dma_wait3A_402 = arith.constant 0 : i32
      %dma_wait3A_403 = tpu.memref_slice %arg6[%dma_wait3A_398, %dma_wait3A_402] : memref<10x128xi32, #tpu.memory_space<vmem>> -> memref<1x128xi32, #tpu.memory_space<vmem>>
      %dma_wait3A_404 = tpu.memref_squeeze %dma_wait3A_403 : memref<1x128xi32, #tpu.memory_space<vmem>> -> memref<128xi32, #tpu.memory_space<vmem>>
      %dma_wait3A_405 = arith.constant 0 : i32
      %dma_wait3A_406 = arith.constant 0 : i32
      %dma_wait3A_407 = tpu.memref_slice %arg2[%dma_wait3A_405, %dma_wait3A_406] : memref<1015808x32xf32, #tpu.memory_space<hbm>> -> memref<1015808x32xf32, #tpu.memory_space<hbm>>
      tpu.wait_indirect_dma semaphore(%arg9 : memref<!tpu.dma_semaphore, #tpu.memory_space<semaphore_mem>>) src(%dma_wait3A_407 : memref<1015808x32xf32, #tpu.memory_space<hbm>>) dst(%dma_wait3A_401 : memref<128x32xf32, #tpu.memory_space<vmem>>)
      %dma_wait3A_408 = arith.constant 6 : i32
      %dma_wait3A_409 = arith.constant 768 : i32
      %dma_wait3A_410 = arith.constant 0 : i32
      %dma_wait3A_411 = tpu.memref_slice %arg8[%dma_wait3A_409, %dma_wait3A_410] : memref<1280x32xf32, #tpu.memory_space<vmem>> -> memref<128x32xf32, #tpu.memory_space<vmem>>
      %dma_wait3A_412 = arith.constant 0 : i32
      %dma_wait3A_413 = tpu.memref_slice %arg6[%dma_wait3A_408, %dma_wait3A_412] : memref<10x128xi32, #tpu.memory_space<vmem>> -> memref<1x128xi32, #tpu.memory_space<vmem>>
      %dma_wait3A_414 = tpu.memref_squeeze %dma_wait3A_413 : memref<1x128xi32, #tpu.memory_space<vmem>> -> memref<128xi32, #tpu.memory_space<vmem>>
      %dma_wait3A_415 = arith.constant 0 : i32
      %dma_wait3A_416 = arith.constant 0 : i32
      %dma_wait3A_417 = tpu.memref_slice %arg2[%dma_wait3A_415, %dma_wait3A_416] : memref<1015808x32xf32, #tpu.memory_space<hbm>> -> memref<1015808x32xf32, #tpu.memory_space<hbm>>
      tpu.wait_indirect_dma semaphore(%arg9 : memref<!tpu.dma_semaphore, #tpu.memory_space<semaphore_mem>>) src(%dma_wait3A_417 : memref<1015808x32xf32, #tpu.memory_space<hbm>>) dst(%dma_wait3A_411 : memref<128x32xf32, #tpu.memory_space<vmem>>)
      %dma_wait3A_418 = arith.constant 7 : i32
      %dma_wait3A_419 = arith.constant 896 : i32
      %dma_wait3A_420 = arith.constant 0 : i32
      %dma_wait3A_421 = tpu.memref_slice %arg8[%dma_wait3A_419, %dma_wait3A_420] : memref<1280x32xf32, #tpu.memory_space<vmem>> -> memref<128x32xf32, #tpu.memory_space<vmem>>
      %dma_wait3A_422 = arith.constant 0 : i32
      %dma_wait3A_423 = tpu.memref_slice %arg6[%dma_wait3A_418, %dma_wait3A_422] : memref<10x128xi32, #tpu.memory_space<vmem>> -> memref<1x128xi32, #tpu.memory_space<vmem>>
      %dma_wait3A_424 = tpu.memref_squeeze %dma_wait3A_423 : memref<1x128xi32, #tpu.memory_space<vmem>> -> memref<128xi32, #tpu.memory_space<vmem>>
      %dma_wait3A_425 = arith.constant 0 : i32
      %dma_wait3A_426 = arith.constant 0 : i32
      %dma_wait3A_427 = tpu.memref_slice %arg2[%dma_wait3A_425, %dma_wait3A_426] : memref<1015808x32xf32, #tpu.memory_space<hbm>> -> memref<1015808x32xf32, #tpu.memory_space<hbm>>
      tpu.wait_indirect_dma semaphore(%arg9 : memref<!tpu.dma_semaphore, #tpu.memory_space<semaphore_mem>>) src(%dma_wait3A_427 : memref<1015808x32xf32, #tpu.memory_space<hbm>>) dst(%dma_wait3A_421 : memref<128x32xf32, #tpu.memory_space<vmem>>)
      %dma_wait3A_428 = arith.constant 8 : i32
      %dma_wait3A_429 = arith.constant 1024 : i32
      %dma_wait3A_430 = arith.constant 0 : i32
      %dma_wait3A_431 = tpu.memref_slice %arg8[%dma_wait3A_429, %dma_wait3A_430] : memref<1280x32xf32, #tpu.memory_space<vmem>> -> memref<128x32xf32, #tpu.memory_space<vmem>>
      %dma_wait3A_432 = arith.constant 0 : i32
      %dma_wait3A_433 = tpu.memref_slice %arg6[%dma_wait3A_428, %dma_wait3A_432] : memref<10x128xi32, #tpu.memory_space<vmem>> -> memref<1x128xi32, #tpu.memory_space<vmem>>
      %dma_wait3A_434 = tpu.memref_squeeze %dma_wait3A_433 : memref<1x128xi32, #tpu.memory_space<vmem>> -> memref<128xi32, #tpu.memory_space<vmem>>
      %dma_wait3A_435 = arith.constant 0 : i32
      %dma_wait3A_436 = arith.constant 0 : i32
      %dma_wait3A_437 = tpu.memref_slice %arg2[%dma_wait3A_435, %dma_wait3A_436] : memref<1015808x32xf32, #tpu.memory_space<hbm>> -> memref<1015808x32xf32, #tpu.memory_space<hbm>>
      tpu.wait_indirect_dma semaphore(%arg9 : memref<!tpu.dma_semaphore, #tpu.memory_space<semaphore_mem>>) src(%dma_wait3A_437 : memref<1015808x32xf32, #tpu.memory_space<hbm>>) dst(%dma_wait3A_431 : memref<128x32xf32, #tpu.memory_space<vmem>>)
      %dma_wait3A_438 = arith.constant 9 : i32
      %dma_wait3A_439 = arith.constant 1152 : i32
      %dma_wait3A_440 = arith.constant 0 : i32
      %dma_wait3A_441 = tpu.memref_slice %arg8[%dma_wait3A_439, %dma_wait3A_440] : memref<1280x32xf32, #tpu.memory_space<vmem>> -> memref<128x32xf32, #tpu.memory_space<vmem>>
      %dma_wait3A_442 = arith.constant 0 : i32
      %dma_wait3A_443 = tpu.memref_slice %arg6[%dma_wait3A_438, %dma_wait3A_442] : memref<10x128xi32, #tpu.memory_space<vmem>> -> memref<1x128xi32, #tpu.memory_space<vmem>>
      %dma_wait3A_444 = tpu.memref_squeeze %dma_wait3A_443 : memref<1x128xi32, #tpu.memory_space<vmem>> -> memref<128xi32, #tpu.memory_space<vmem>>
      %dma_wait3A_445 = arith.constant 0 : i32
      %dma_wait3A_446 = arith.constant 0 : i32
      %dma_wait3A_447 = tpu.memref_slice %arg2[%dma_wait3A_445, %dma_wait3A_446] : memref<1015808x32xf32, #tpu.memory_space<hbm>> -> memref<1015808x32xf32, #tpu.memory_space<hbm>>
      tpu.wait_indirect_dma semaphore(%arg9 : memref<!tpu.dma_semaphore, #tpu.memory_space<semaphore_mem>>) src(%dma_wait3A_447 : memref<1015808x32xf32, #tpu.memory_space<hbm>>) dst(%dma_wait3A_441 : memref<128x32xf32, #tpu.memory_space<vmem>>)
      %mul3A_448 = arith.constant 1280 : i32
      %mul3A_449 = arith.muli %add3A_237, %mul3A_448 : i32
      %add3A_450 = arith.addi %mul3A_2, %mul3A_449 : i32
      %dma_start3A_451 = arith.constant 0 : i32
      %dma_start3A_452 = tpu.memref_slice %arg4[%add3A_450, %dma_start3A_451] : memref<409600x32xf32, #tpu.memory_space<hbm>> -> memref<1280x32xf32, #tpu.memory_space<hbm>>
      %dma_start3A_453 = arith.constant 0 : i32
      %dma_start3A_454 = tpu.memref_slice %arg4[%add3A_450, %dma_start3A_453] : memref<409600x32xf32, #tpu.memory_space<hbm>> -> memref<1280x32xf32, #tpu.memory_space<hbm>>
      tpu.enqueue_dma source(%arg8 : memref<1280x32xf32, #tpu.memory_space<vmem>>) target(%dma_start3A_454 : memref<1280x32xf32, #tpu.memory_space<hbm>>) target_semaphore(%arg11 : memref<!tpu.dma_semaphore, #tpu.memory_space<semaphore_mem>>)
    }
    %scan3A_11 = arith.constant 5 : i32
    %dma_wait3A = arith.constant 0 : i32
    %dma_wait3A_12 = tpu.memref_slice %arg4[%mul3A_2, %dma_wait3A] : memref<409600x32xf32, #tpu.memory_space<hbm>> -> memref<1280x32xf32, #tpu.memory_space<hbm>>
    %dma_wait3A_13 = arith.constant 0 : i32
    %dma_wait3A_14 = tpu.memref_slice %arg4[%mul3A_2, %dma_wait3A_13] : memref<409600x32xf32, #tpu.memory_space<hbm>> -> memref<1280x32xf32, #tpu.memory_space<hbm>>
    tpu.wait_dma2 semaphore(%arg10 : memref<!tpu.dma_semaphore, #tpu.memory_space<semaphore_mem>>) src(%arg7 : memref<1280x32xf32, #tpu.memory_space<vmem>>) dst(%dma_wait3A_14 : memref<1280x32xf32, #tpu.memory_space<hbm>>)
    %dma_wait3A_15 = arith.constant 0 : i32
    %dma_wait3A_16 = tpu.memref_slice %arg4[%mul3A_2, %dma_wait3A_15] : memref<409600x32xf32, #tpu.memory_space<hbm>> -> memref<1280x32xf32, #tpu.memory_space<hbm>>
    %dma_wait3A_17 = arith.constant 0 : i32
    %dma_wait3A_18 = tpu.memref_slice %arg4[%mul3A_2, %dma_wait3A_17] : memref<409600x32xf32, #tpu.memory_space<hbm>> -> memref<1280x32xf32, #tpu.memory_space<hbm>>
    tpu.wait_dma2 semaphore(%arg11 : memref<!tpu.dma_semaphore, #tpu.memory_space<semaphore_mem>>) src(%arg8 : memref<1280x32xf32, #tpu.memory_space<vmem>>) dst(%dma_wait3A_18 : memref<1280x32xf32, #tpu.memory_space<hbm>>)
    return
  }
}

#map = affine_map<(d0, d1) -> (0, 0)>
module attributes {stable_mosaic.version = 14 : i64} {
  func.func @k(%arg0: i32, %arg1: i32, %arg2: memref<1015808x32xf32, #tpu.memory_space<hbm>>, %arg3: memref<6400x128xi32, #tpu.memory_space<hbm>>, %arg4: memref<409600x32xf32, #tpu.memory_space<hbm>>, %arg5: memref<10x128xi32, #tpu.memory_space<vmem>>, %arg6: memref<10x128xi32, #tpu.memory_space<vmem>>, %arg7: memref<1280x32xf32, #tpu.memory_space<vmem>>, %arg8: memref<1280x32xf32, #tpu.memory_space<vmem>>, %arg9: memref<!tpu.dma_semaphore, #tpu.memory_space<semaphore_mem>>, %arg10: memref<!tpu.dma_semaphore, #tpu.memory_space<semaphore_mem>>, %arg11: memref<!tpu.dma_semaphore, #tpu.memory_space<semaphore_mem>>) attributes {dimension_semantics = [#tpu.dimension_semantics<core_parallel>, #tpu.dimension_semantics<subcore_parallel>], iteration_bounds = array<i64: 2, 16>, scalar_prefetch = 0 : i64, scratch_operands = 7 : i64, tpu.core_type = #tpu.core_type<sc_vector_subcore>, window_params = [{transform_indices = #map}, {transform_indices = #map}, {transform_indices = #map}]} {
    %mul3A = arith.constant 2 : i32
    %mul3A_0 = arith.muli %arg1, %mul3A : i32
    %add3A = arith.addi %mul3A_0, %arg0 : i32
    %mul3A_1 = arith.constant 12800 : i32
    %mul3A_2 = arith.muli %add3A, %mul3A_1 : i32
    %mul3A_3 = arith.constant 100 : i32
    %mul3A_4 = arith.muli %add3A, %mul3A_3 : i32
    %add3A_5 = arith.constant 3200 : i32
    %add3A_6 = arith.addi %add3A_5, %mul3A_4 : i32
    %scan3A = arith.constant 0 : i32
    %scan3A_7 = arith.constant 0 : i32
    %scan3A_8 = arith.constant 5 : i32
    %scan3A_9 = arith.addi %scan3A_7, %scan3A_8 : i32
    %scan3A_10 = arith.constant 1 : i32
    scf.for %scan3A_19 = %scan3A_7 to %scan3A_9 step %scan3A_10  : i32 {
      %mul3A_20 = arith.constant 2 : i32
      %mul3A_21 = arith.muli %mul3A_20, %scan3A_19 : i32
      %eq3A = arith.constant 0 : i32
      %eq3A_22 = arith.cmpi eq, %scan3A_19, %eq3A : i32
      %not3A = arith.constant true
      %not3A_23 = arith.xori %eq3A_22, %not3A : i1
      %convert_element_type3A = arith.extui %not3A_23 : i1 to i32
      %cond3A = arith.constant 0 : i32
      %cond3A_24 = arith.cmpi ne, %convert_element_type3A, %cond3A : i32
      scf.if %cond3A_24 {
        %dma_wait3A_455 = arith.constant 0 : i32
        %dma_wait3A_456 = tpu.memref_slice %arg4[%mul3A_2, %dma_wait3A_455] : memref<409600x32xf32, #tpu.memory_space<hbm>> -> memref<1280x32xf32, #tpu.memory_space<hbm>>
        %dma_wait3A_457 = arith.constant 0 : i32
        %dma_wait3A_458 = tpu.memref_slice %arg4[%mul3A_2, %dma_wait3A_457] : memref<409600x32xf32, #tpu.memory_space<hbm>> -> memref<1280x32xf32, #tpu.memory_space<hbm>>
        tpu.wait_dma2 semaphore(%arg10 : memref<!tpu.dma_semaphore, #tpu.memory_space<semaphore_mem>>) src(%arg7 : memref<1280x32xf32, #tpu.memory_space<vmem>>) dst(%dma_wait3A_458 : memref<1280x32xf32, #tpu.memory_space<hbm>>)
      } else {
      }
      %mul3A_25 = arith.constant 10 : i32
      %mul3A_26 = arith.muli %mul3A_21, %mul3A_25 : i32
      %add3A_27 = arith.addi %add3A_6, %mul3A_26 : i32
      "tpu.region"() ({
        %run_scoped3A = tpu.sem_alloc : memref<!tpu.dma_semaphore, #tpu.memory_space<semaphore_mem>>
        %dma_start3A_455 = arith.constant 0 : i32
        %dma_start3A_456 = tpu.memref_slice %arg3[%add3A_27, %dma_start3A_455] : memref<6400x128xi32, #tpu.memory_space<hbm>> -> memref<10x128xi32, #tpu.memory_space<hbm>>
        %dma_start3A_457 = arith.constant 0 : i32
        %dma_start3A_458 = tpu.memref_slice %arg3[%add3A_27, %dma_start3A_457] : memref<6400x128xi32, #tpu.memory_space<hbm>> -> memref<10x128xi32, #tpu.memory_space<hbm>>
        tpu.enqueue_dma source(%dma_start3A_458 : memref<10x128xi32, #tpu.memory_space<hbm>>) target(%arg5 : memref<10x128xi32, #tpu.memory_space<vmem>>) target_semaphore(%run_scoped3A : memref<!tpu.dma_semaphore, #tpu.memory_space<semaphore_mem>>)
        %dma_wait3A_459 = arith.constant 0 : i32
        %dma_wait3A_460 = tpu.memref_slice %arg3[%add3A_27, %dma_wait3A_459] : memref<6400x128xi32, #tpu.memory_space<hbm>> -> memref<10x128xi32, #tpu.memory_space<hbm>>
        %dma_wait3A_461 = arith.constant 0 : i32
        %dma_wait3A_462 = tpu.memref_slice %arg3[%add3A_27, %dma_wait3A_461] : memref<6400x128xi32, #tpu.memory_space<hbm>> -> memref<10x128xi32, #tpu.memory_space<hbm>>
        tpu.wait_dma2 semaphore(%run_scoped3A : memref<!tpu.dma_semaphore, #tpu.memory_space<semaphore_mem>>) src(%dma_wait3A_462 : memref<10x128xi32, #tpu.memory_space<hbm>>) dst(%arg5 : memref<10x128xi32, #tpu.memory_space<vmem>>)
        tpu.yield
      }) : () -> ()
      %dma_start3A = arith.constant 0 : i32
      %dma_start3A_28 = arith.constant 0 : i32
      %dma_start3A_29 = arith.constant 0 : i32
      %dma_start3A_30 = tpu.memref_slice %arg7[%dma_start3A_28, %dma_start3A_29] : memref<1280x32xf32, #tpu.memory_space<vmem>> -> memref<128x32xf32, #tpu.memory_space<vmem>>
      %dma_start3A_31 = arith.constant 0 : i32
      %dma_start3A_32 = tpu.memref_slice %arg5[%dma_start3A, %dma_start3A_31] : memref<10x128xi32, #tpu.memory_space<vmem>> -> memref<1x128xi32, #tpu.memory_space<vmem>>
      %dma_start3A_33 = tpu.memref_squeeze %dma_start3A_32 : memref<1x128xi32, #tpu.memory_space<vmem>> -> memref<128xi32, #tpu.memory_space<vmem>>
      %dma_start3A_34 = arith.constant 0 : i32
      %dma_start3A_35 = arith.constant 0 : i32
      %dma_start3A_36 = tpu.memref_slice %arg2[%dma_start3A_34, %dma_start3A_35] : memref<1015808x32xf32, #tpu.memory_space<hbm>> -> memref<1015808x32xf32, #tpu.memory_space<hbm>>
      tpu.enqueue_indirect_dma source(%dma_start3A_36 : memref<1015808x32xf32, #tpu.memory_space<hbm>>) target(%dma_start3A_30 : memref<128x32xf32, #tpu.memory_space<vmem>>) offsets(%dma_start3A_33 : memref<128xi32, #tpu.memory_space<vmem>>) semaphore(%arg9 : memref<!tpu.dma_semaphore, #tpu.memory_space<semaphore_mem>>)
      %dma_start3A_37 = arith.constant 1 : i32
      %dma_start3A_38 = arith.constant 128 : i32
      %dma_start3A_39 = arith.constant 0 : i32
      %dma_start3A_40 = tpu.memref_slice %arg7[%dma_start3A_38, %dma_start3A_39] : memref<1280x32xf32, #tpu.memory_space<vmem>> -> memref<128x32xf32, #tpu.memory_space<vmem>>
      %dma_start3A_41 = arith.constant 0 : i32
      %dma_start3A_42 = tpu.memref_slice %arg5[%dma_start3A_37, %dma_start3A_41] : memref<10x128xi32, #tpu.memory_space<vmem>> -> memref<1x128xi32, #tpu.memory_space<vmem>>
      %dma_start3A_43 = tpu.memref_squeeze %dma_start3A_42 : memref<1x128xi32, #tpu.memory_space<vmem>> -> memref<128xi32, #tpu.memory_space<vmem>>
      %dma_start3A_44 = arith.constant 0 : i32
      %dma_start3A_45 = arith.constant 0 : i32
      %dma_start3A_46 = tpu.memref_slice %arg2[%dma_start3A_44, %dma_start3A_45] : memref<1015808x32xf32, #tpu.memory_space<hbm>> -> memref<1015808x32xf32, #tpu.memory_space<hbm>>
      tpu.enqueue_indirect_dma source(%dma_start3A_46 : memref<1015808x32xf32, #tpu.memory_space<hbm>>) target(%dma_start3A_40 : memref<128x32xf32, #tpu.memory_space<vmem>>) offsets(%dma_start3A_43 : memref<128xi32, #tpu.memory_space<vmem>>) semaphore(%arg9 : memref<!tpu.dma_semaphore, #tpu.memory_space<semaphore_mem>>)
      %dma_start3A_47 = arith.constant 2 : i32
      %dma_start3A_48 = arith.constant 256 : i32
      %dma_start3A_49 = arith.constant 0 : i32
      %dma_start3A_50 = tpu.memref_slice %arg7[%dma_start3A_48, %dma_start3A_49] : memref<1280x32xf32, #tpu.memory_space<vmem>> -> memref<128x32xf32, #tpu.memory_space<vmem>>
      %dma_start3A_51 = arith.constant 0 : i32
      %dma_start3A_52 = tpu.memref_slice %arg5[%dma_start3A_47, %dma_start3A_51] : memref<10x128xi32, #tpu.memory_space<vmem>> -> memref<1x128xi32, #tpu.memory_space<vmem>>
      %dma_start3A_53 = tpu.memref_squeeze %dma_start3A_52 : memref<1x128xi32, #tpu.memory_space<vmem>> -> memref<128xi32, #tpu.memory_space<vmem>>
      %dma_start3A_54 = arith.constant 0 : i32
      %dma_start3A_55 = arith.constant 0 : i32
      %dma_start3A_56 = tpu.memref_slice %arg2[%dma_start3A_54, %dma_start3A_55] : memref<1015808x32xf32, #tpu.memory_space<hbm>> -> memref<1015808x32xf32, #tpu.memory_space<hbm>>
      tpu.enqueue_indirect_dma source(%dma_start3A_56 : memref<1015808x32xf32, #tpu.memory_space<hbm>>) target(%dma_start3A_50 : memref<128x32xf32, #tpu.memory_space<vmem>>) offsets(%dma_start3A_53 : memref<128xi32, #tpu.memory_space<vmem>>) semaphore(%arg9 : memref<!tpu.dma_semaphore, #tpu.memory_space<semaphore_mem>>)
      %dma_start3A_57 = arith.constant 3 : i32
      %dma_start3A_58 = arith.constant 384 : i32
      %dma_start3A_59 = arith.constant 0 : i32
      %dma_start3A_60 = tpu.memref_slice %arg7[%dma_start3A_58, %dma_start3A_59] : memref<1280x32xf32, #tpu.memory_space<vmem>> -> memref<128x32xf32, #tpu.memory_space<vmem>>
      %dma_start3A_61 = arith.constant 0 : i32
      %dma_start3A_62 = tpu.memref_slice %arg5[%dma_start3A_57, %dma_start3A_61] : memref<10x128xi32, #tpu.memory_space<vmem>> -> memref<1x128xi32, #tpu.memory_space<vmem>>
      %dma_start3A_63 = tpu.memref_squeeze %dma_start3A_62 : memref<1x128xi32, #tpu.memory_space<vmem>> -> memref<128xi32, #tpu.memory_space<vmem>>
      %dma_start3A_64 = arith.constant 0 : i32
      %dma_start3A_65 = arith.constant 0 : i32
      %dma_start3A_66 = tpu.memref_slice %arg2[%dma_start3A_64, %dma_start3A_65] : memref<1015808x32xf32, #tpu.memory_space<hbm>> -> memref<1015808x32xf32, #tpu.memory_space<hbm>>
      tpu.enqueue_indirect_dma source(%dma_start3A_66 : memref<1015808x32xf32, #tpu.memory_space<hbm>>) target(%dma_start3A_60 : memref<128x32xf32, #tpu.memory_space<vmem>>) offsets(%dma_start3A_63 : memref<128xi32, #tpu.memory_space<vmem>>) semaphore(%arg9 : memref<!tpu.dma_semaphore, #tpu.memory_space<semaphore_mem>>)
      %dma_start3A_67 = arith.constant 4 : i32
      %dma_start3A_68 = arith.constant 512 : i32
      %dma_start3A_69 = arith.constant 0 : i32
      %dma_start3A_70 = tpu.memref_slice %arg7[%dma_start3A_68, %dma_start3A_69] : memref<1280x32xf32, #tpu.memory_space<vmem>> -> memref<128x32xf32, #tpu.memory_space<vmem>>
      %dma_start3A_71 = arith.constant 0 : i32
      %dma_start3A_72 = tpu.memref_slice %arg5[%dma_start3A_67, %dma_start3A_71] : memref<10x128xi32, #tpu.memory_space<vmem>> -> memref<1x128xi32, #tpu.memory_space<vmem>>
      %dma_start3A_73 = tpu.memref_squeeze %dma_start3A_72 : memref<1x128xi32, #tpu.memory_space<vmem>> -> memref<128xi32, #tpu.memory_space<vmem>>
      %dma_start3A_74 = arith.constant 0 : i32
      %dma_start3A_75 = arith.constant 0 : i32
      %dma_start3A_76 = tpu.memref_slice %arg2[%dma_start3A_74, %dma_start3A_75] : memref<1015808x32xf32, #tpu.memory_space<hbm>> -> memref<1015808x32xf32, #tpu.memory_space<hbm>>
      tpu.enqueue_indirect_dma source(%dma_start3A_76 : memref<1015808x32xf32, #tpu.memory_space<hbm>>) target(%dma_start3A_70 : memref<128x32xf32, #tpu.memory_space<vmem>>) offsets(%dma_start3A_73 : memref<128xi32, #tpu.memory_space<vmem>>) semaphore(%arg9 : memref<!tpu.dma_semaphore, #tpu.memory_space<semaphore_mem>>)
      %dma_start3A_77 = arith.constant 5 : i32
      %dma_start3A_78 = arith.constant 640 : i32
      %dma_start3A_79 = arith.constant 0 : i32
      %dma_start3A_80 = tpu.memref_slice %arg7[%dma_start3A_78, %dma_start3A_79] : memref<1280x32xf32, #tpu.memory_space<vmem>> -> memref<128x32xf32, #tpu.memory_space<vmem>>
      %dma_start3A_81 = arith.constant 0 : i32
      %dma_start3A_82 = tpu.memref_slice %arg5[%dma_start3A_77, %dma_start3A_81] : memref<10x128xi32, #tpu.memory_space<vmem>> -> memref<1x128xi32, #tpu.memory_space<vmem>>
      %dma_start3A_83 = tpu.memref_squeeze %dma_start3A_82 : memref<1x128xi32, #tpu.memory_space<vmem>> -> memref<128xi32, #tpu.memory_space<vmem>>
      %dma_start3A_84 = arith.constant 0 : i32
      %dma_start3A_85 = arith.constant 0 : i32
      %dma_start3A_86 = tpu.memref_slice %arg2[%dma_start3A_84, %dma_start3A_85] : memref<1015808x32xf32, #tpu.memory_space<hbm>> -> memref<1015808x32xf32, #tpu.memory_space<hbm>>
      tpu.enqueue_indirect_dma source(%dma_start3A_86 : memref<1015808x32xf32, #tpu.memory_space<hbm>>) target(%dma_start3A_80 : memref<128x32xf32, #tpu.memory_space<vmem>>) offsets(%dma_start3A_83 : memref<128xi32, #tpu.memory_space<vmem>>) semaphore(%arg9 : memref<!tpu.dma_semaphore, #tpu.memory_space<semaphore_mem>>)
      %dma_start3A_87 = arith.constant 6 : i32
      %dma_start3A_88 = arith.constant 768 : i32
      %dma_start3A_89 = arith.constant 0 : i32
      %dma_start3A_90 = tpu.memref_slice %arg7[%dma_start3A_88, %dma_start3A_89] : memref<1280x32xf32, #tpu.memory_space<vmem>> -> memref<128x32xf32, #tpu.memory_space<vmem>>
      %dma_start3A_91 = arith.constant 0 : i32
      %dma_start3A_92 = tpu.memref_slice %arg5[%dma_start3A_87, %dma_start3A_91] : memref<10x128xi32, #tpu.memory_space<vmem>> -> memref<1x128xi32, #tpu.memory_space<vmem>>
      %dma_start3A_93 = tpu.memref_squeeze %dma_start3A_92 : memref<1x128xi32, #tpu.memory_space<vmem>> -> memref<128xi32, #tpu.memory_space<vmem>>
      %dma_start3A_94 = arith.constant 0 : i32
      %dma_start3A_95 = arith.constant 0 : i32
      %dma_start3A_96 = tpu.memref_slice %arg2[%dma_start3A_94, %dma_start3A_95] : memref<1015808x32xf32, #tpu.memory_space<hbm>> -> memref<1015808x32xf32, #tpu.memory_space<hbm>>
      tpu.enqueue_indirect_dma source(%dma_start3A_96 : memref<1015808x32xf32, #tpu.memory_space<hbm>>) target(%dma_start3A_90 : memref<128x32xf32, #tpu.memory_space<vmem>>) offsets(%dma_start3A_93 : memref<128xi32, #tpu.memory_space<vmem>>) semaphore(%arg9 : memref<!tpu.dma_semaphore, #tpu.memory_space<semaphore_mem>>)
      %dma_start3A_97 = arith.constant 7 : i32
      %dma_start3A_98 = arith.constant 896 : i32
      %dma_start3A_99 = arith.constant 0 : i32
      %dma_start3A_100 = tpu.memref_slice %arg7[%dma_start3A_98, %dma_start3A_99] : memref<1280x32xf32, #tpu.memory_space<vmem>> -> memref<128x32xf32, #tpu.memory_space<vmem>>
      %dma_start3A_101 = arith.constant 0 : i32
      %dma_start3A_102 = tpu.memref_slice %arg5[%dma_start3A_97, %dma_start3A_101] : memref<10x128xi32, #tpu.memory_space<vmem>> -> memref<1x128xi32, #tpu.memory_space<vmem>>
      %dma_start3A_103 = tpu.memref_squeeze %dma_start3A_102 : memref<1x128xi32, #tpu.memory_space<vmem>> -> memref<128xi32, #tpu.memory_space<vmem>>
      %dma_start3A_104 = arith.constant 0 : i32
      %dma_start3A_105 = arith.constant 0 : i32
      %dma_start3A_106 = tpu.memref_slice %arg2[%dma_start3A_104, %dma_start3A_105] : memref<1015808x32xf32, #tpu.memory_space<hbm>> -> memref<1015808x32xf32, #tpu.memory_space<hbm>>
      tpu.enqueue_indirect_dma source(%dma_start3A_106 : memref<1015808x32xf32, #tpu.memory_space<hbm>>) target(%dma_start3A_100 : memref<128x32xf32, #tpu.memory_space<vmem>>) offsets(%dma_start3A_103 : memref<128xi32, #tpu.memory_space<vmem>>) semaphore(%arg9 : memref<!tpu.dma_semaphore, #tpu.memory_space<semaphore_mem>>)
      %dma_start3A_107 = arith.constant 8 : i32
      %dma_start3A_108 = arith.constant 1024 : i32
      %dma_start3A_109 = arith.constant 0 : i32
      %dma_start3A_110 = tpu.memref_slice %arg7[%dma_start3A_108, %dma_start3A_109] : memref<1280x32xf32, #tpu.memory_space<vmem>> -> memref<128x32xf32, #tpu.memory_space<vmem>>
      %dma_start3A_111 = arith.constant 0 : i32
      %dma_start3A_112 = tpu.memref_slice %arg5[%dma_start3A_107, %dma_start3A_111] : memref<10x128xi32, #tpu.memory_space<vmem>> -> memref<1x128xi32, #tpu.memory_space<vmem>>
      %dma_start3A_113 = tpu.memref_squeeze %dma_start3A_112 : memref<1x128xi32, #tpu.memory_space<vmem>> -> memref<128xi32, #tpu.memory_space<vmem>>
      %dma_start3A_114 = arith.constant 0 : i32
      %dma_start3A_115 = arith.constant 0 : i32
      %dma_start3A_116 = tpu.memref_slice %arg2[%dma_start3A_114, %dma_start3A_115] : memref<1015808x32xf32, #tpu.memory_space<hbm>> -> memref<1015808x32xf32, #tpu.memory_space<hbm>>
      tpu.enqueue_indirect_dma source(%dma_start3A_116 : memref<1015808x32xf32, #tpu.memory_space<hbm>>) target(%dma_start3A_110 : memref<128x32xf32, #tpu.memory_space<vmem>>) offsets(%dma_start3A_113 : memref<128xi32, #tpu.memory_space<vmem>>) semaphore(%arg9 : memref<!tpu.dma_semaphore, #tpu.memory_space<semaphore_mem>>)
      %dma_start3A_117 = arith.constant 9 : i32
      %dma_start3A_118 = arith.constant 1152 : i32
      %dma_start3A_119 = arith.constant 0 : i32
      %dma_start3A_120 = tpu.memref_slice %arg7[%dma_start3A_118, %dma_start3A_119] : memref<1280x32xf32, #tpu.memory_space<vmem>> -> memref<128x32xf32, #tpu.memory_space<vmem>>
      %dma_start3A_121 = arith.constant 0 : i32
      %dma_start3A_122 = tpu.memref_slice %arg5[%dma_start3A_117, %dma_start3A_121] : memref<10x128xi32, #tpu.memory_space<vmem>> -> memref<1x128xi32, #tpu.memory_space<vmem>>
      %dma_start3A_123 = tpu.memref_squeeze %dma_start3A_122 : memref<1x128xi32, #tpu.memory_space<vmem>> -> memref<128xi32, #tpu.memory_space<vmem>>
      %dma_start3A_124 = arith.constant 0 : i32
      %dma_start3A_125 = arith.constant 0 : i32
      %dma_start3A_126 = tpu.memref_slice %arg2[%dma_start3A_124, %dma_start3A_125] : memref<1015808x32xf32, #tpu.memory_space<hbm>> -> memref<1015808x32xf32, #tpu.memory_space<hbm>>
      tpu.enqueue_indirect_dma source(%dma_start3A_126 : memref<1015808x32xf32, #tpu.memory_space<hbm>>) target(%dma_start3A_120 : memref<128x32xf32, #tpu.memory_space<vmem>>) offsets(%dma_start3A_123 : memref<128xi32, #tpu.memory_space<vmem>>) semaphore(%arg9 : memref<!tpu.dma_semaphore, #tpu.memory_space<semaphore_mem>>)
      %dma_wait3A_127 = arith.constant 0 : i32
      %dma_wait3A_128 = arith.constant 0 : i32
      %dma_wait3A_129 = arith.constant 0 : i32
      %dma_wait3A_130 = tpu.memref_slice %arg7[%dma_wait3A_128, %dma_wait3A_129] : memref<1280x32xf32, #tpu.memory_space<vmem>> -> memref<128x32xf32, #tpu.memory_space<vmem>>
      %dma_wait3A_131 = arith.constant 0 : i32
      %dma_wait3A_132 = tpu.memref_slice %arg5[%dma_wait3A_127, %dma_wait3A_131] : memref<10x128xi32, #tpu.memory_space<vmem>> -> memref<1x128xi32, #tpu.memory_space<vmem>>
      %dma_wait3A_133 = tpu.memref_squeeze %dma_wait3A_132 : memref<1x128xi32, #tpu.memory_space<vmem>> -> memref<128xi32, #tpu.memory_space<vmem>>
      %dma_wait3A_134 = arith.constant 0 : i32
      %dma_wait3A_135 = arith.constant 0 : i32
      %dma_wait3A_136 = tpu.memref_slice %arg2[%dma_wait3A_134, %dma_wait3A_135] : memref<1015808x32xf32, #tpu.memory_space<hbm>> -> memref<1015808x32xf32, #tpu.memory_space<hbm>>
      tpu.wait_indirect_dma semaphore(%arg9 : memref<!tpu.dma_semaphore, #tpu.memory_space<semaphore_mem>>) src(%dma_wait3A_136 : memref<1015808x32xf32, #tpu.memory_space<hbm>>) dst(%dma_wait3A_130 : memref<128x32xf32, #tpu.memory_space<vmem>>)
      %dma_wait3A_137 = arith.constant 1 : i32
      %dma_wait3A_138 = arith.constant 128 : i32
      %dma_wait3A_139 = arith.constant 0 : i32
      %dma_wait3A_140 = tpu.memref_slice %arg7[%dma_wait3A_138, %dma_wait3A_139] : memref<1280x32xf32, #tpu.memory_space<vmem>> -> memref<128x32xf32, #tpu.memory_space<vmem>>
      %dma_wait3A_141 = arith.constant 0 : i32
      %dma_wait3A_142 = tpu.memref_slice %arg5[%dma_wait3A_137, %dma_wait3A_141] : memref<10x128xi32, #tpu.memory_space<vmem>> -> memref<1x128xi32, #tpu.memory_space<vmem>>
      %dma_wait3A_143 = tpu.memref_squeeze %dma_wait3A_142 : memref<1x128xi32, #tpu.memory_space<vmem>> -> memref<128xi32, #tpu.memory_space<vmem>>
      %dma_wait3A_144 = arith.constant 0 : i32
      %dma_wait3A_145 = arith.constant 0 : i32
      %dma_wait3A_146 = tpu.memref_slice %arg2[%dma_wait3A_144, %dma_wait3A_145] : memref<1015808x32xf32, #tpu.memory_space<hbm>> -> memref<1015808x32xf32, #tpu.memory_space<hbm>>
      tpu.wait_indirect_dma semaphore(%arg9 : memref<!tpu.dma_semaphore, #tpu.memory_space<semaphore_mem>>) src(%dma_wait3A_146 : memref<1015808x32xf32, #tpu.memory_space<hbm>>) dst(%dma_wait3A_140 : memref<128x32xf32, #tpu.memory_space<vmem>>)
      %dma_wait3A_147 = arith.constant 2 : i32
      %dma_wait3A_148 = arith.constant 256 : i32
      %dma_wait3A_149 = arith.constant 0 : i32
      %dma_wait3A_150 = tpu.memref_slice %arg7[%dma_wait3A_148, %dma_wait3A_149] : memref<1280x32xf32, #tpu.memory_space<vmem>> -> memref<128x32xf32, #tpu.memory_space<vmem>>
      %dma_wait3A_151 = arith.constant 0 : i32
      %dma_wait3A_152 = tpu.memref_slice %arg5[%dma_wait3A_147, %dma_wait3A_151] : memref<10x128xi32, #tpu.memory_space<vmem>> -> memref<1x128xi32, #tpu.memory_space<vmem>>
      %dma_wait3A_153 = tpu.memref_squeeze %dma_wait3A_152 : memref<1x128xi32, #tpu.memory_space<vmem>> -> memref<128xi32, #tpu.memory_space<vmem>>
      %dma_wait3A_154 = arith.constant 0 : i32
      %dma_wait3A_155 = arith.constant 0 : i32
      %dma_wait3A_156 = tpu.memref_slice %arg2[%dma_wait3A_154, %dma_wait3A_155] : memref<1015808x32xf32, #tpu.memory_space<hbm>> -> memref<1015808x32xf32, #tpu.memory_space<hbm>>
      tpu.wait_indirect_dma semaphore(%arg9 : memref<!tpu.dma_semaphore, #tpu.memory_space<semaphore_mem>>) src(%dma_wait3A_156 : memref<1015808x32xf32, #tpu.memory_space<hbm>>) dst(%dma_wait3A_150 : memref<128x32xf32, #tpu.memory_space<vmem>>)
      %dma_wait3A_157 = arith.constant 3 : i32
      %dma_wait3A_158 = arith.constant 384 : i32
      %dma_wait3A_159 = arith.constant 0 : i32
      %dma_wait3A_160 = tpu.memref_slice %arg7[%dma_wait3A_158, %dma_wait3A_159] : memref<1280x32xf32, #tpu.memory_space<vmem>> -> memref<128x32xf32, #tpu.memory_space<vmem>>
      %dma_wait3A_161 = arith.constant 0 : i32
      %dma_wait3A_162 = tpu.memref_slice %arg5[%dma_wait3A_157, %dma_wait3A_161] : memref<10x128xi32, #tpu.memory_space<vmem>> -> memref<1x128xi32, #tpu.memory_space<vmem>>
      %dma_wait3A_163 = tpu.memref_squeeze %dma_wait3A_162 : memref<1x128xi32, #tpu.memory_space<vmem>> -> memref<128xi32, #tpu.memory_space<vmem>>
      %dma_wait3A_164 = arith.constant 0 : i32
      %dma_wait3A_165 = arith.constant 0 : i32
      %dma_wait3A_166 = tpu.memref_slice %arg2[%dma_wait3A_164, %dma_wait3A_165] : memref<1015808x32xf32, #tpu.memory_space<hbm>> -> memref<1015808x32xf32, #tpu.memory_space<hbm>>
      tpu.wait_indirect_dma semaphore(%arg9 : memref<!tpu.dma_semaphore, #tpu.memory_space<semaphore_mem>>) src(%dma_wait3A_166 : memref<1015808x32xf32, #tpu.memory_space<hbm>>) dst(%dma_wait3A_160 : memref<128x32xf32, #tpu.memory_space<vmem>>)
      %dma_wait3A_167 = arith.constant 4 : i32
      %dma_wait3A_168 = arith.constant 512 : i32
      %dma_wait3A_169 = arith.constant 0 : i32
      %dma_wait3A_170 = tpu.memref_slice %arg7[%dma_wait3A_168, %dma_wait3A_169] : memref<1280x32xf32, #tpu.memory_space<vmem>> -> memref<128x32xf32, #tpu.memory_space<vmem>>
      %dma_wait3A_171 = arith.constant 0 : i32
      %dma_wait3A_172 = tpu.memref_slice %arg5[%dma_wait3A_167, %dma_wait3A_171] : memref<10x128xi32, #tpu.memory_space<vmem>> -> memref<1x128xi32, #tpu.memory_space<vmem>>
      %dma_wait3A_173 = tpu.memref_squeeze %dma_wait3A_172 : memref<1x128xi32, #tpu.memory_space<vmem>> -> memref<128xi32, #tpu.memory_space<vmem>>
      %dma_wait3A_174 = arith.constant 0 : i32
      %dma_wait3A_175 = arith.constant 0 : i32
      %dma_wait3A_176 = tpu.memref_slice %arg2[%dma_wait3A_174, %dma_wait3A_175] : memref<1015808x32xf32, #tpu.memory_space<hbm>> -> memref<1015808x32xf32, #tpu.memory_space<hbm>>
      tpu.wait_indirect_dma semaphore(%arg9 : memref<!tpu.dma_semaphore, #tpu.memory_space<semaphore_mem>>) src(%dma_wait3A_176 : memref<1015808x32xf32, #tpu.memory_space<hbm>>) dst(%dma_wait3A_170 : memref<128x32xf32, #tpu.memory_space<vmem>>)
      %dma_wait3A_177 = arith.constant 5 : i32
      %dma_wait3A_178 = arith.constant 640 : i32
      %dma_wait3A_179 = arith.constant 0 : i32
      %dma_wait3A_180 = tpu.memref_slice %arg7[%dma_wait3A_178, %dma_wait3A_179] : memref<1280x32xf32, #tpu.memory_space<vmem>> -> memref<128x32xf32, #tpu.memory_space<vmem>>
      %dma_wait3A_181 = arith.constant 0 : i32
      %dma_wait3A_182 = tpu.memref_slice %arg5[%dma_wait3A_177, %dma_wait3A_181] : memref<10x128xi32, #tpu.memory_space<vmem>> -> memref<1x128xi32, #tpu.memory_space<vmem>>
      %dma_wait3A_183 = tpu.memref_squeeze %dma_wait3A_182 : memref<1x128xi32, #tpu.memory_space<vmem>> -> memref<128xi32, #tpu.memory_space<vmem>>
      %dma_wait3A_184 = arith.constant 0 : i32
      %dma_wait3A_185 = arith.constant 0 : i32
      %dma_wait3A_186 = tpu.memref_slice %arg2[%dma_wait3A_184, %dma_wait3A_185] : memref<1015808x32xf32, #tpu.memory_space<hbm>> -> memref<1015808x32xf32, #tpu.memory_space<hbm>>
      tpu.wait_indirect_dma semaphore(%arg9 : memref<!tpu.dma_semaphore, #tpu.memory_space<semaphore_mem>>) src(%dma_wait3A_186 : memref<1015808x32xf32, #tpu.memory_space<hbm>>) dst(%dma_wait3A_180 : memref<128x32xf32, #tpu.memory_space<vmem>>)
      %dma_wait3A_187 = arith.constant 6 : i32
      %dma_wait3A_188 = arith.constant 768 : i32
      %dma_wait3A_189 = arith.constant 0 : i32
      %dma_wait3A_190 = tpu.memref_slice %arg7[%dma_wait3A_188, %dma_wait3A_189] : memref<1280x32xf32, #tpu.memory_space<vmem>> -> memref<128x32xf32, #tpu.memory_space<vmem>>
      %dma_wait3A_191 = arith.constant 0 : i32
      %dma_wait3A_192 = tpu.memref_slice %arg5[%dma_wait3A_187, %dma_wait3A_191] : memref<10x128xi32, #tpu.memory_space<vmem>> -> memref<1x128xi32, #tpu.memory_space<vmem>>
      %dma_wait3A_193 = tpu.memref_squeeze %dma_wait3A_192 : memref<1x128xi32, #tpu.memory_space<vmem>> -> memref<128xi32, #tpu.memory_space<vmem>>
      %dma_wait3A_194 = arith.constant 0 : i32
      %dma_wait3A_195 = arith.constant 0 : i32
      %dma_wait3A_196 = tpu.memref_slice %arg2[%dma_wait3A_194, %dma_wait3A_195] : memref<1015808x32xf32, #tpu.memory_space<hbm>> -> memref<1015808x32xf32, #tpu.memory_space<hbm>>
      tpu.wait_indirect_dma semaphore(%arg9 : memref<!tpu.dma_semaphore, #tpu.memory_space<semaphore_mem>>) src(%dma_wait3A_196 : memref<1015808x32xf32, #tpu.memory_space<hbm>>) dst(%dma_wait3A_190 : memref<128x32xf32, #tpu.memory_space<vmem>>)
      %dma_wait3A_197 = arith.constant 7 : i32
      %dma_wait3A_198 = arith.constant 896 : i32
      %dma_wait3A_199 = arith.constant 0 : i32
      %dma_wait3A_200 = tpu.memref_slice %arg7[%dma_wait3A_198, %dma_wait3A_199] : memref<1280x32xf32, #tpu.memory_space<vmem>> -> memref<128x32xf32, #tpu.memory_space<vmem>>
      %dma_wait3A_201 = arith.constant 0 : i32
      %dma_wait3A_202 = tpu.memref_slice %arg5[%dma_wait3A_197, %dma_wait3A_201] : memref<10x128xi32, #tpu.memory_space<vmem>> -> memref<1x128xi32, #tpu.memory_space<vmem>>
      %dma_wait3A_203 = tpu.memref_squeeze %dma_wait3A_202 : memref<1x128xi32, #tpu.memory_space<vmem>> -> memref<128xi32, #tpu.memory_space<vmem>>
      %dma_wait3A_204 = arith.constant 0 : i32
      %dma_wait3A_205 = arith.constant 0 : i32
      %dma_wait3A_206 = tpu.memref_slice %arg2[%dma_wait3A_204, %dma_wait3A_205] : memref<1015808x32xf32, #tpu.memory_space<hbm>> -> memref<1015808x32xf32, #tpu.memory_space<hbm>>
      tpu.wait_indirect_dma semaphore(%arg9 : memref<!tpu.dma_semaphore, #tpu.memory_space<semaphore_mem>>) src(%dma_wait3A_206 : memref<1015808x32xf32, #tpu.memory_space<hbm>>) dst(%dma_wait3A_200 : memref<128x32xf32, #tpu.memory_space<vmem>>)
      %dma_wait3A_207 = arith.constant 8 : i32
      %dma_wait3A_208 = arith.constant 1024 : i32
      %dma_wait3A_209 = arith.constant 0 : i32
      %dma_wait3A_210 = tpu.memref_slice %arg7[%dma_wait3A_208, %dma_wait3A_209] : memref<1280x32xf32, #tpu.memory_space<vmem>> -> memref<128x32xf32, #tpu.memory_space<vmem>>
      %dma_wait3A_211 = arith.constant 0 : i32
      %dma_wait3A_212 = tpu.memref_slice %arg5[%dma_wait3A_207, %dma_wait3A_211] : memref<10x128xi32, #tpu.memory_space<vmem>> -> memref<1x128xi32, #tpu.memory_space<vmem>>
      %dma_wait3A_213 = tpu.memref_squeeze %dma_wait3A_212 : memref<1x128xi32, #tpu.memory_space<vmem>> -> memref<128xi32, #tpu.memory_space<vmem>>
      %dma_wait3A_214 = arith.constant 0 : i32
      %dma_wait3A_215 = arith.constant 0 : i32
      %dma_wait3A_216 = tpu.memref_slice %arg2[%dma_wait3A_214, %dma_wait3A_215] : memref<1015808x32xf32, #tpu.memory_space<hbm>> -> memref<1015808x32xf32, #tpu.memory_space<hbm>>
      tpu.wait_indirect_dma semaphore(%arg9 : memref<!tpu.dma_semaphore, #tpu.memory_space<semaphore_mem>>) src(%dma_wait3A_216 : memref<1015808x32xf32, #tpu.memory_space<hbm>>) dst(%dma_wait3A_210 : memref<128x32xf32, #tpu.memory_space<vmem>>)
      %dma_wait3A_217 = arith.constant 9 : i32
      %dma_wait3A_218 = arith.constant 1152 : i32
      %dma_wait3A_219 = arith.constant 0 : i32
      %dma_wait3A_220 = tpu.memref_slice %arg7[%dma_wait3A_218, %dma_wait3A_219] : memref<1280x32xf32, #tpu.memory_space<vmem>> -> memref<128x32xf32, #tpu.memory_space<vmem>>
      %dma_wait3A_221 = arith.constant 0 : i32
      %dma_wait3A_222 = tpu.memref_slice %arg5[%dma_wait3A_217, %dma_wait3A_221] : memref<10x128xi32, #tpu.memory_space<vmem>> -> memref<1x128xi32, #tpu.memory_space<vmem>>
      %dma_wait3A_223 = tpu.memref_squeeze %dma_wait3A_222 : memref<1x128xi32, #tpu.memory_space<vmem>> -> memref<128xi32, #tpu.memory_space<vmem>>
      %dma_wait3A_224 = arith.constant 0 : i32
      %dma_wait3A_225 = arith.constant 0 : i32
      %dma_wait3A_226 = tpu.memref_slice %arg2[%dma_wait3A_224, %dma_wait3A_225] : memref<1015808x32xf32, #tpu.memory_space<hbm>> -> memref<1015808x32xf32, #tpu.memory_space<hbm>>
      tpu.wait_indirect_dma semaphore(%arg9 : memref<!tpu.dma_semaphore, #tpu.memory_space<semaphore_mem>>) src(%dma_wait3A_226 : memref<1015808x32xf32, #tpu.memory_space<hbm>>) dst(%dma_wait3A_220 : memref<128x32xf32, #tpu.memory_space<vmem>>)
      %mul3A_227 = arith.constant 1280 : i32
      %mul3A_228 = arith.muli %mul3A_21, %mul3A_227 : i32
      %add3A_229 = arith.addi %mul3A_2, %mul3A_228 : i32
      %dma_start3A_230 = arith.constant 0 : i32
      %dma_start3A_231 = tpu.memref_slice %arg4[%add3A_229, %dma_start3A_230] : memref<409600x32xf32, #tpu.memory_space<hbm>> -> memref<1280x32xf32, #tpu.memory_space<hbm>>
      %dma_start3A_232 = arith.constant 0 : i32
      %dma_start3A_233 = tpu.memref_slice %arg4[%add3A_229, %dma_start3A_232] : memref<409600x32xf32, #tpu.memory_space<hbm>> -> memref<1280x32xf32, #tpu.memory_space<hbm>>
      tpu.enqueue_dma source(%arg7 : memref<1280x32xf32, #tpu.memory_space<vmem>>) target(%dma_start3A_233 : memref<1280x32xf32, #tpu.memory_space<hbm>>) target_semaphore(%arg10 : memref<!tpu.dma_semaphore, #tpu.memory_space<semaphore_mem>>)
      %mul3A_234 = arith.constant 2 : i32
      %mul3A_235 = arith.muli %mul3A_234, %scan3A_19 : i32
      %add3A_236 = arith.constant 1 : i32
      %add3A_237 = arith.addi %mul3A_235, %add3A_236 : i32
      %eq3A_238 = arith.constant 0 : i32
      %eq3A_239 = arith.cmpi eq, %scan3A_19, %eq3A_238 : i32
      %not3A_240 = arith.constant true
      %not3A_241 = arith.xori %eq3A_239, %not3A_240 : i1
      %convert_element_type3A_242 = arith.extui %not3A_241 : i1 to i32
      %cond3A_243 = arith.constant 0 : i32
      %cond3A_244 = arith.cmpi ne, %convert_element_type3A_242, %cond3A_243 : i32
      scf.if %cond3A_244 {
        %dma_wait3A_455 = arith.constant 0 : i32
        %dma_wait3A_456 = tpu.memref_slice %arg4[%mul3A_2, %dma_wait3A_455] : memref<409600x32xf32, #tpu.memory_space<hbm>> -> memref<1280x32xf32, #tpu.memory_space<hbm>>
        %dma_wait3A_457 = arith.constant 0 : i32
        %dma_wait3A_458 = tpu.memref_slice %arg4[%mul3A_2, %dma_wait3A_457] : memref<409600x32xf32, #tpu.memory_space<hbm>> -> memref<1280x32xf32, #tpu.memory_space<hbm>>
        tpu.wait_dma2 semaphore(%arg11 : memref<!tpu.dma_semaphore, #tpu.memory_space<semaphore_mem>>) src(%arg8 : memref<1280x32xf32, #tpu.memory_space<vmem>>) dst(%dma_wait3A_458 : memref<1280x32xf32, #tpu.memory_space<hbm>>)
      } else {
      }
      %mul3A_245 = arith.constant 10 : i32
      %mul3A_246 = arith.muli %add3A_237, %mul3A_245 : i32
      %add3A_247 = arith.addi %add3A_6, %mul3A_246 : i32
      "tpu.region"() ({
        %run_scoped3A = tpu.sem_alloc : memref<!tpu.dma_semaphore, #tpu.memory_space<semaphore_mem>>
        %dma_start3A_455 = arith.constant 0 : i32
        %dma_start3A_456 = tpu.memref_slice %arg3[%add3A_247, %dma_start3A_455] : memref<6400x128xi32, #tpu.memory_space<hbm>> -> memref<10x128xi32, #tpu.memory_space<hbm>>
        %dma_start3A_457 = arith.constant 0 : i32
        %dma_start3A_458 = tpu.memref_slice %arg3[%add3A_247, %dma_start3A_457] : memref<6400x128xi32, #tpu.memory_space<hbm>> -> memref<10x128xi32, #tpu.memory_space<hbm>>
        tpu.enqueue_dma source(%dma_start3A_458 : memref<10x128xi32, #tpu.memory_space<hbm>>) target(%arg6 : memref<10x128xi32, #tpu.memory_space<vmem>>) target_semaphore(%run_scoped3A : memref<!tpu.dma_semaphore, #tpu.memory_space<semaphore_mem>>)
        %dma_wait3A_459 = arith.constant 0 : i32
        %dma_wait3A_460 = tpu.memref_slice %arg3[%add3A_247, %dma_wait3A_459] : memref<6400x128xi32, #tpu.memory_space<hbm>> -> memref<10x128xi32, #tpu.memory_space<hbm>>
        %dma_wait3A_461 = arith.constant 0 : i32
        %dma_wait3A_462 = tpu.memref_slice %arg3[%add3A_247, %dma_wait3A_461] : memref<6400x128xi32, #tpu.memory_space<hbm>> -> memref<10x128xi32, #tpu.memory_space<hbm>>
        tpu.wait_dma2 semaphore(%run_scoped3A : memref<!tpu.dma_semaphore, #tpu.memory_space<semaphore_mem>>) src(%dma_wait3A_462 : memref<10x128xi32, #tpu.memory_space<hbm>>) dst(%arg6 : memref<10x128xi32, #tpu.memory_space<vmem>>)
        tpu.yield
      }) : () -> ()
      %dma_start3A_248 = arith.constant 0 : i32
      %dma_start3A_249 = arith.constant 0 : i32
      %dma_start3A_250 = arith.constant 0 : i32
      %dma_start3A_251 = tpu.memref_slice %arg8[%dma_start3A_249, %dma_start3A_250] : memref<1280x32xf32, #tpu.memory_space<vmem>> -> memref<128x32xf32, #tpu.memory_space<vmem>>
      %dma_start3A_252 = arith.constant 0 : i32
      %dma_start3A_253 = tpu.memref_slice %arg6[%dma_start3A_248, %dma_start3A_252] : memref<10x128xi32, #tpu.memory_space<vmem>> -> memref<1x128xi32, #tpu.memory_space<vmem>>
      %dma_start3A_254 = tpu.memref_squeeze %dma_start3A_253 : memref<1x128xi32, #tpu.memory_space<vmem>> -> memref<128xi32, #tpu.memory_space<vmem>>
      %dma_start3A_255 = arith.constant 0 : i32
      %dma_start3A_256 = arith.constant 0 : i32
      %dma_start3A_257 = tpu.memref_slice %arg2[%dma_start3A_255, %dma_start3A_256] : memref<1015808x32xf32, #tpu.memory_space<hbm>> -> memref<1015808x32xf32, #tpu.memory_space<hbm>>
      tpu.enqueue_indirect_dma source(%dma_start3A_257 : memref<1015808x32xf32, #tpu.memory_space<hbm>>) target(%dma_start3A_251 : memref<128x32xf32, #tpu.memory_space<vmem>>) offsets(%dma_start3A_254 : memref<128xi32, #tpu.memory_space<vmem>>) semaphore(%arg9 : memref<!tpu.dma_semaphore, #tpu.memory_space<semaphore_mem>>)
      %dma_start3A_258 = arith.constant 1 : i32
      %dma_start3A_259 = arith.constant 128 : i32
      %dma_start3A_260 = arith.constant 0 : i32
      %dma_start3A_261 = tpu.memref_slice %arg8[%dma_start3A_259, %dma_start3A_260] : memref<1280x32xf32, #tpu.memory_space<vmem>> -> memref<128x32xf32, #tpu.memory_space<vmem>>
      %dma_start3A_262 = arith.constant 0 : i32
      %dma_start3A_263 = tpu.memref_slice %arg6[%dma_start3A_258, %dma_start3A_262] : memref<10x128xi32, #tpu.memory_space<vmem>> -> memref<1x128xi32, #tpu.memory_space<vmem>>
      %dma_start3A_264 = tpu.memref_squeeze %dma_start3A_263 : memref<1x128xi32, #tpu.memory_space<vmem>> -> memref<128xi32, #tpu.memory_space<vmem>>
      %dma_start3A_265 = arith.constant 0 : i32
      %dma_start3A_266 = arith.constant 0 : i32
      %dma_start3A_267 = tpu.memref_slice %arg2[%dma_start3A_265, %dma_start3A_266] : memref<1015808x32xf32, #tpu.memory_space<hbm>> -> memref<1015808x32xf32, #tpu.memory_space<hbm>>
      tpu.enqueue_indirect_dma source(%dma_start3A_267 : memref<1015808x32xf32, #tpu.memory_space<hbm>>) target(%dma_start3A_261 : memref<128x32xf32, #tpu.memory_space<vmem>>) offsets(%dma_start3A_264 : memref<128xi32, #tpu.memory_space<vmem>>) semaphore(%arg9 : memref<!tpu.dma_semaphore, #tpu.memory_space<semaphore_mem>>)
      %dma_start3A_268 = arith.constant 2 : i32
      %dma_start3A_269 = arith.constant 256 : i32
      %dma_start3A_270 = arith.constant 0 : i32
      %dma_start3A_271 = tpu.memref_slice %arg8[%dma_start3A_269, %dma_start3A_270] : memref<1280x32xf32, #tpu.memory_space<vmem>> -> memref<128x32xf32, #tpu.memory_space<vmem>>
      %dma_start3A_272 = arith.constant 0 : i32
      %dma_start3A_273 = tpu.memref_slice %arg6[%dma_start3A_268, %dma_start3A_272] : memref<10x128xi32, #tpu.memory_space<vmem>> -> memref<1x128xi32, #tpu.memory_space<vmem>>
      %dma_start3A_274 = tpu.memref_squeeze %dma_start3A_273 : memref<1x128xi32, #tpu.memory_space<vmem>> -> memref<128xi32, #tpu.memory_space<vmem>>
      %dma_start3A_275 = arith.constant 0 : i32
      %dma_start3A_276 = arith.constant 0 : i32
      %dma_start3A_277 = tpu.memref_slice %arg2[%dma_start3A_275, %dma_start3A_276] : memref<1015808x32xf32, #tpu.memory_space<hbm>> -> memref<1015808x32xf32, #tpu.memory_space<hbm>>
      tpu.enqueue_indirect_dma source(%dma_start3A_277 : memref<1015808x32xf32, #tpu.memory_space<hbm>>) target(%dma_start3A_271 : memref<128x32xf32, #tpu.memory_space<vmem>>) offsets(%dma_start3A_274 : memref<128xi32, #tpu.memory_space<vmem>>) semaphore(%arg9 : memref<!tpu.dma_semaphore, #tpu.memory_space<semaphore_mem>>)
      %dma_start3A_278 = arith.constant 3 : i32
      %dma_start3A_279 = arith.constant 384 : i32
      %dma_start3A_280 = arith.constant 0 : i32
      %dma_start3A_281 = tpu.memref_slice %arg8[%dma_start3A_279, %dma_start3A_280] : memref<1280x32xf32, #tpu.memory_space<vmem>> -> memref<128x32xf32, #tpu.memory_space<vmem>>
      %dma_start3A_282 = arith.constant 0 : i32
      %dma_start3A_283 = tpu.memref_slice %arg6[%dma_start3A_278, %dma_start3A_282] : memref<10x128xi32, #tpu.memory_space<vmem>> -> memref<1x128xi32, #tpu.memory_space<vmem>>
      %dma_start3A_284 = tpu.memref_squeeze %dma_start3A_283 : memref<1x128xi32, #tpu.memory_space<vmem>> -> memref<128xi32, #tpu.memory_space<vmem>>
      %dma_start3A_285 = arith.constant 0 : i32
      %dma_start3A_286 = arith.constant 0 : i32
      %dma_start3A_287 = tpu.memref_slice %arg2[%dma_start3A_285, %dma_start3A_286] : memref<1015808x32xf32, #tpu.memory_space<hbm>> -> memref<1015808x32xf32, #tpu.memory_space<hbm>>
      tpu.enqueue_indirect_dma source(%dma_start3A_287 : memref<1015808x32xf32, #tpu.memory_space<hbm>>) target(%dma_start3A_281 : memref<128x32xf32, #tpu.memory_space<vmem>>) offsets(%dma_start3A_284 : memref<128xi32, #tpu.memory_space<vmem>>) semaphore(%arg9 : memref<!tpu.dma_semaphore, #tpu.memory_space<semaphore_mem>>)
      %dma_start3A_288 = arith.constant 4 : i32
      %dma_start3A_289 = arith.constant 512 : i32
      %dma_start3A_290 = arith.constant 0 : i32
      %dma_start3A_291 = tpu.memref_slice %arg8[%dma_start3A_289, %dma_start3A_290] : memref<1280x32xf32, #tpu.memory_space<vmem>> -> memref<128x32xf32, #tpu.memory_space<vmem>>
      %dma_start3A_292 = arith.constant 0 : i32
      %dma_start3A_293 = tpu.memref_slice %arg6[%dma_start3A_288, %dma_start3A_292] : memref<10x128xi32, #tpu.memory_space<vmem>> -> memref<1x128xi32, #tpu.memory_space<vmem>>
      %dma_start3A_294 = tpu.memref_squeeze %dma_start3A_293 : memref<1x128xi32, #tpu.memory_space<vmem>> -> memref<128xi32, #tpu.memory_space<vmem>>
      %dma_start3A_295 = arith.constant 0 : i32
      %dma_start3A_296 = arith.constant 0 : i32
      %dma_start3A_297 = tpu.memref_slice %arg2[%dma_start3A_295, %dma_start3A_296] : memref<1015808x32xf32, #tpu.memory_space<hbm>> -> memref<1015808x32xf32, #tpu.memory_space<hbm>>
      tpu.enqueue_indirect_dma source(%dma_start3A_297 : memref<1015808x32xf32, #tpu.memory_space<hbm>>) target(%dma_start3A_291 : memref<128x32xf32, #tpu.memory_space<vmem>>) offsets(%dma_start3A_294 : memref<128xi32, #tpu.memory_space<vmem>>) semaphore(%arg9 : memref<!tpu.dma_semaphore, #tpu.memory_space<semaphore_mem>>)
      %dma_start3A_298 = arith.constant 5 : i32
      %dma_start3A_299 = arith.constant 640 : i32
      %dma_start3A_300 = arith.constant 0 : i32
      %dma_start3A_301 = tpu.memref_slice %arg8[%dma_start3A_299, %dma_start3A_300] : memref<1280x32xf32, #tpu.memory_space<vmem>> -> memref<128x32xf32, #tpu.memory_space<vmem>>
      %dma_start3A_302 = arith.constant 0 : i32
      %dma_start3A_303 = tpu.memref_slice %arg6[%dma_start3A_298, %dma_start3A_302] : memref<10x128xi32, #tpu.memory_space<vmem>> -> memref<1x128xi32, #tpu.memory_space<vmem>>
      %dma_start3A_304 = tpu.memref_squeeze %dma_start3A_303 : memref<1x128xi32, #tpu.memory_space<vmem>> -> memref<128xi32, #tpu.memory_space<vmem>>
      %dma_start3A_305 = arith.constant 0 : i32
      %dma_start3A_306 = arith.constant 0 : i32
      %dma_start3A_307 = tpu.memref_slice %arg2[%dma_start3A_305, %dma_start3A_306] : memref<1015808x32xf32, #tpu.memory_space<hbm>> -> memref<1015808x32xf32, #tpu.memory_space<hbm>>
      tpu.enqueue_indirect_dma source(%dma_start3A_307 : memref<1015808x32xf32, #tpu.memory_space<hbm>>) target(%dma_start3A_301 : memref<128x32xf32, #tpu.memory_space<vmem>>) offsets(%dma_start3A_304 : memref<128xi32, #tpu.memory_space<vmem>>) semaphore(%arg9 : memref<!tpu.dma_semaphore, #tpu.memory_space<semaphore_mem>>)
      %dma_start3A_308 = arith.constant 6 : i32
      %dma_start3A_309 = arith.constant 768 : i32
      %dma_start3A_310 = arith.constant 0 : i32
      %dma_start3A_311 = tpu.memref_slice %arg8[%dma_start3A_309, %dma_start3A_310] : memref<1280x32xf32, #tpu.memory_space<vmem>> -> memref<128x32xf32, #tpu.memory_space<vmem>>
      %dma_start3A_312 = arith.constant 0 : i32
      %dma_start3A_313 = tpu.memref_slice %arg6[%dma_start3A_308, %dma_start3A_312] : memref<10x128xi32, #tpu.memory_space<vmem>> -> memref<1x128xi32, #tpu.memory_space<vmem>>
      %dma_start3A_314 = tpu.memref_squeeze %dma_start3A_313 : memref<1x128xi32, #tpu.memory_space<vmem>> -> memref<128xi32, #tpu.memory_space<vmem>>
      %dma_start3A_315 = arith.constant 0 : i32
      %dma_start3A_316 = arith.constant 0 : i32
      %dma_start3A_317 = tpu.memref_slice %arg2[%dma_start3A_315, %dma_start3A_316] : memref<1015808x32xf32, #tpu.memory_space<hbm>> -> memref<1015808x32xf32, #tpu.memory_space<hbm>>
      tpu.enqueue_indirect_dma source(%dma_start3A_317 : memref<1015808x32xf32, #tpu.memory_space<hbm>>) target(%dma_start3A_311 : memref<128x32xf32, #tpu.memory_space<vmem>>) offsets(%dma_start3A_314 : memref<128xi32, #tpu.memory_space<vmem>>) semaphore(%arg9 : memref<!tpu.dma_semaphore, #tpu.memory_space<semaphore_mem>>)
      %dma_start3A_318 = arith.constant 7 : i32
      %dma_start3A_319 = arith.constant 896 : i32
      %dma_start3A_320 = arith.constant 0 : i32
      %dma_start3A_321 = tpu.memref_slice %arg8[%dma_start3A_319, %dma_start3A_320] : memref<1280x32xf32, #tpu.memory_space<vmem>> -> memref<128x32xf32, #tpu.memory_space<vmem>>
      %dma_start3A_322 = arith.constant 0 : i32
      %dma_start3A_323 = tpu.memref_slice %arg6[%dma_start3A_318, %dma_start3A_322] : memref<10x128xi32, #tpu.memory_space<vmem>> -> memref<1x128xi32, #tpu.memory_space<vmem>>
      %dma_start3A_324 = tpu.memref_squeeze %dma_start3A_323 : memref<1x128xi32, #tpu.memory_space<vmem>> -> memref<128xi32, #tpu.memory_space<vmem>>
      %dma_start3A_325 = arith.constant 0 : i32
      %dma_start3A_326 = arith.constant 0 : i32
      %dma_start3A_327 = tpu.memref_slice %arg2[%dma_start3A_325, %dma_start3A_326] : memref<1015808x32xf32, #tpu.memory_space<hbm>> -> memref<1015808x32xf32, #tpu.memory_space<hbm>>
      tpu.enqueue_indirect_dma source(%dma_start3A_327 : memref<1015808x32xf32, #tpu.memory_space<hbm>>) target(%dma_start3A_321 : memref<128x32xf32, #tpu.memory_space<vmem>>) offsets(%dma_start3A_324 : memref<128xi32, #tpu.memory_space<vmem>>) semaphore(%arg9 : memref<!tpu.dma_semaphore, #tpu.memory_space<semaphore_mem>>)
      %dma_start3A_328 = arith.constant 8 : i32
      %dma_start3A_329 = arith.constant 1024 : i32
      %dma_start3A_330 = arith.constant 0 : i32
      %dma_start3A_331 = tpu.memref_slice %arg8[%dma_start3A_329, %dma_start3A_330] : memref<1280x32xf32, #tpu.memory_space<vmem>> -> memref<128x32xf32, #tpu.memory_space<vmem>>
      %dma_start3A_332 = arith.constant 0 : i32
      %dma_start3A_333 = tpu.memref_slice %arg6[%dma_start3A_328, %dma_start3A_332] : memref<10x128xi32, #tpu.memory_space<vmem>> -> memref<1x128xi32, #tpu.memory_space<vmem>>
      %dma_start3A_334 = tpu.memref_squeeze %dma_start3A_333 : memref<1x128xi32, #tpu.memory_space<vmem>> -> memref<128xi32, #tpu.memory_space<vmem>>
      %dma_start3A_335 = arith.constant 0 : i32
      %dma_start3A_336 = arith.constant 0 : i32
      %dma_start3A_337 = tpu.memref_slice %arg2[%dma_start3A_335, %dma_start3A_336] : memref<1015808x32xf32, #tpu.memory_space<hbm>> -> memref<1015808x32xf32, #tpu.memory_space<hbm>>
      tpu.enqueue_indirect_dma source(%dma_start3A_337 : memref<1015808x32xf32, #tpu.memory_space<hbm>>) target(%dma_start3A_331 : memref<128x32xf32, #tpu.memory_space<vmem>>) offsets(%dma_start3A_334 : memref<128xi32, #tpu.memory_space<vmem>>) semaphore(%arg9 : memref<!tpu.dma_semaphore, #tpu.memory_space<semaphore_mem>>)
      %dma_start3A_338 = arith.constant 9 : i32
      %dma_start3A_339 = arith.constant 1152 : i32
      %dma_start3A_340 = arith.constant 0 : i32
      %dma_start3A_341 = tpu.memref_slice %arg8[%dma_start3A_339, %dma_start3A_340] : memref<1280x32xf32, #tpu.memory_space<vmem>> -> memref<128x32xf32, #tpu.memory_space<vmem>>
      %dma_start3A_342 = arith.constant 0 : i32
      %dma_start3A_343 = tpu.memref_slice %arg6[%dma_start3A_338, %dma_start3A_342] : memref<10x128xi32, #tpu.memory_space<vmem>> -> memref<1x128xi32, #tpu.memory_space<vmem>>
      %dma_start3A_344 = tpu.memref_squeeze %dma_start3A_343 : memref<1x128xi32, #tpu.memory_space<vmem>> -> memref<128xi32, #tpu.memory_space<vmem>>
      %dma_start3A_345 = arith.constant 0 : i32
      %dma_start3A_346 = arith.constant 0 : i32
      %dma_start3A_347 = tpu.memref_slice %arg2[%dma_start3A_345, %dma_start3A_346] : memref<1015808x32xf32, #tpu.memory_space<hbm>> -> memref<1015808x32xf32, #tpu.memory_space<hbm>>
      tpu.enqueue_indirect_dma source(%dma_start3A_347 : memref<1015808x32xf32, #tpu.memory_space<hbm>>) target(%dma_start3A_341 : memref<128x32xf32, #tpu.memory_space<vmem>>) offsets(%dma_start3A_344 : memref<128xi32, #tpu.memory_space<vmem>>) semaphore(%arg9 : memref<!tpu.dma_semaphore, #tpu.memory_space<semaphore_mem>>)
      %dma_wait3A_348 = arith.constant 0 : i32
      %dma_wait3A_349 = arith.constant 0 : i32
      %dma_wait3A_350 = arith.constant 0 : i32
      %dma_wait3A_351 = tpu.memref_slice %arg8[%dma_wait3A_349, %dma_wait3A_350] : memref<1280x32xf32, #tpu.memory_space<vmem>> -> memref<128x32xf32, #tpu.memory_space<vmem>>
      %dma_wait3A_352 = arith.constant 0 : i32
      %dma_wait3A_353 = tpu.memref_slice %arg6[%dma_wait3A_348, %dma_wait3A_352] : memref<10x128xi32, #tpu.memory_space<vmem>> -> memref<1x128xi32, #tpu.memory_space<vmem>>
      %dma_wait3A_354 = tpu.memref_squeeze %dma_wait3A_353 : memref<1x128xi32, #tpu.memory_space<vmem>> -> memref<128xi32, #tpu.memory_space<vmem>>
      %dma_wait3A_355 = arith.constant 0 : i32
      %dma_wait3A_356 = arith.constant 0 : i32
      %dma_wait3A_357 = tpu.memref_slice %arg2[%dma_wait3A_355, %dma_wait3A_356] : memref<1015808x32xf32, #tpu.memory_space<hbm>> -> memref<1015808x32xf32, #tpu.memory_space<hbm>>
      tpu.wait_indirect_dma semaphore(%arg9 : memref<!tpu.dma_semaphore, #tpu.memory_space<semaphore_mem>>) src(%dma_wait3A_357 : memref<1015808x32xf32, #tpu.memory_space<hbm>>) dst(%dma_wait3A_351 : memref<128x32xf32, #tpu.memory_space<vmem>>)
      %dma_wait3A_358 = arith.constant 1 : i32
      %dma_wait3A_359 = arith.constant 128 : i32
      %dma_wait3A_360 = arith.constant 0 : i32
      %dma_wait3A_361 = tpu.memref_slice %arg8[%dma_wait3A_359, %dma_wait3A_360] : memref<1280x32xf32, #tpu.memory_space<vmem>> -> memref<128x32xf32, #tpu.memory_space<vmem>>
      %dma_wait3A_362 = arith.constant 0 : i32
      %dma_wait3A_363 = tpu.memref_slice %arg6[%dma_wait3A_358, %dma_wait3A_362] : memref<10x128xi32, #tpu.memory_space<vmem>> -> memref<1x128xi32, #tpu.memory_space<vmem>>
      %dma_wait3A_364 = tpu.memref_squeeze %dma_wait3A_363 : memref<1x128xi32, #tpu.memory_space<vmem>> -> memref<128xi32, #tpu.memory_space<vmem>>
      %dma_wait3A_365 = arith.constant 0 : i32
      %dma_wait3A_366 = arith.constant 0 : i32
      %dma_wait3A_367 = tpu.memref_slice %arg2[%dma_wait3A_365, %dma_wait3A_366] : memref<1015808x32xf32, #tpu.memory_space<hbm>> -> memref<1015808x32xf32, #tpu.memory_space<hbm>>
      tpu.wait_indirect_dma semaphore(%arg9 : memref<!tpu.dma_semaphore, #tpu.memory_space<semaphore_mem>>) src(%dma_wait3A_367 : memref<1015808x32xf32, #tpu.memory_space<hbm>>) dst(%dma_wait3A_361 : memref<128x32xf32, #tpu.memory_space<vmem>>)
      %dma_wait3A_368 = arith.constant 2 : i32
      %dma_wait3A_369 = arith.constant 256 : i32
      %dma_wait3A_370 = arith.constant 0 : i32
      %dma_wait3A_371 = tpu.memref_slice %arg8[%dma_wait3A_369, %dma_wait3A_370] : memref<1280x32xf32, #tpu.memory_space<vmem>> -> memref<128x32xf32, #tpu.memory_space<vmem>>
      %dma_wait3A_372 = arith.constant 0 : i32
      %dma_wait3A_373 = tpu.memref_slice %arg6[%dma_wait3A_368, %dma_wait3A_372] : memref<10x128xi32, #tpu.memory_space<vmem>> -> memref<1x128xi32, #tpu.memory_space<vmem>>
      %dma_wait3A_374 = tpu.memref_squeeze %dma_wait3A_373 : memref<1x128xi32, #tpu.memory_space<vmem>> -> memref<128xi32, #tpu.memory_space<vmem>>
      %dma_wait3A_375 = arith.constant 0 : i32
      %dma_wait3A_376 = arith.constant 0 : i32
      %dma_wait3A_377 = tpu.memref_slice %arg2[%dma_wait3A_375, %dma_wait3A_376] : memref<1015808x32xf32, #tpu.memory_space<hbm>> -> memref<1015808x32xf32, #tpu.memory_space<hbm>>
      tpu.wait_indirect_dma semaphore(%arg9 : memref<!tpu.dma_semaphore, #tpu.memory_space<semaphore_mem>>) src(%dma_wait3A_377 : memref<1015808x32xf32, #tpu.memory_space<hbm>>) dst(%dma_wait3A_371 : memref<128x32xf32, #tpu.memory_space<vmem>>)
      %dma_wait3A_378 = arith.constant 3 : i32
      %dma_wait3A_379 = arith.constant 384 : i32
      %dma_wait3A_380 = arith.constant 0 : i32
      %dma_wait3A_381 = tpu.memref_slice %arg8[%dma_wait3A_379, %dma_wait3A_380] : memref<1280x32xf32, #tpu.memory_space<vmem>> -> memref<128x32xf32, #tpu.memory_space<vmem>>
      %dma_wait3A_382 = arith.constant 0 : i32
      %dma_wait3A_383 = tpu.memref_slice %arg6[%dma_wait3A_378, %dma_wait3A_382] : memref<10x128xi32, #tpu.memory_space<vmem>> -> memref<1x128xi32, #tpu.memory_space<vmem>>
      %dma_wait3A_384 = tpu.memref_squeeze %dma_wait3A_383 : memref<1x128xi32, #tpu.memory_space<vmem>> -> memref<128xi32, #tpu.memory_space<vmem>>
      %dma_wait3A_385 = arith.constant 0 : i32
      %dma_wait3A_386 = arith.constant 0 : i32
      %dma_wait3A_387 = tpu.memref_slice %arg2[%dma_wait3A_385, %dma_wait3A_386] : memref<1015808x32xf32, #tpu.memory_space<hbm>> -> memref<1015808x32xf32, #tpu.memory_space<hbm>>
      tpu.wait_indirect_dma semaphore(%arg9 : memref<!tpu.dma_semaphore, #tpu.memory_space<semaphore_mem>>) src(%dma_wait3A_387 : memref<1015808x32xf32, #tpu.memory_space<hbm>>) dst(%dma_wait3A_381 : memref<128x32xf32, #tpu.memory_space<vmem>>)
      %dma_wait3A_388 = arith.constant 4 : i32
      %dma_wait3A_389 = arith.constant 512 : i32
      %dma_wait3A_390 = arith.constant 0 : i32
      %dma_wait3A_391 = tpu.memref_slice %arg8[%dma_wait3A_389, %dma_wait3A_390] : memref<1280x32xf32, #tpu.memory_space<vmem>> -> memref<128x32xf32, #tpu.memory_space<vmem>>
      %dma_wait3A_392 = arith.constant 0 : i32
      %dma_wait3A_393 = tpu.memref_slice %arg6[%dma_wait3A_388, %dma_wait3A_392] : memref<10x128xi32, #tpu.memory_space<vmem>> -> memref<1x128xi32, #tpu.memory_space<vmem>>
      %dma_wait3A_394 = tpu.memref_squeeze %dma_wait3A_393 : memref<1x128xi32, #tpu.memory_space<vmem>> -> memref<128xi32, #tpu.memory_space<vmem>>
      %dma_wait3A_395 = arith.constant 0 : i32
      %dma_wait3A_396 = arith.constant 0 : i32
      %dma_wait3A_397 = tpu.memref_slice %arg2[%dma_wait3A_395, %dma_wait3A_396] : memref<1015808x32xf32, #tpu.memory_space<hbm>> -> memref<1015808x32xf32, #tpu.memory_space<hbm>>
      tpu.wait_indirect_dma semaphore(%arg9 : memref<!tpu.dma_semaphore, #tpu.memory_space<semaphore_mem>>) src(%dma_wait3A_397 : memref<1015808x32xf32, #tpu.memory_space<hbm>>) dst(%dma_wait3A_391 : memref<128x32xf32, #tpu.memory_space<vmem>>)
      %dma_wait3A_398 = arith.constant 5 : i32
      %dma_wait3A_399 = arith.constant 640 : i32
      %dma_wait3A_400 = arith.constant 0 : i32
      %dma_wait3A_401 = tpu.memref_slice %arg8[%dma_wait3A_399, %dma_wait3A_400] : memref<1280x32xf32, #tpu.memory_space<vmem>> -> memref<128x32xf32, #tpu.memory_space<vmem>>
      %dma_wait3A_402 = arith.constant 0 : i32
      %dma_wait3A_403 = tpu.memref_slice %arg6[%dma_wait3A_398, %dma_wait3A_402] : memref<10x128xi32, #tpu.memory_space<vmem>> -> memref<1x128xi32, #tpu.memory_space<vmem>>
      %dma_wait3A_404 = tpu.memref_squeeze %dma_wait3A_403 : memref<1x128xi32, #tpu.memory_space<vmem>> -> memref<128xi32, #tpu.memory_space<vmem>>
      %dma_wait3A_405 = arith.constant 0 : i32
      %dma_wait3A_406 = arith.constant 0 : i32
      %dma_wait3A_407 = tpu.memref_slice %arg2[%dma_wait3A_405, %dma_wait3A_406] : memref<1015808x32xf32, #tpu.memory_space<hbm>> -> memref<1015808x32xf32, #tpu.memory_space<hbm>>
      tpu.wait_indirect_dma semaphore(%arg9 : memref<!tpu.dma_semaphore, #tpu.memory_space<semaphore_mem>>) src(%dma_wait3A_407 : memref<1015808x32xf32, #tpu.memory_space<hbm>>) dst(%dma_wait3A_401 : memref<128x32xf32, #tpu.memory_space<vmem>>)
      %dma_wait3A_408 = arith.constant 6 : i32
      %dma_wait3A_409 = arith.constant 768 : i32
      %dma_wait3A_410 = arith.constant 0 : i32
      %dma_wait3A_411 = tpu.memref_slice %arg8[%dma_wait3A_409, %dma_wait3A_410] : memref<1280x32xf32, #tpu.memory_space<vmem>> -> memref<128x32xf32, #tpu.memory_space<vmem>>
      %dma_wait3A_412 = arith.constant 0 : i32
      %dma_wait3A_413 = tpu.memref_slice %arg6[%dma_wait3A_408, %dma_wait3A_412] : memref<10x128xi32, #tpu.memory_space<vmem>> -> memref<1x128xi32, #tpu.memory_space<vmem>>
      %dma_wait3A_414 = tpu.memref_squeeze %dma_wait3A_413 : memref<1x128xi32, #tpu.memory_space<vmem>> -> memref<128xi32, #tpu.memory_space<vmem>>
      %dma_wait3A_415 = arith.constant 0 : i32
      %dma_wait3A_416 = arith.constant 0 : i32
      %dma_wait3A_417 = tpu.memref_slice %arg2[%dma_wait3A_415, %dma_wait3A_416] : memref<1015808x32xf32, #tpu.memory_space<hbm>> -> memref<1015808x32xf32, #tpu.memory_space<hbm>>
      tpu.wait_indirect_dma semaphore(%arg9 : memref<!tpu.dma_semaphore, #tpu.memory_space<semaphore_mem>>) src(%dma_wait3A_417 : memref<1015808x32xf32, #tpu.memory_space<hbm>>) dst(%dma_wait3A_411 : memref<128x32xf32, #tpu.memory_space<vmem>>)
      %dma_wait3A_418 = arith.constant 7 : i32
      %dma_wait3A_419 = arith.constant 896 : i32
      %dma_wait3A_420 = arith.constant 0 : i32
      %dma_wait3A_421 = tpu.memref_slice %arg8[%dma_wait3A_419, %dma_wait3A_420] : memref<1280x32xf32, #tpu.memory_space<vmem>> -> memref<128x32xf32, #tpu.memory_space<vmem>>
      %dma_wait3A_422 = arith.constant 0 : i32
      %dma_wait3A_423 = tpu.memref_slice %arg6[%dma_wait3A_418, %dma_wait3A_422] : memref<10x128xi32, #tpu.memory_space<vmem>> -> memref<1x128xi32, #tpu.memory_space<vmem>>
      %dma_wait3A_424 = tpu.memref_squeeze %dma_wait3A_423 : memref<1x128xi32, #tpu.memory_space<vmem>> -> memref<128xi32, #tpu.memory_space<vmem>>
      %dma_wait3A_425 = arith.constant 0 : i32
      %dma_wait3A_426 = arith.constant 0 : i32
      %dma_wait3A_427 = tpu.memref_slice %arg2[%dma_wait3A_425, %dma_wait3A_426] : memref<1015808x32xf32, #tpu.memory_space<hbm>> -> memref<1015808x32xf32, #tpu.memory_space<hbm>>
      tpu.wait_indirect_dma semaphore(%arg9 : memref<!tpu.dma_semaphore, #tpu.memory_space<semaphore_mem>>) src(%dma_wait3A_427 : memref<1015808x32xf32, #tpu.memory_space<hbm>>) dst(%dma_wait3A_421 : memref<128x32xf32, #tpu.memory_space<vmem>>)
      %dma_wait3A_428 = arith.constant 8 : i32
      %dma_wait3A_429 = arith.constant 1024 : i32
      %dma_wait3A_430 = arith.constant 0 : i32
      %dma_wait3A_431 = tpu.memref_slice %arg8[%dma_wait3A_429, %dma_wait3A_430] : memref<1280x32xf32, #tpu.memory_space<vmem>> -> memref<128x32xf32, #tpu.memory_space<vmem>>
      %dma_wait3A_432 = arith.constant 0 : i32
      %dma_wait3A_433 = tpu.memref_slice %arg6[%dma_wait3A_428, %dma_wait3A_432] : memref<10x128xi32, #tpu.memory_space<vmem>> -> memref<1x128xi32, #tpu.memory_space<vmem>>
      %dma_wait3A_434 = tpu.memref_squeeze %dma_wait3A_433 : memref<1x128xi32, #tpu.memory_space<vmem>> -> memref<128xi32, #tpu.memory_space<vmem>>
      %dma_wait3A_435 = arith.constant 0 : i32
      %dma_wait3A_436 = arith.constant 0 : i32
      %dma_wait3A_437 = tpu.memref_slice %arg2[%dma_wait3A_435, %dma_wait3A_436] : memref<1015808x32xf32, #tpu.memory_space<hbm>> -> memref<1015808x32xf32, #tpu.memory_space<hbm>>
      tpu.wait_indirect_dma semaphore(%arg9 : memref<!tpu.dma_semaphore, #tpu.memory_space<semaphore_mem>>) src(%dma_wait3A_437 : memref<1015808x32xf32, #tpu.memory_space<hbm>>) dst(%dma_wait3A_431 : memref<128x32xf32, #tpu.memory_space<vmem>>)
      %dma_wait3A_438 = arith.constant 9 : i32
      %dma_wait3A_439 = arith.constant 1152 : i32
      %dma_wait3A_440 = arith.constant 0 : i32
      %dma_wait3A_441 = tpu.memref_slice %arg8[%dma_wait3A_439, %dma_wait3A_440] : memref<1280x32xf32, #tpu.memory_space<vmem>> -> memref<128x32xf32, #tpu.memory_space<vmem>>
      %dma_wait3A_442 = arith.constant 0 : i32
      %dma_wait3A_443 = tpu.memref_slice %arg6[%dma_wait3A_438, %dma_wait3A_442] : memref<10x128xi32, #tpu.memory_space<vmem>> -> memref<1x128xi32, #tpu.memory_space<vmem>>
      %dma_wait3A_444 = tpu.memref_squeeze %dma_wait3A_443 : memref<1x128xi32, #tpu.memory_space<vmem>> -> memref<128xi32, #tpu.memory_space<vmem>>
      %dma_wait3A_445 = arith.constant 0 : i32
      %dma_wait3A_446 = arith.constant 0 : i32
      %dma_wait3A_447 = tpu.memref_slice %arg2[%dma_wait3A_445, %dma_wait3A_446] : memref<1015808x32xf32, #tpu.memory_space<hbm>> -> memref<1015808x32xf32, #tpu.memory_space<hbm>>
      tpu.wait_indirect_dma semaphore(%arg9 : memref<!tpu.dma_semaphore, #tpu.memory_space<semaphore_mem>>) src(%dma_wait3A_447 : memref<1015808x32xf32, #tpu.memory_space<hbm>>) dst(%dma_wait3A_441 : memref<128x32xf32, #tpu.memory_space<vmem>>)
      %mul3A_448 = arith.constant 1280 : i32
      %mul3A_449 = arith.muli %add3A_237, %mul3A_448 : i32
      %add3A_450 = arith.addi %mul3A_2, %mul3A_449 : i32
      %dma_start3A_451 = arith.constant 0 : i32
      %dma_start3A_452 = tpu.memref_slice %arg4[%add3A_450, %dma_start3A_451] : memref<409600x32xf32, #tpu.memory_space<hbm>> -> memref<1280x32xf32, #tpu.memory_space<hbm>>
      %dma_start3A_453 = arith.constant 0 : i32
      %dma_start3A_454 = tpu.memref_slice %arg4[%add3A_450, %dma_start3A_453] : memref<409600x32xf32, #tpu.memory_space<hbm>> -> memref<1280x32xf32, #tpu.memory_space<hbm>>
      tpu.enqueue_dma source(%arg8 : memref<1280x32xf32, #tpu.memory_space<vmem>>) target(%dma_start3A_454 : memref<1280x32xf32, #tpu.memory_space<hbm>>) target_semaphore(%arg11 : memref<!tpu.dma_semaphore, #tpu.memory_space<semaphore_mem>>)
    }
    %scan3A_11 = arith.constant 5 : i32
    %dma_wait3A = arith.constant 0 : i32
    %dma_wait3A_12 = tpu.memref_slice %arg4[%mul3A_2, %dma_wait3A] : memref<409600x32xf32, #tpu.memory_space<hbm>> -> memref<1280x32xf32, #tpu.memory_space<hbm>>
    %dma_wait3A_13 = arith.constant 0 : i32
    %dma_wait3A_14 = tpu.memref_slice %arg4[%mul3A_2, %dma_wait3A_13] : memref<409600x32xf32, #tpu.memory_space<hbm>> -> memref<1280x32xf32, #tpu.memory_space<hbm>>
    tpu.wait_dma2 semaphore(%arg10 : memref<!tpu.dma_semaphore, #tpu.memory_space<semaphore_mem>>) src(%arg7 : memref<1280x32xf32, #tpu.memory_space<vmem>>) dst(%dma_wait3A_14 : memref<1280x32xf32, #tpu.memory_space<hbm>>)
    %dma_wait3A_15 = arith.constant 0 : i32
    %dma_wait3A_16 = tpu.memref_slice %arg4[%mul3A_2, %dma_wait3A_15] : memref<409600x32xf32, #tpu.memory_space<hbm>> -> memref<1280x32xf32, #tpu.memory_space<hbm>>
    %dma_wait3A_17 = arith.constant 0 : i32
    %dma_wait3A_18 = tpu.memref_slice %arg4[%mul3A_2, %dma_wait3A_17] : memref<409600x32xf32, #tpu.memory_space<hbm>> -> memref<1280x32xf32, #tpu.memory_space<hbm>>
    tpu.wait_dma2 semaphore(%arg11 : memref<!tpu.dma_semaphore, #tpu.memory_space<semaphore_mem>>) src(%arg8 : memref<1280x32xf32, #tpu.memory_space<vmem>>) dst(%dma_wait3A_18 : memref<1280x32xf32, #tpu.memory_space<hbm>>)
    return
  }
}

module attributes {stable_mosaic.version = 14 : i64} {
  func.func @body(%arg0: i32, %arg1: memref<32x8192xf32, #tpu.memory_space<vmem>>, %arg2: memref<32x8192xf32, #tpu.memory_space<vmem>>, %arg3: memref<32x8192xf32, #tpu.memory_space<vmem>>, %arg4: memref<32x8192xf32, #tpu.memory_space<vmem>>, %arg5: memref<8192x128xf32, #tpu.memory_space<vmem>>) attributes {dimension_semantics = [#tpu.dimension_semantics<arbitrary>], iteration_bounds = array<i64: 31>, scalar_prefetch = 0 : i64, scratch_operands = 0 : i64, tpu.core_type = #tpu.core_type<tc>, window_params = [{transform_indices = @transform_0, window_bounds = array<i64: 32, 8192>}, {transform_indices = @transform_1, window_bounds = array<i64: 32, 8192>}, {transform_indices = @transform_2, window_bounds = array<i64: 32, 8192>}, {transform_indices = @transform_3, window_bounds = array<i64: 32, 8192>}, {transform_indices = @transform_4, window_bounds = array<i64: 8192, 128>}]} {
    %get3A = arith.constant 0 : index
    %get3A_0 = arith.constant 0 : index
    %get3A_1 = vector.load %arg1[%get3A, %get3A_0] : memref<32x8192xf32, #tpu.memory_space<vmem>>, vector<32x8192xf32>
    %get3A_2 = arith.constant 0 : index
    %get3A_3 = arith.constant 0 : index
    %get3A_4 = vector.load %arg2[%get3A_2, %get3A_3] : memref<32x8192xf32, #tpu.memory_space<vmem>>, vector<32x8192xf32>
    %get3A_5 = arith.constant 0 : index
    %get3A_6 = arith.constant 0 : index
    %get3A_7 = vector.load %arg3[%get3A_5, %get3A_6] : memref<32x8192xf32, #tpu.memory_space<vmem>>, vector<32x8192xf32>
    %get3A_8 = arith.constant 0 : index
    %get3A_9 = arith.constant 0 : index
    %get3A_10 = vector.load %arg4[%get3A_8, %get3A_9] : memref<32x8192xf32, #tpu.memory_space<vmem>>, vector<32x8192xf32>
    %concatenate3A = tpu.concatenate %get3A_1, %get3A_4, %get3A_7, %get3A_10 in 0 : vector<32x8192xf32>, vector<32x8192xf32>, vector<32x8192xf32>, vector<32x8192xf32> -> vector<128x8192xf32>
    %transpose3A = tpu.transpose %concatenate3A, [1, 0] : vector<128x8192xf32> -> vector<8192x128xf32>
    %swap3A = arith.constant 0 : index
    %swap3A_11 = arith.constant 0 : index
    %swap3A_12 = vector.load %arg5[%swap3A, %swap3A_11] : memref<8192x128xf32, #tpu.memory_space<vmem>>, vector<8192x128xf32>
    tpu.vector_store %arg5[%swap3A, %swap3A_11], %transpose3A {strides = array<i32>} : memref<8192x128xf32, #tpu.memory_space<vmem>>, vector<8192x128xf32>,
    return
  }
  func.func @transform_0(%arg0: i32) -> (i32, i32) {
    %mul3A = arith.constant 4 : i32
    %mul3A_0 = arith.muli %arg0, %mul3A : i32
    %add3A = arith.constant 0 : i32
    %add3A_1 = arith.addi %mul3A_0, %add3A : i32
    %min3A = arith.constant 122 : i32
    %min3A_2 = arith.minsi %add3A_1, %min3A : i32
    %c0_i32 = arith.constant 0 : i32
    %c0_i32_3 = arith.constant 0 : i32
    return %c0_i32, %min3A_2 : i32, i32
  }
  func.func @transform_1(%arg0: i32) -> (i32, i32) {
    %mul3A = arith.constant 4 : i32
    %mul3A_0 = arith.muli %arg0, %mul3A : i32
    %add3A = arith.constant 1 : i32
    %add3A_1 = arith.addi %mul3A_0, %add3A : i32
    %min3A = arith.constant 122 : i32
    %min3A_2 = arith.minsi %add3A_1, %min3A : i32
    %c0_i32 = arith.constant 0 : i32
    %c0_i32_3 = arith.constant 0 : i32
    return %c0_i32, %min3A_2 : i32, i32
  }
  func.func @transform_2(%arg0: i32) -> (i32, i32) {
    %mul3A = arith.constant 4 : i32
    %mul3A_0 = arith.muli %arg0, %mul3A : i32
    %add3A = arith.constant 2 : i32
    %add3A_1 = arith.addi %mul3A_0, %add3A : i32
    %min3A = arith.constant 122 : i32
    %min3A_2 = arith.minsi %add3A_1, %min3A : i32
    %c0_i32 = arith.constant 0 : i32
    %c0_i32_3 = arith.constant 0 : i32
    return %c0_i32, %min3A_2 : i32, i32
  }
  func.func @transform_3(%arg0: i32) -> (i32, i32) {
    %mul3A = arith.constant 4 : i32
    %mul3A_0 = arith.muli %arg0, %mul3A : i32
    %add3A = arith.constant 3 : i32
    %add3A_1 = arith.addi %mul3A_0, %add3A : i32
    %min3A = arith.constant 122 : i32
    %min3A_2 = arith.minsi %add3A_1, %min3A : i32
    %c0_i32 = arith.constant 0 : i32
    %c0_i32_3 = arith.constant 0 : i32
    return %c0_i32, %min3A_2 : i32, i32
  }
  func.func @transform_4(%arg0: i32) -> (i32, i32) {
    %c0_i32 = arith.constant 0 : i32
    %c0_i32_0 = arith.constant 0 : i32
    return %arg0, %c0_i32 : i32, i32
  }
}

module attributes {stable_mosaic.version = 14 : i64} {
  func.func @body(%arg0: i32, %arg1: memref<6400x128xf32, #tpu.memory_space<vmem>>, %arg2: memref<128x256xf32, #tpu.memory_space<vmem>>, %arg3: memref<1x256xf32, #tpu.memory_space<vmem>>, %arg4: memref<256x256xf32, #tpu.memory_space<vmem>>, %arg5: memref<1x64xf32, #tpu.memory_space<vmem>>, %arg6: memref<64x64xf32, #tpu.memory_space<vmem>>, %arg7: memref<1x64xf32, #tpu.memory_space<vmem>>, %arg8: memref<64x1xf32, #tpu.memory_space<vmem>>, %arg9: memref<1x1xf32, #tpu.memory_space<vmem>>, %arg10: memref<128x1xf32, #tpu.memory_space<vmem>>) attributes {dimension_semantics = [#tpu.dimension_semantics<arbitrary>], iteration_bounds = array<i64: 16>, scalar_prefetch = 0 : i64, scratch_operands = 0 : i64, tpu.core_type = #tpu.core_type<tc>, window_params = [{transform_indices = @transform_0, window_bounds = array<i64: 6400, 128>}, {pipeline_mode = #tpu.pipeline_mode<synchronous>, transform_indices = @transform_1, window_bounds = array<i64: 128, 256>}, {pipeline_mode = #tpu.pipeline_mode<synchronous>, transform_indices = @transform_2, window_bounds = array<i64: 1, 256>}, {pipeline_mode = #tpu.pipeline_mode<synchronous>, transform_indices = @transform_3, window_bounds = array<i64: 256, 256>}, {pipeline_mode = #tpu.pipeline_mode<synchronous>, transform_indices = @transform_4, window_bounds = array<i64: 1, 64>}, {pipeline_mode = #tpu.pipeline_mode<synchronous>, transform_indices = @transform_5, window_bounds = array<i64: 64, 64>}, {pipeline_mode = #tpu.pipeline_mode<synchronous>, transform_indices = @transform_6, window_bounds = array<i64: 1, 64>}, {pipeline_mode = #tpu.pipeline_mode<synchronous>, transform_indices = @transform_7, window_bounds = array<i64: 64, 1>}, {pipeline_mode = #tpu.pipeline_mode<synchronous>, transform_indices = @transform_8, window_bounds = array<i64: 1, 1>}, {transform_indices = @transform_9, window_bounds = array<i64: 128, 1>}]} {
    %get3A = arith.constant 0 : index
    %get3A_0 = arith.constant 0 : index
    %get3A_1 = vector.load %arg1[%get3A, %get3A_0] : memref<6400x128xf32, #tpu.memory_space<vmem>>, vector<6400x128xf32>
    %get3A_2 = arith.constant 0 : index
    %get3A_3 = arith.constant 0 : index
    %get3A_4 = vector.load %arg2[%get3A_2, %get3A_3] : memref<128x256xf32, #tpu.memory_space<vmem>>, vector<128x256xf32>
    %convert_element_type3A = arith.truncf %get3A_1 : vector<6400x128xf32> to vector<6400x128xbf16>
    %convert_element_type3A_5 = arith.truncf %get3A_4 : vector<128x256xf32> to vector<128x256xbf16>
    %dot_general3A = arith.constant dense<0.000000e+00> : vector<6400x256xf32>
    %dot_general3A_6 = tpu.matmul %convert_element_type3A, %convert_element_type3A_5, %dot_general3A {dimension_numbers = #tpu.dot_dimension_numbers<[1], [0], [0], [1], [0, 0, 1, 1], [], []>, transpose_lhs_hint = false} : vector<6400x128xbf16>, vector<128x256xbf16>, vector<6400x256xf32> -> vector<6400x256xf32>
    %get3A_7 = arith.constant 0 : index
    %get3A_8 = arith.constant 0 : index
    %get3A_9 = vector.load %arg3[%get3A_7, %get3A_8] : memref<1x256xf32, #tpu.memory_space<vmem>>, vector<1x256xf32>
    %add3A = vector.broadcast %get3A_9 : vector<1x256xf32> to vector<6400x256xf32>
    %add3A_10 = arith.addf %dot_general3A_6, %add3A : vector<6400x256xf32>
    %max3A = arith.constant 0.000000e+00 : f32
    %max3A_11 = vector.broadcast %max3A : f32 to vector<6400x256xf32>
    %max3A_12 = arith.maximumf %add3A_10, %max3A_11 : vector<6400x256xf32>
    %get3A_13 = arith.constant 0 : index
    %get3A_14 = arith.constant 0 : index
    %get3A_15 = vector.load %arg4[%get3A_13, %get3A_14] : memref<256x256xf32, #tpu.memory_space<vmem>>, vector<256x256xf32>
    %convert_element_type3A_16 = arith.truncf %max3A_12 : vector<6400x256xf32> to vector<6400x256xbf16>
    %convert_element_type3A_17 = arith.truncf %get3A_15 : vector<256x256xf32> to vector<256x256xbf16>
    %dot_general3A_18 = arith.constant dense<0.000000e+00> : vector<6400x256xf32>
    %dot_general3A_19 = tpu.matmul %convert_element_type3A_16, %convert_element_type3A_17, %dot_general3A_18 {dimension_numbers = #tpu.dot_dimension_numbers<[1], [0], [0], [1], [0, 0, 1, 1], [], []>, transpose_lhs_hint = false} : vector<6400x256xbf16>, vector<256x256xbf16>, vector<6400x256xf32> -> vector<6400x256xf32>
    %reshape3A = vector.shape_cast %dot_general3A_19 : vector<6400x256xf32> to vector<128x50x256xf32>
    %reduce_sum3A = arith.constant dense<0.000000e+00> : vector<128x256xf32>
    %reduce_sum3A_20 = vector.multi_reduction <add>, %reshape3A, %reduce_sum3A [1] : vector<128x50x256xf32> to vector<128x256xf32>
    %div3A = arith.constant 5.000000e+01 : f32
    %div3A_21 = vector.broadcast %div3A : f32 to vector<128x256xf32>
    %div3A_22 = arith.divf %reduce_sum3A_20, %div3A_21 : vector<128x256xf32>
    %slice3A = vector.extract_strided_slice %div3A_22 {offsets = [0, 0], sizes = [128, 64], strides = [1, 1]} : vector<128x256xf32> to vector<128x64xf32>
    %slice3A_23 = vector.extract_strided_slice %div3A_22 {offsets = [0, 64], sizes = [128, 64], strides = [1, 1]} : vector<128x256xf32> to vector<128x64xf32>
    %add3A_24 = arith.addf %slice3A, %slice3A_23 : vector<128x64xf32>
    %slice3A_25 = vector.extract_strided_slice %div3A_22 {offsets = [0, 128], sizes = [128, 64], strides = [1, 1]} : vector<128x256xf32> to vector<128x64xf32>
    %add3A_26 = arith.addf %add3A_24, %slice3A_25 : vector<128x64xf32>
    %slice3A_27 = vector.extract_strided_slice %div3A_22 {offsets = [0, 192], sizes = [128, 64], strides = [1, 1]} : vector<128x256xf32> to vector<128x64xf32>
    %add3A_28 = arith.addf %add3A_26, %slice3A_27 : vector<128x64xf32>
    %mul3A = arith.constant 2.500000e-01 : f32
    %mul3A_29 = vector.broadcast %mul3A : f32 to vector<128x64xf32>
    %mul3A_30 = arith.mulf %mul3A_29, %add3A_28 : vector<128x64xf32>
    %get3A_31 = arith.constant 0 : index
    %get3A_32 = arith.constant 0 : index
    %get3A_33 = vector.load %arg5[%get3A_31, %get3A_32] : memref<1x64xf32, #tpu.memory_space<vmem>>, vector<1x64xf32>
    %add3A_34 = vector.broadcast %get3A_33 : vector<1x64xf32> to vector<128x64xf32>
    %add3A_35 = arith.addf %mul3A_30, %add3A_34 : vector<128x64xf32>
    %get3A_36 = arith.constant 0 : index
    %get3A_37 = arith.constant 0 : index
    %get3A_38 = vector.load %arg6[%get3A_36, %get3A_37] : memref<64x64xf32, #tpu.memory_space<vmem>>, vector<64x64xf32>
    %convert_element_type3A_39 = arith.truncf %add3A_35 : vector<128x64xf32> to vector<128x64xbf16>
    %convert_element_type3A_40 = arith.truncf %get3A_38 : vector<64x64xf32> to vector<64x64xbf16>
    %dot_general3A_41 = arith.constant dense<0.000000e+00> : vector<128x64xf32>
    %dot_general3A_42 = tpu.matmul %convert_element_type3A_39, %convert_element_type3A_40, %dot_general3A_41 {dimension_numbers = #tpu.dot_dimension_numbers<[1], [0], [0], [1], [0, 0, 1, 1], [], []>, transpose_lhs_hint = false} : vector<128x64xbf16>, vector<64x64xbf16>, vector<128x64xf32> -> vector<128x64xf32>
    %get3A_43 = arith.constant 0 : index
    %get3A_44 = arith.constant 0 : index
    %get3A_45 = vector.load %arg7[%get3A_43, %get3A_44] : memref<1x64xf32, #tpu.memory_space<vmem>>, vector<1x64xf32>
    %add3A_46 = vector.broadcast %get3A_45 : vector<1x64xf32> to vector<128x64xf32>
    %add3A_47 = arith.addf %dot_general3A_42, %add3A_46 : vector<128x64xf32>
    %max3A_48 = arith.constant 0.000000e+00 : f32
    %max3A_49 = vector.broadcast %max3A_48 : f32 to vector<128x64xf32>
    %max3A_50 = arith.maximumf %add3A_47, %max3A_49 : vector<128x64xf32>
    %get3A_51 = arith.constant 0 : index
    %get3A_52 = arith.constant 0 : index
    %get3A_53 = vector.load %arg8[%get3A_51, %get3A_52] : memref<64x1xf32, #tpu.memory_space<vmem>>, vector<64x1xf32>
    %convert_element_type3A_54 = arith.truncf %max3A_50 : vector<128x64xf32> to vector<128x64xbf16>
    %convert_element_type3A_55 = arith.truncf %get3A_53 : vector<64x1xf32> to vector<64x1xbf16>
    %dot_general3A_56 = arith.constant dense<0.000000e+00> : vector<128x1xf32>
    %dot_general3A_57 = tpu.matmul %convert_element_type3A_54, %convert_element_type3A_55, %dot_general3A_56 {dimension_numbers = #tpu.dot_dimension_numbers<[1], [0], [0], [1], [0, 0, 1, 1], [], []>, transpose_lhs_hint = false} : vector<128x64xbf16>, vector<64x1xbf16>, vector<128x1xf32> -> vector<128x1xf32>
    %get3A_58 = arith.constant 0 : index
    %get3A_59 = arith.constant 0 : index
    %get3A_60 = vector.load %arg9[%get3A_58, %get3A_59] : memref<1x1xf32, #tpu.memory_space<vmem>>, vector<1x1xf32>
    %add3A_61 = vector.broadcast %get3A_60 : vector<1x1xf32> to vector<128x1xf32>
    %add3A_62 = arith.addf %dot_general3A_57, %add3A_61 : vector<128x1xf32>
    %swap3A = arith.constant 0 : index
    %swap3A_63 = arith.constant 0 : index
    %swap3A_64 = vector.load %arg10[%swap3A, %swap3A_63] : memref<128x1xf32, #tpu.memory_space<vmem>>, vector<128x1xf32>
    tpu.vector_store %arg10[%swap3A, %swap3A_63], %add3A_62 {strides = array<i32>} : memref<128x1xf32, #tpu.memory_space<vmem>>, vector<128x1xf32>,
    return
  }
  func.func @transform_0(%arg0: i32) -> (i32, i32) {
    %c0_i32 = arith.constant 0 : i32
    %c0_i32_0 = arith.constant 0 : i32
    return %arg0, %c0_i32 : i32, i32
  }
  func.func @transform_1(%arg0: i32) -> (i32, i32) {
    %c0_i32 = arith.constant 0 : i32
    %c0_i32_0 = arith.constant 0 : i32
    %c0_i32_1 = arith.constant 0 : i32
    return %c0_i32, %c0_i32_0 : i32, i32
  }
  func.func @transform_2(%arg0: i32) -> (i32, i32) {
    %c0_i32 = arith.constant 0 : i32
    %c0_i32_0 = arith.constant 0 : i32
    %c0_i32_1 = arith.constant 0 : i32
    return %c0_i32, %c0_i32_0 : i32, i32
  }
  func.func @transform_3(%arg0: i32) -> (i32, i32) {
    %c0_i32 = arith.constant 0 : i32
    %c0_i32_0 = arith.constant 0 : i32
    %c0_i32_1 = arith.constant 0 : i32
    return %c0_i32, %c0_i32_0 : i32, i32
  }
  func.func @transform_4(%arg0: i32) -> (i32, i32) {
    %c0_i32 = arith.constant 0 : i32
    %c0_i32_0 = arith.constant 0 : i32
    %c0_i32_1 = arith.constant 0 : i32
    return %c0_i32, %c0_i32_0 : i32, i32
  }
  func.func @transform_5(%arg0: i32) -> (i32, i32) {
    %c0_i32 = arith.constant 0 : i32
    %c0_i32_0 = arith.constant 0 : i32
    %c0_i32_1 = arith.constant 0 : i32
    return %c0_i32, %c0_i32_0 : i32, i32
  }
  func.func @transform_6(%arg0: i32) -> (i32, i32) {
    %c0_i32 = arith.constant 0 : i32
    %c0_i32_0 = arith.constant 0 : i32
    %c0_i32_1 = arith.constant 0 : i32
    return %c0_i32, %c0_i32_0 : i32, i32
  }
  func.func @transform_7(%arg0: i32) -> (i32, i32) {
    %c0_i32 = arith.constant 0 : i32
    %c0_i32_0 = arith.constant 0 : i32
    %c0_i32_1 = arith.constant 0 : i32
    return %c0_i32, %c0_i32_0 : i32, i32
  }
  func.func @transform_8(%arg0: i32) -> (i32, i32) {
    %c0_i32 = arith.constant 0 : i32
    %c0_i32_0 = arith.constant 0 : i32
    %c0_i32_1 = arith.constant 0 : i32
    return %c0_i32, %c0_i32_0 : i32, i32
  }
  func.func @transform_9(%arg0: i32) -> (i32, i32) {
    %c0_i32 = arith.constant 0 : i32
    %c0_i32_0 = arith.constant 0 : i32
    return %arg0, %c0_i32 : i32, i32
  }
}

</mosaic_0001>

<sc_bundles>
// kernel: kernel.10.cloned.1.call-start
scs
__scs_entry_jumppad:
0x0: {  	(pc) =	sbr.rel $0x88, $3  }
0x1: {  	(tag) =	ssettag $0x0;
	lr =	simm.s32 $0x1  }
0x2: {  	[smem:$0x3F97] =	sst lr;
	_ =	strace $0xD0000000  }
0x3: {  	_ = 	snop  }
0x4: {  	_ = 	snop  }
0x5: {  	_ = 	snop  }
0x6: {  	_ = 	snop  }
0x7: {  	_ = 	snop  }
__scs_overlays_trampoline_lowered:
0x8: {  	[smem:$0x3FA6] =	sst s0  }
0x9: {  	[smem:$0x3FA7] =	sst s1  }
0xa: {  	[smem:$0x3FA8] =	sst s2  }
0xb: {  	[smem:$0x3FA9] =	sst s3  }
0xc: {  	[smem:$0x3FAA] =	sst s4  }
0xd: {  	[smem:$0x3FAB] =	sst s5  }
0xe: {  	[smem:$0x3FAC] =	sst s6  }
0xf: {  	[smem:$0x3FAD] =	sst s7  }
0x10: {  	[smem:$0x3FAE] =	sst s8  }
0x11: {  	[smem:$0x3FAF] =	sst s9;
	s0 =	simm.s32 @!p0 $0x0  }
0x12: {  	s1 =	sld [smem:$0x3F95];
	s0 =	simm.s32 @p0 $0x1  }
0x13: {  	[smem:$0x3FB0] =	sst s0;
	s0 =	simm.s32 @!p1 $0x0  }
0x14: {  	s2 =	sld [smem:$0x3F94];
	s0 =	simm.s32 @p1 $0x1  }
0x15: {  	[smem:$0x3FB1] =	sst s0;
	s0 =	simm.s32 @!p2 $0x0  }
0x16: {  	s3 =	sld [smem:$0x3FDB];
	s0 =	simm.s32 @p2 $0x1  }
0x17: {  	s4 =	simm.s32 $0x1BF5;
	[smem:$0x3FB3] =	sst s0  }
0x18: {  	s0 =	sld [smem:$0x3F96];
	_ =	swait.ge [sflag:s4], $0x0  }
0x19: {  	s7 =	sld [smem:$0x3F97]  }
0x1a: {  	s8 =	sadd.s32 $0xFFFFE003, lr  }
0x1b: {  	s9 =	sadd.s32 $0xFFFFFEF7, lr;
	s5 =	simm.s32 $0xFFFFFFFF;
	p2 =	slt.u32 s8, $0xFFFFF086  }
0x1c: {  	p1 =	slt.u32 s9, $0xF7A;
	s5 =	simm.s32 @!p2 $0x0  }
0x1d: {  	s5 =	simm.s32 @p1 $0x1;
	p0 =	seq.s32 s7, s2  }
0x1e: {  	s7 =	smul.u32 @!p0 $0xF7A, s2;
	p2 =	seq.s32 @!p0 s5, $0x0  }
0x1f: {  	s9 =	smul.u32 $0xF7A, s1;
	s8 =	simm.s32 @!p0 $0x1BF5;
	p2 =	por !p2, p0  }
0x20: {  	[sflag:s8] =	ssyncset.s32 @!p0 $0xFFFFF086;
	s6 =	sadd.s32 @!p0 s3, s7;
	s7 =	simm.s32 @!p0 $0x108  }
0x21: {  	s3 =	sadd.s32 s3, s9;
	s6 =	sadd.s32 @!p0 $0x88, s6;
	s7 =	simm.s32 @p2 $0x1082  }
0x22: {  	[simem:s7], [sflag:s8] =	dma.local @!p0 [hbm:s6], $0xF7A  }
0x23: {  	s9 =	sor.u32 $0xD0000000, s2;
	s6 =	simm.s32 $0x108;
	_ =	swait.ge @!p0 [sflag:s8], $0x0  }
0x24: {  	s3 =	sadd.s32 $0x88, s3;
	s6 =	simm.s32 @!p1 $0x1082;
	[sflag:s4] =	ssyncset.s32 $0xFFFFF086  }
0x25: {  	[simem:s6], [sflag:s4] =	dma.local [hbm:s3], $0xF7A  }
0x26: {  	[smem:$0x3F97] =	sst s1;
	(tag) =	ssettag s2;
	_ =	strace s9  }
0x27: {  	s1 =	sld [smem:$0x3FA7]  }
0x28: {  	s2 =	sld [smem:$0x3FA8]  }
0x29: {  	s4 =	sld [smem:$0x3FAA]  }
0x2a: {  	p0 =	seq.s32 s5, $0x0;
	s5 =	sld [smem:$0x3FAB]  }
0x2b: {  	s6 =	sld [smem:$0x3FAC]  }
0x2c: {  	s7 =	sld [smem:$0x3FAD]  }
0x2d: {  	s3 =	simm.s32 $0x108;
	s8 =	sld [smem:$0x3FAE]  }
0x2e: {  	s3 =	simm.s32 @!p0 $0x1082;
	s9 =	sld [smem:$0x3FAF]  }
0x2f: {  	lr =	sadd.s32 s0, s3;
	s0 =	sld [smem:$0x3FA6]  }
0x30: {  	s3 =	sld [smem:$0x3FA9]  }
0x31: {  	[smem:$0x3FB2] =	sst s10  }
0x32: {  	s10 =	sld [smem:$0x3FB0];
	_ =	sdelay $0x3  }
0x33: {  	p0 =	seq.s32 s10, $0x1;
	s10 =	sld [smem:$0x3FB2];
	_ =	sdelay $0x3  }
0x34: {  	[smem:$0x3FB2] =	sst s10  }
0x35: {  	s10 =	sld [smem:$0x3FB1];
	_ =	sdelay $0x3  }
0x36: {  	p1 =	seq.s32 s10, $0x1;
	s10 =	sld [smem:$0x3FB2];
	_ =	sdelay $0x3  }
0x37: {  	[smem:$0x3FB2] =	sst s10  }
0x38: {  	s10 =	sld [smem:$0x3FB3]  }
0x39: {  	_ = 	snop;
	(pc) =	sbr.ind lr, $3  }
0x3a: {  	_ = 	snop  }
0x3b: {  	_ = 	snop  }
0x3c: {  	p2 =	seq.s32 s10, $0x1;
	s10 =	sld [smem:$0x3FB2]  }
0x3d: {  	_ =	shalt  }
0x3e: {  	_ =	shalt  }
0x3f: {  	_ =	shalt  }
0x40: {  	_ =	shalt  }
0x41: {  	_ =	shalt  }
0x42: {  	_ =	shalt  }
0x43: {  	_ =	shalt  }
0x44: {  	_ =	shalt  }
0x45: {  	_ =	shalt  }
0x46: {  	_ =	shalt  }
0x47: {  	_ =	shalt  }
0x48: {  	_ =	shalt  }
0x49: {  	_ =	shalt  }
0x4a: {  	_ =	shalt  }
0x4b: {  	_ =	shalt  }
0x4c: {  	_ =	shalt  }
0x4d: {  	_ =	shalt  }
0x4e: {  	_ =	shalt  }
0x4f: {  	_ =	shalt  }
0x50: {  	_ =	shalt  }
0x51: {  	_ =	shalt  }
0x52: {  	_ =	shalt  }
0x53: {  	_ =	shalt  }
0x54: {  	_ =	shalt  }
0x55: {  	_ =	shalt  }
0x56: {  	_ =	shalt  }
0x57: {  	_ =	shalt  }
0x58: {  	_ =	shalt  }
0x59: {  	_ =	shalt  }
0x5a: {  	_ =	shalt  }
0x5b: {  	_ =	shalt  }
0x5c: {  	_ =	shalt  }
0x5d: {  	_ =	shalt  }
0x5e: {  	_ =	shalt  }
0x5f: {  	_ =	shalt  }
0x60: {  	_ =	shalt  }
0x61: {  	_ =	shalt  }
0x62: {  	_ =	shalt  }
0x63: {  	_ =	shalt  }
0x64: {  	_ =	shalt  }
0x65: {  	_ =	shalt  }
0x66: {  	_ =	shalt  }
0x67: {  	_ =	shalt  }
0x68: {  	_ =	shalt  }
0x69: {  	_ =	shalt  }
0x6a: {  	_ =	shalt  }
0x6b: {  	_ =	shalt  }
0x6c: {  	_ =	shalt  }
0x6d: {  	_ =	shalt  }
0x6e: {  	_ =	shalt  }
0x6f: {  	_ =	shalt  }
0x70: {  	_ =	shalt  }
0x71: {  	_ =	shalt  }
0x72: {  	_ =	shalt  }
0x73: {  	_ =	shalt  }
0x74: {  	_ =	shalt  }
0x75: {  	_ =	shalt  }
0x76: {  	_ =	shalt  }
0x77: {  	_ =	shalt  }
0x78: {  	_ =	shalt  }
0x79: {  	_ =	shalt  }
0x7a: {  	_ =	shalt  }
0x7b: {  	_ =	shalt  }
0x7c: {  	_ =	shalt  }
0x7d: {  	_ =	shalt  }
0x7e: {  	_ =	shalt  }
0x7f: {  	_ =	shalt  }
0x80: {  	_ =	shalt  }
0x81: {  	_ =	shalt  }
0x82: {  	_ =	shalt  }
0x83: {  	_ =	shalt  }
0x84: {  	_ =	shalt  }
0x85: {  	_ =	shalt  }
0x86: {  	_ =	shalt  }
0x87: {  	_ =	shalt  }
.Lfunc_end0:
.L_simem_size_0:
called_computation.1_lowered:
.L_overlay_start_0:
0x88: {  	s2 =	sld [smem:$0x3FD9]  }
0x89: {  	s3 =	sld [smem:$0x3FFE];
	_ =	sdelay $0x1  }
0x8a: {  	s1 =	srdreg.scid  }
0x8b: {  	s0 =	sand.u32 $0x1, s1  }
0x8c: {  	s16 =	sshll.u32 s0, $0xA;
	s2 =	sadd.s32 s3, s2  }
0x8d: {  	s2 =	sadd.s32 s2, s16  }
0x8e: {  	[smem:$0x3FBE] =	sst s2  }
0x8f: {  	_ = 	snop  }
0x90: {  	(tm) =	ssettm $0x1  }
0x91: {  	s17 =	sld [smem:$0x3FFB];
	_ =	sdelay $0x3  }
0x92: {  	_ =	strace s17  }
0x93: {  	s2 =	sld [smem:$0x3FFC];
	_ =	sdelay $0x3  }
0x94: {  	_ =	strace s2  }
0x95: {  	s2 =	sld [smem:$0x3FFD];
	_ =	sdelay $0x3  }
0x96: {  	_ =	strace s2  }
0x97: {  	_ =	strace $0x8FFFFFFF  }
0x98: {  	s18 =	sld [smem:$0x3FDB];
	_ =	sdelay $0x1  }
0x99: {  	s19 =	simm.s32 $_scs_section_size  }
0x9a: {  	s4 =	simm.s32 $_size__tile_overlayer_lowered;
	s5 =	simm.s32 $_tile_overlayer_lowered  }
0x9b: {  	s22 =	simm.s32 $0x1BFF;
	s21 =	sshll.u32 s5, $0x1;
	s2 =	sadd.s32 s19, s18  }
0x9c: {  	s6 =	simm.s32 $0x0;
	s20 =	sshll.u32 s4, $0x1;
	s4 =	sadd.s32 s21, s2  }
0x9d: {  	[timem:s6], [sflag:s22] =	dma.local [hbm:s4], s20  }
0x9e: {  	_ =	swait.ge [sflag:s22], s20  }
0x9f: {  	s3 =	ssub.s32 $0x0, s20;
	[sflag:s22] =	ssyncset.done $0x0  }
0xa0: {  	[sflag:s22] =	ssyncadd.s32 s3;
	_ =	sdelay $0x1  }
0xa1: {  	s23 =	simm.s32 $0x1B8B  }
0xa2: {  	_ =	swait.ge [sflag:s23], $0x1  }
0xa3: {  	[sflag:s23] =	ssyncset.done $0x0  }
0xa4: {  	s25 =	simm.s32 $0x1B8E;
	s24 =	sld [smem:$0x3FFE];
	[sflag:s23] =	ssyncadd.s32 $0xFFFFFFFF  }
0xa5: {  	s26 =	simm.s32 $execute0_lowered;
	[smem:$0x3FD2] =	sst s25  }
0xa6: {  	s4 =	sshll.u32 s26, $0x1;
	_ =	strace $0x80000046;
	[dreg:$0x1] =	wrdreg $0xFFFFFFFF  }
0xa7: {  	s28 =	simm.s32 $_size_execute0_lowered;
	s2 =	sadd.s32 s2, s4;
	[dreg:$0x0] =	wrdreg $0x0  }
0xa8: {  	s4 =	sshll.u32 s28, $0x1;
	[dreg:$0x2] =	wrdreg s2  }
0xa9: {  	[dreg:$0x3] =	wrdreg s4  }
0xaa: {  	[dreg:$0x4] =	wrdreg $0xC0  }
0xab: {  	_ =	task [dreg:s6], $0x5FFFF  }
0xac: {  	[dreg:$0x1] =	wrdreg $0xFFFFFFFF  }
0xad: {  	[dreg:$0x0] =	wrdreg $0x60  }
0xae: {  	[dreg:$0x2] =	wrdreg s24  }
0xaf: {  	[dreg:$0x3] =	wrdreg $0xA  }
0xb0: {  	_ =	task.clear_ibuf [dreg:s6], $0x4FFFF;
	_ =	strace $0x90000046  }
0xb1: {  	s29 =	simm.s32 $0xA;
	_ =	strace $0x80000048  }
0xb2: {  	_ =	swait.ge [sflag:s29], $0x1  }
0xb3: {  	[sflag:s29] =	ssyncadd.s32 $0xFFFFFFFF  }
0xb4: {  	_ =	strace $0x90000048  }
0xb5: {  	_ =	sfence  }
0xb6: {  	s30 =	sld [smem:$0x0];
	_ =	sdelay $0x2  }
0xb7: {  	s31 =	sshll.u32 s1, $0xD;
	s1 =	sshrl.u32 s1, $0x2  }
0xb8: {  	s3 =	sand.u32 $0x4000, s31;
	s1 =	sadd.s32 s1, s30  }
0xb9: {  	s0 =	sor.u32 s3, s0;
	s1 =	sshll.u32 s1, $0x11  }
0xba: {  	s0 =	sor.u32 s1, s0  }
0xbb: {  	s0 =	sadd.s32 $0x8F2B, s0  }
0xbc: {  	[sflag:s0] =	ssyncadd.remote.s32 $0x1  }
0xbd: {  	_ =	sfence.sel $0xFFFF  }
0xbe: {  	[dreg:$0x0] =	wrdreg $0xFFFFFFFF;
	(pc) =	sbr.abs _section_cstart, $3  }
0xbf: {  	[dreg:$0x1] =	wrdreg $0xFFFFFFFF  }
0xc0: {  	_ =	task.clear_ibuf [dreg:s6], $0x2FFFF;
	_ =	strace $0x9FFFFFFF  }
0xc1: {  	(tm) =	ssettm $0x7FFFFFFF  }
tec
execute0_lowered:
.L_overlay_start_1:
0x0: {  	(tag) =	ssettag $0x1  }
0x1: {  	s0 =	srdreg.scid;
	s8 =	stileid.u32  }
0x2: {  	s0 =	sand.u32 $0x1, s0;
	s1 =	smul.u32 $0xC8, s8  }
0x3: {  	s2 =	smul.u32 $0x64, s0;
	_ =	sdelay $0x1  }
0x4: {  	s4 =	rddreg [dreg:$0x0];
	s1 =	sadd.s32 s2, s1;
	s2 =	simm.s32 $0x0  }
0x5: {  	s30 =	simm.s32 $0x1A00;
	[smem:$0x7FF] =	sst s2  }
0x6: {  	s7 =	simm.s32 $0x100;
	_ =	strace $0x80000047;
	[dreg:$0x4] =	wrdreg s30  }
0x7: {  	s9 =	simm.s32 $0x2A00;
	[dreg:$0x5] =	wrdreg s7  }
0x8: {  	s10 =	simm.s32 $0x180;
	[dreg:$0x6] =	wrdreg s9  }
0x9: {  	s12 =	simm.s32 $0x3A00;
	s13 =	simm.s32 $0x200;
	[dreg:$0x7] =	wrdreg s10  }
0xa: {  	s14 =	simm.s32 $0x4A00;
	s16 =	simm.s32 $0x280;
	[dreg:$0x8] =	wrdreg s12  }
0xb: {  	s17 =	simm.s32 $0x5A00;
	s18 =	simm.s32 $0x300;
	[dreg:$0x9] =	wrdreg s13  }
0xc: {  	s19 =	simm.s32 $0x6A00;
	s21 =	simm.s32 $0x380;
	[dreg:$0xa] =	wrdreg s14  }
0xd: {  	s22 =	simm.s32 $0x7A00;
	s23 =	simm.s32 $0x400;
	[dreg:$0xb] =	wrdreg s16  }
0xe: {  	s24 =	simm.s32 $0x8A00;
	s25 =	simm.s32 $0x480;
	[dreg:$0xc] =	wrdreg s17  }
0xf: {  	s26 =	simm.s32 $0x9A00;
	s28 =	simm.s32 $0x580;
	[dreg:$0xd] =	wrdreg s18  }
0x10: {  	s3 =	sadd.s32 $0x1A600, s4;
	s11 =	smul.u32 $0x6400, s8;
	[dreg:$0xe] =	wrdreg s19  }
0x11: {  	s29 =	sadd.s32 $0x3FA600, s4;
	s20 =	smul.u32 $0x19000, s8;
	[dreg:$0xf] =	wrdreg s21  }
0x12: {  	s8 =	simm.s32 $0x80;
	s31 =	ssub.s32 $0x2, s0;
	[dreg:$0x10] =	wrdreg s22  }
0x13: {  	s6 =	sshrl.u32 s31, $0x1;
	s1 =	sshll.u32 s1, $0x4;
	[dreg:$0x11] =	wrdreg s23  }
0x14: {  	s1 =	sadd.s32 s1, s4;
	s7 =	smul.u32 $0x3200, s0;
	[dreg:$0x12] =	wrdreg s24  }
0x15: {  	s4 =	ssub.s32 s31, s6;
	s0 =	smul.u32 $0xC800, s0;
	[dreg:$0x13] =	wrdreg s25  }
0x16: {  	s9 =	simm.s32 $0xA00;
	[dreg:$0x14] =	wrdreg s26;
	s10 =	simm.s32 $0x1  }
0x17: {  	[dreg:$0x15] =	wrdreg s28;
	s30 =	simm.s32 $0x600;
	s12 =	simm.s32 $0xAA00  }
0x18: {  	s31 =	simm.s32 $0xCA00;
	s6 =	simm.s32 $0x680;
	s13 =	simm.s32 $0xDA00  }
0x19: {  	s14 =	simm.s32 $0x700;
	s16 =	simm.s32 $0x780;
	s17 =	simm.s32 $0xFA00  }
0x1a: {  	s19 =	simm.s32 $0x800;
	s21 =	simm.s32 $0x880;
	[dreg:$0x17] =	wrdreg s30  }
0x1b: {  	s22 =	simm.s32 $0x11A00;
	s5 =	sadd.s32 $0xDEA0, s1;
	[dreg:$0x18] =	wrdreg s31  }
0x1c: {  	s23 =	simm.s32 $0x900;
	s1 =	sadd.s32 $0xDE00, s1;
	[dreg:$0x2] =	wrdreg s5  }
0x1d: {  	s24 =	simm.s32 $0x12A00;
	s4 =	smax.u32 s4, $0x1;
	[dreg:$0x3] =	wrdreg s1  }
0x1e: {  	s25 =	simm.s32 $0x980;
	s26 =	simm.s32 $0x13A00;
	[dreg:$0x19] =	wrdreg s4  }
0x1f: {  	s15 =	sadd.s32 s7, s11;
	s5 =	sadd.s32 s20, s29;
	s7 =	simm.s32 $0x4  }
0x20: {  	s11 =	simm.s32 $0x500;
	s4 =	sshll.u32 s15, $0x2;
	s0 =	sadd.s32 s0, s5  }
0x21: {  	s4 =	sadd.s32 s29, s4;
	[dreg:$0x1b] =	wrdreg s0;
	s29 =	simm.s32 $0xBA00  }
0x22: {  	s20 =	simm.s32 $0x10A00;
	s4 =	sadd.s32 $0x1400, s4;
	[dreg:$0x16] =	wrdreg s29  }
0x23: {  	s15 =	simm.s32 $0xEA00;
	[dreg:$0x1a] =	wrdreg s4;
	s4 =	simm.s32 $0x0  }
.LBB2_1:
0x24: {  	p0 =	por $0x1, $0x1  }
0x25: {  	[dreg:$0x1c] =	wrdreg s4;
	s0 =	simm.s32 @!p0 $0x2  }
0x26: {  	_ =	swait.ge @!p0 [sflag:s0], $0xA000  }
0x27: {  	s1 =	rddreg [dreg:$0x3];
	[sflag:s0] =	ssyncset.done @!p0 $0x0  }
0x28: {  	[sflag:s0] =	ssyncadd.s32 @!p0 $0xFFFF6000;
	s1 =	sadd.s32 $0x0, s1  }
0x29: {  	[tilespmem:s2], [sflag:$0x4] =	stream.linear.gather [hbm4b:s1+s2], $0x500, $0x38;
	[tilespmem:$0x14A00] =	vst v63  }
0x2a: {  	_ =	swait.ge [sflag:s7], $0x500  }
0x2b: {  	s4 =	rddreg [dreg:$0x5]  }
0x2c: {  	s18 =	rddreg [dreg:$0x4]  }
0x2d: {  	s5 =	rddreg [dreg:$0x6]  }
0x2e: {  	[sflag:s7] =	ssyncset.done $0x0;
	s28 =	rddreg [dreg:$0x8]  }
0x2f: {  	s29 =	rddreg [dreg:$0x7];
	[sflag:s7] =	ssyncadd.s32 $0xFFFFFB00  }
0x30: {  	[tilespmem:s9], [sflag:$0x1] =	stream.indirect.gather [hbm4b:s3+s8], $0x20, s2, s8, $0xb8;
	[tilespmem:$0x14A00] =	vst v63  }
0x31: {  	s30 =	rddreg [dreg:$0xa]  }
0x32: {  	[tilespmem:s18], [sflag:$0x1] =	stream.indirect.gather [hbm4b:s3+s8], $0x20, s8, s8, $0xb8;
	[tilespmem:$0x14A00] =	vst v63  }
0x33: {  	s18 =	rddreg [dreg:$0xc]  }
0x34: {  	[tilespmem:s5], [sflag:$0x1] =	stream.indirect.gather [hbm4b:s3+s8], $0x20, s4, s8, $0xb8;
	[tilespmem:$0x14A00] =	vst v63  }
0x35: {  	s4 =	rddreg [dreg:$0x9]  }
0x36: {  	[tilespmem:s28], [sflag:$0x1] =	stream.indirect.gather [hbm4b:s3+s8], $0x20, s29, s8, $0xb8;
	[tilespmem:$0x14A00] =	vst v63  }
0x37: {  	s29 =	rddreg [dreg:$0xb]  }
0x38: {  	[tilespmem:s30], [sflag:$0x1] =	stream.indirect.gather [hbm4b:s3+s8], $0x20, s4, s8, $0xb8;
	[tilespmem:$0x14A00] =	vst v63  }
0x39: {  	s30 =	rddreg [dreg:$0xe]  }
0x3a: {  	s4 =	rddreg [dreg:$0xd]  }
0x3b: {  	[tilespmem:s18], [sflag:$0x1] =	stream.indirect.gather [hbm4b:s3+s8], $0x20, s29, s8, $0xb8;
	[tilespmem:$0x14A00] =	vst v63  }
0x3c: {  	s18 =	rddreg [dreg:$0x10]  }
0x3d: {  	s29 =	rddreg [dreg:$0xf]  }
0x3e: {  	[tilespmem:s30], [sflag:$0x1] =	stream.indirect.gather [hbm4b:s3+s8], $0x20, s4, s8, $0xb8;
	[tilespmem:$0x14A00] =	vst v63  }
0x3f: {  	s30 =	rddreg [dreg:$0x12]  }
0x40: {  	s4 =	rddreg [dreg:$0x11]  }
0x41: {  	[tilespmem:s18], [sflag:$0x1] =	stream.indirect.gather [hbm4b:s3+s8], $0x20, s29, s8, $0xb8;
	[tilespmem:$0x14A00] =	vst v63  }
0x42: {  	s18 =	rddreg [dreg:$0x14]  }
0x43: {  	[tilespmem:s30], [sflag:$0x1] =	stream.indirect.gather [hbm4b:s3+s8], $0x20, s4, s8, $0xb8;
	[tilespmem:$0x14A00] =	vst v63  }
0x44: {  	s29 =	rddreg [dreg:$0x13]  }
0x45: {  	[tilespmem:s18], [sflag:$0x1] =	stream.indirect.gather [hbm4b:s3+s8], $0x20, s29, s8, $0xb8;
	[tilespmem:$0x14A00] =	vst v63  }
0x46: {  	_ =	swait.ge [sflag:s10], $0x1000  }
0x47: {  	[sflag:s10] =	ssyncset.done $0x0  }
0x48: {  	[sflag:s10] =	ssyncadd.s32 $0xFFFFF000  }
0x49: {  	_ =	swait.ge [sflag:s10], $0x1000  }
0x4a: {  	[sflag:s10] =	ssyncset.done $0x0  }
0x4b: {  	[sflag:s10] =	ssyncadd.s32 $0xFFFFF000  }
0x4c: {  	_ =	swait.ge [sflag:s10], $0x1000  }
0x4d: {  	[sflag:s10] =	ssyncset.done $0x0  }
0x4e: {  	[sflag:s10] =	ssyncadd.s32 $0xFFFFF000  }
0x4f: {  	_ =	swait.ge [sflag:s10], $0x1000  }
0x50: {  	[sflag:s10] =	ssyncset.done $0x0  }
0x51: {  	[sflag:s10] =	ssyncadd.s32 $0xFFFFF000  }
0x52: {  	_ =	swait.ge [sflag:s10], $0x1000  }
0x53: {  	[sflag:s10] =	ssyncset.done $0x0  }
0x54: {  	[sflag:s10] =	ssyncadd.s32 $0xFFFFF000  }
0x55: {  	_ =	swait.ge [sflag:s10], $0x1000  }
0x56: {  	[sflag:s10] =	ssyncset.done $0x0  }
0x57: {  	[sflag:s10] =	ssyncadd.s32 $0xFFFFF000  }
0x58: {  	_ =	swait.ge [sflag:s10], $0x1000  }
0x59: {  	[sflag:s10] =	ssyncset.done $0x0  }
0x5a: {  	[sflag:s10] =	ssyncadd.s32 $0xFFFFF000  }
0x5b: {  	_ =	swait.ge [sflag:s10], $0x1000  }
0x5c: {  	[sflag:s10] =	ssyncset.done $0x0  }
0x5d: {  	[sflag:s10] =	ssyncadd.s32 $0xFFFFF000  }
0x5e: {  	_ =	swait.ge [sflag:s10], $0x1000  }
0x5f: {  	[sflag:s10] =	ssyncset.done $0x0  }
0x60: {  	[sflag:s10] =	ssyncadd.s32 $0xFFFFF000  }
0x61: {  	_ =	swait.ge [sflag:s10], $0x1000  }
0x62: {  	[sflag:s10] =	ssyncset.done $0x0  }
0x63: {  	s0 =	simm.s32 @!p0 $0x3;
	s4 =	rddreg [dreg:$0x1b];
	[sflag:s10] =	ssyncadd.s32 $0xFFFFF000  }
0x64: {  	[hbm4b:s4+s2] =	stream.linear.scatter [tilespmem:s9], [sflag:$0x2], $0xA000, $0x38;
	[tilespmem:$0x14A00] =	vst v63  }
0x65: {  	_ =	swait.ge @!p0 [sflag:s0], $0xA000  }
0x66: {  	s30 =	rddreg [dreg:$0x2];
	[sflag:s0] =	ssyncset.done @!p0 $0x0  }
0x67: {  	[sflag:s0] =	ssyncadd.s32 @!p0 $0xFFFF6000;
	s5 =	sadd.s32 $0x0, s30  }
0x68: {  	[tilespmem:s11], [sflag:$0x4] =	stream.linear.gather [hbm4b:s5+s2], $0x500, $0x38;
	[tilespmem:$0x14A00] =	vst v63  }
0x69: {  	_ =	swait.ge [sflag:s7], $0x500  }
0x6a: {  	s0 =	rddreg [dreg:$0x17];
	[sflag:s7] =	ssyncset.done $0x0  }
0x6b: {  	s18 =	rddreg [dreg:$0x15];
	[sflag:s7] =	ssyncadd.s32 $0xFFFFFB00  }
0x6c: {  	[tilespmem:s12], [sflag:$0x1] =	stream.indirect.gather [hbm4b:s3+s8], $0x20, s11, s8, $0xb8;
	[tilespmem:$0x14A00] =	vst v63  }
0x6d: {  	s29 =	rddreg [dreg:$0x16]  }
0x6e: {  	[tilespmem:s29], [sflag:$0x1] =	stream.indirect.gather [hbm4b:s3+s8], $0x20, s18, s8, $0xb8;
	[tilespmem:$0x14A00] =	vst v63  }
0x6f: {  	s30 =	rddreg [dreg:$0x18]  }
0x70: {  	[tilespmem:s30], [sflag:$0x1] =	stream.indirect.gather [hbm4b:s3+s8], $0x20, s0, s8, $0xb8;
	[tilespmem:$0x14A00] =	vst v63  }
0x71: {  	_ = 	snop  }
0x72: {  	[tilespmem:s13], [sflag:$0x1] =	stream.indirect.gather [hbm4b:s3+s8], $0x20, s6, s8, $0xb8;
	[tilespmem:$0x14A00] =	vst v63  }
0x73: {  	_ = 	snop  }
0x74: {  	[tilespmem:s15], [sflag:$0x1] =	stream.indirect.gather [hbm4b:s3+s8], $0x20, s14, s8, $0xb8;
	[tilespmem:$0x14A00] =	vst v63  }
0x75: {  	_ = 	snop  }
0x76: {  	[tilespmem:s17], [sflag:$0x1] =	stream.indirect.gather [hbm4b:s3+s8], $0x20, s16, s8, $0xb8;
	[tilespmem:$0x14A00] =	vst v63  }
0x77: {  	_ = 	snop  }
0x78: {  	[tilespmem:s20], [sflag:$0x1] =	stream.indirect.gather [hbm4b:s3+s8], $0x20, s19, s8, $0xb8;
	[tilespmem:$0x14A00] =	vst v63  }
0x79: {  	_ = 	snop  }
0x7a: {  	[tilespmem:s22], [sflag:$0x1] =	stream.indirect.gather [hbm4b:s3+s8], $0x20, s21, s8, $0xb8;
	[tilespmem:$0x14A00] =	vst v63  }
0x7b: {  	_ = 	snop  }
0x7c: {  	[tilespmem:s24], [sflag:$0x1] =	stream.indirect.gather [hbm4b:s3+s8], $0x20, s23, s8, $0xb8;
	[tilespmem:$0x14A00] =	vst v63  }
0x7d: {  	_ = 	snop  }
0x7e: {  	[tilespmem:s26], [sflag:$0x1] =	stream.indirect.gather [hbm4b:s3+s8], $0x20, s25, s8, $0xb8;
	[tilespmem:$0x14A00] =	vst v63  }
0x7f: {  	_ =	swait.ge [sflag:s10], $0x1000  }
0x80: {  	[sflag:s10] =	ssyncset.done $0x0  }
0x81: {  	[sflag:s10] =	ssyncadd.s32 $0xFFFFF000  }
0x82: {  	_ =	swait.ge [sflag:s10], $0x1000  }
0x83: {  	[sflag:s10] =	ssyncset.done $0x0  }
0x84: {  	[sflag:s10] =	ssyncadd.s32 $0xFFFFF000  }
0x85: {  	_ =	swait.ge [sflag:s10], $0x1000  }
0x86: {  	[sflag:s10] =	ssyncset.done $0x0  }
0x87: {  	[sflag:s10] =	ssyncadd.s32 $0xFFFFF000  }
0x88: {  	_ =	swait.ge [sflag:s10], $0x1000  }
0x89: {  	[sflag:s10] =	ssyncset.done $0x0  }
0x8a: {  	[sflag:s10] =	ssyncadd.s32 $0xFFFFF000  }
0x8b: {  	_ =	swait.ge [sflag:s10], $0x1000  }
0x8c: {  	[sflag:s10] =	ssyncset.done $0x0  }
0x8d: {  	[sflag:s10] =	ssyncadd.s32 $0xFFFFF000  }
0x8e: {  	_ =	swait.ge [sflag:s10], $0x1000  }
0x8f: {  	[sflag:s10] =	ssyncset.done $0x0  }
0x90: {  	[sflag:s10] =	ssyncadd.s32 $0xFFFFF000  }
0x91: {  	_ =	swait.ge [sflag:s10], $0x1000  }
0x92: {  	[sflag:s10] =	ssyncset.done $0x0  }
0x93: {  	[sflag:s10] =	ssyncadd.s32 $0xFFFFF000  }
0x94: {  	_ =	swait.ge [sflag:s10], $0x1000  }
0x95: {  	s31 =	rddreg [dreg:$0x1a]  }
0x96: {  	s1 =	simm.s32 $0x140;
	s0 =	sadd.s32 $0x2800, s4;
	s5 =	smov.u32 s31  }
.LBB2_2:
0x97: {  	[sflag:s10] =	ssyncset.done $0x0  }
0x98: {  	[sflag:s10] =	ssyncadd.s32 $0xFFFFF000  }
0x99: {  	_ =	swait.ge [sflag:s10], $0x1000  }
0x9a: {  	[sflag:s10] =	ssyncset.done $0x0  }
0x9b: {  	[sflag:s10] =	ssyncadd.s32 $0xFFFFF000  }
0x9c: {  	s28 =	smov.u32 s1;
	_ =	swait.ge [sflag:s10], $0x1000  }
0x9d: {  	p1 =	seq.s32 s28, $0x0;
	[sflag:s10] =	ssyncset.done $0x0  }
0x9e: {  	s29 =	simm.s32 @!p1 $0x2;
	[sflag:s10] =	ssyncadd.s32 $0xFFFFF000  }
0x9f: {  	[hbm4b:s31+s2] =	stream.linear.scatter [tilespmem:s12], [sflag:$0x3], $0xA000, $0x38;
	[tilespmem:$0x14A00] =	vst v63  }
0xa0: {  	_ =	swait.ge @!p1 [sflag:s29], $0xA000  }
0xa1: {  	[sflag:s29] =	ssyncset.done @!p1 $0x0;
	s4 =	rddreg [dreg:$0x3]  }
0xa2: {  	[sflag:s29] =	ssyncadd.s32 @!p1 $0xFFFF6000;
	s4 =	sadd.s32 s28, s4  }
0xa3: {  	[tilespmem:s2], [sflag:$0x4] =	stream.linear.gather [hbm4b:s4+s2], $0x500, $0x38;
	[tilespmem:$0x14A00] =	vst v63  }
0xa4: {  	_ =	swait.ge [sflag:s7], $0x500  }
0xa5: {  	s4 =	rddreg [dreg:$0x14]  }
0xa6: {  	s29 =	rddreg [dreg:$0x12]  }
0xa7: {  	s6 =	rddreg [dreg:$0x10]  }
0xa8: {  	s30 =	rddreg [dreg:$0xe]  }
0xa9: {  	s13 =	rddreg [dreg:$0xc]  }
0xaa: {  	s14 =	rddreg [dreg:$0xa]  }
0xab: {  	[sflag:s7] =	ssyncset.done $0x0;
	s15 =	rddreg [dreg:$0x5]  }
0xac: {  	s16 =	rddreg [dreg:$0x4];
	[sflag:s7] =	ssyncadd.s32 $0xFFFFFB00  }
0xad: {  	[tilespmem:s9], [sflag:$0x1] =	stream.indirect.gather [hbm4b:s3+s8], $0x20, s2, s8, $0xb8;
	[tilespmem:$0x14A00] =	vst v63  }
0xae: {  	s17 =	rddreg [dreg:$0x6]  }
0xaf: {  	[tilespmem:s16], [sflag:$0x1] =	stream.indirect.gather [hbm4b:s3+s8], $0x20, s8, s8, $0xb8;
	[tilespmem:$0x14A00] =	vst v63  }
0xb0: {  	s18 =	rddreg [dreg:$0x8]  }
0xb1: {  	[tilespmem:s17], [sflag:$0x1] =	stream.indirect.gather [hbm4b:s3+s8], $0x20, s15, s8, $0xb8;
	[tilespmem:$0x14A00] =	vst v63  }
0xb2: {  	s16 =	rddreg [dreg:$0x7]  }
0xb3: {  	[tilespmem:s18], [sflag:$0x1] =	stream.indirect.gather [hbm4b:s3+s8], $0x20, s16, s8, $0xb8;
	[tilespmem:$0x14A00] =	vst v63  }
0xb4: {  	s15 =	rddreg [dreg:$0x9]  }
0xb5: {  	[tilespmem:s14], [sflag:$0x1] =	stream.indirect.gather [hbm4b:s3+s8], $0x20, s15, s8, $0xb8;
	[tilespmem:$0x14A00] =	vst v63  }
0xb6: {  	s16 =	rddreg [dreg:$0xb]  }
0xb7: {  	[tilespmem:s13], [sflag:$0x1] =	stream.indirect.gather [hbm4b:s3+s8], $0x20, s16, s8, $0xb8;
	[tilespmem:$0x14A00] =	vst v63  }
0xb8: {  	s18 =	rddreg [dreg:$0xd]  }
0xb9: {  	[tilespmem:s30], [sflag:$0x1] =	stream.indirect.gather [hbm4b:s3+s8], $0x20, s18, s8, $0xb8;
	[tilespmem:$0x14A00] =	vst v63  }
0xba: {  	s13 =	rddreg [dreg:$0xf]  }
0xbb: {  	[tilespmem:s6], [sflag:$0x1] =	stream.indirect.gather [hbm4b:s3+s8], $0x20, s13, s8, $0xb8;
	[tilespmem:$0x14A00] =	vst v63  }
0xbc: {  	s18 =	rddreg [dreg:$0x11]  }
0xbd: {  	[tilespmem:s29], [sflag:$0x1] =	stream.indirect.gather [hbm4b:s3+s8], $0x20, s18, s8, $0xb8;
	[tilespmem:$0x14A00] =	vst v63  }
0xbe: {  	s30 =	rddreg [dreg:$0x13]  }
0xbf: {  	[tilespmem:s4], [sflag:$0x1] =	stream.indirect.gather [hbm4b:s3+s8], $0x20, s30, s8, $0xb8;
	[tilespmem:$0x14A00] =	vst v63  }
0xc0: {  	_ =	swait.ge [sflag:s10], $0x1000  }
0xc1: {  	[sflag:s10] =	ssyncset.done $0x0  }
0xc2: {  	[sflag:s10] =	ssyncadd.s32 $0xFFFFF000  }
0xc3: {  	_ =	swait.ge [sflag:s10], $0x1000  }
0xc4: {  	[sflag:s10] =	ssyncset.done $0x0  }
0xc5: {  	[sflag:s10] =	ssyncadd.s32 $0xFFFFF000  }
0xc6: {  	_ =	swait.ge [sflag:s10], $0x1000  }
0xc7: {  	[sflag:s10] =	ssyncset.done $0x0  }
0xc8: {  	[sflag:s10] =	ssyncadd.s32 $0xFFFFF000  }
0xc9: {  	_ =	swait.ge [sflag:s10], $0x1000  }
0xca: {  	[sflag:s10] =	ssyncset.done $0x0  }
0xcb: {  	[sflag:s10] =	ssyncadd.s32 $0xFFFFF000  }
0xcc: {  	_ =	swait.ge [sflag:s10], $0x1000  }
0xcd: {  	[sflag:s10] =	ssyncset.done $0x0  }
0xce: {  	[sflag:s10] =	ssyncadd.s32 $0xFFFFF000  }
0xcf: {  	_ =	swait.ge [sflag:s10], $0x1000  }
0xd0: {  	[sflag:s10] =	ssyncset.done $0x0  }
0xd1: {  	[sflag:s10] =	ssyncadd.s32 $0xFFFFF000  }
0xd2: {  	_ =	swait.ge [sflag:s10], $0x1000  }
0xd3: {  	[sflag:s10] =	ssyncset.done $0x0  }
0xd4: {  	[sflag:s10] =	ssyncadd.s32 $0xFFFFF000  }
0xd5: {  	_ =	swait.ge [sflag:s10], $0x1000  }
0xd6: {  	[sflag:s10] =	ssyncset.done $0x0  }
0xd7: {  	[sflag:s10] =	ssyncadd.s32 $0xFFFFF000  }
0xd8: {  	_ =	swait.ge [sflag:s10], $0x1000  }
0xd9: {  	[sflag:s10] =	ssyncset.done $0x0  }
0xda: {  	[sflag:s10] =	ssyncadd.s32 $0xFFFFF000  }
0xdb: {  	_ =	swait.ge [sflag:s10], $0x1000  }
0xdc: {  	[sflag:s10] =	ssyncset.done $0x0  }
0xdd: {  	s4 =	simm.s32 @!p1 $0x3;
	[sflag:s10] =	ssyncadd.s32 $0xFFFFF000  }
0xde: {  	[hbm4b:s0+s2] =	stream.linear.scatter [tilespmem:s9], [sflag:$0x2], $0xA000, $0x38;
	[tilespmem:$0x14A00] =	vst v63  }
0xdf: {  	_ =	swait.ge @!p1 [sflag:s4], $0xA000  }
0xe0: {  	[sflag:s4] =	ssyncset.done @!p1 $0x0;
	s13 =	rddreg [dreg:$0x2]  }
0xe1: {  	[sflag:s4] =	ssyncadd.s32 @!p1 $0xFFFF6000;
	s14 =	sadd.s32 s28, s13  }
0xe2: {  	[tilespmem:s11], [sflag:$0x4] =	stream.linear.gather [hbm4b:s14+s2], $0x500, $0x38;
	[tilespmem:$0x14A00] =	vst v63  }
0xe3: {  	_ =	swait.ge [sflag:s7], $0x500  }
0xe4: {  	[sflag:s7] =	ssyncset.done $0x0;
	s18 =	rddreg [dreg:$0x17]  }
0xe5: {  	s28 =	rddreg [dreg:$0x15];
	[sflag:s7] =	ssyncadd.s32 $0xFFFFFB00  }
0xe6: {  	[tilespmem:s12], [sflag:$0x1] =	stream.indirect.gather [hbm4b:s3+s8], $0x20, s11, s8, $0xb8;
	[tilespmem:$0x14A00] =	vst v63  }
0xe7: {  	s29 =	rddreg [dreg:$0x16]  }
0xe8: {  	[tilespmem:s29], [sflag:$0x1] =	stream.indirect.gather [hbm4b:s3+s8], $0x20, s28, s8, $0xb8;
	[tilespmem:$0x14A00] =	vst v63  }
0xe9: {  	s30 =	rddreg [dreg:$0x18]  }
0xea: {  	[tilespmem:s30], [sflag:$0x1] =	stream.indirect.gather [hbm4b:s3+s8], $0x20, s18, s8, $0xb8;
	[tilespmem:$0x14A00] =	vst v63  }
0xeb: {  	s6 =	simm.s32 $0x680;
	s13 =	simm.s32 $0xDA00  }
0xec: {  	[tilespmem:s13], [sflag:$0x1] =	stream.indirect.gather [hbm4b:s3+s8], $0x20, s6, s8, $0xb8;
	[tilespmem:$0x14A00] =	vst v63  }
0xed: {  	s15 =	simm.s32 $0xEA00;
	s14 =	simm.s32 $0x700  }
0xee: {  	[tilespmem:s15], [sflag:$0x1] =	stream.indirect.gather [hbm4b:s3+s8], $0x20, s14, s8, $0xb8;
	[tilespmem:$0x14A00] =	vst v63  }
0xef: {  	s17 =	simm.s32 $0xFA00;
	s16 =	simm.s32 $0x780  }
0xf0: {  	[tilespmem:s17], [sflag:$0x1] =	stream.indirect.gather [hbm4b:s3+s8], $0x20, s16, s8, $0xb8;
	[tilespmem:$0x14A00] =	vst v63  }
0xf1: {  	_ = 	snop  }
0xf2: {  	[tilespmem:s20], [sflag:$0x1] =	stream.indirect.gather [hbm4b:s3+s8], $0x20, s19, s8, $0xb8;
	[tilespmem:$0x14A00] =	vst v63  }
0xf3: {  	_ = 	snop  }
0xf4: {  	[tilespmem:s22], [sflag:$0x1] =	stream.indirect.gather [hbm4b:s3+s8], $0x20, s21, s8, $0xb8;
	[tilespmem:$0x14A00] =	vst v63  }
0xf5: {  	_ = 	snop  }
0xf6: {  	[tilespmem:s24], [sflag:$0x1] =	stream.indirect.gather [hbm4b:s3+s8], $0x20, s23, s8, $0xb8;
	[tilespmem:$0x14A00] =	vst v63  }
0xf7: {  	_ = 	snop  }
0xf8: {  	[tilespmem:s26], [sflag:$0x1] =	stream.indirect.gather [hbm4b:s3+s8], $0x20, s25, s8, $0xb8;
	[tilespmem:$0x14A00] =	vst v63  }
0xf9: {  	_ =	swait.ge [sflag:s10], $0x1000  }
0xfa: {  	[sflag:s10] =	ssyncset.done $0x0  }
0xfb: {  	[sflag:s10] =	ssyncadd.s32 $0xFFFFF000  }
0xfc: {  	_ =	swait.ge [sflag:s10], $0x1000  }
0xfd: {  	[sflag:s10] =	ssyncset.done $0x0  }
0xfe: {  	[sflag:s10] =	ssyncadd.s32 $0xFFFFF000  }
0xff: {  	_ =	swait.ge [sflag:s10], $0x1000  }
0x100: {  	[sflag:s10] =	ssyncset.done $0x0  }
0x101: {  	[sflag:s10] =	ssyncadd.s32 $0xFFFFF000  }
0x102: {  	_ =	swait.ge [sflag:s10], $0x1000  }
0x103: {  	[sflag:s10] =	ssyncset.done $0x0  }
0x104: {  	[sflag:s10] =	ssyncadd.s32 $0xFFFFF000  }
0x105: {  	_ =	swait.ge [sflag:s10], $0x1000  }
0x106: {  	[sflag:s10] =	ssyncset.done $0x0  }
0x107: {  	[sflag:s10] =	ssyncadd.s32 $0xFFFFF000  }
0x108: {  	s1 =	sadd.s32 $0x140, s1;
	_ =	swait.ge [sflag:s10], $0x1000  }
0x109: {  	p0 =	sne.s32 s1, $0x640;
	[sflag:s10] =	ssyncset.done $0x0  }
.Ltmp0:
0x10a: {  	[sflag:s10] =	ssyncadd.s32 $0xFFFFF000;
	(pc) =	sbr.rel @p0 .LBB2_2-.Ltmp0, $4  }
0x10b: {  	_ =	swait.ge [sflag:s10], $0x1000  }
0x10c: {  	[sflag:s10] =	ssyncset.done $0x0  }
0x10d: {  	s5 =	sadd.s32 $0x2800, s5;
	[sflag:s10] =	ssyncadd.s32 $0xFFFFF000  }
0x10e: {  	s31 =	smov.u32 s5;
	s0 =	sadd.s32 $0x2800, s0;
	_ =	swait.ge [sflag:s10], $0x1000  }
0x10f: {  	[sflag:s10] =	ssyncset.done $0x0  }
0x110: {  	[sflag:s10] =	ssyncadd.s32 $0xFFFFF000  }
0x111: {  	_ =	swait.ge [sflag:s10], $0x1000  }
0x112: {  	[sflag:s10] =	ssyncset.done $0x0  }
0x113: {  	[sflag:s10] =	ssyncadd.s32 $0xFFFFF000  }
0x114: {  	_ =	swait.ge [sflag:s10], $0x1000  }
0x115: {  	[sflag:s10] =	ssyncset.done $0x0  }
0x116: {  	s0 =	simm.s32 $0x2;
	[sflag:s10] =	ssyncadd.s32 $0xFFFFF000  }
0x117: {  	[hbm4b:s31+s2] =	stream.linear.scatter [tilespmem:s12], [sflag:$0x3], $0xA000, $0x38;
	[tilespmem:$0x14A00] =	vst v63  }
0x118: {  	_ =	swait.ge [sflag:s0], $0xA000  }
0x119: {  	[sflag:s0] =	ssyncset.done $0x0  }
0x11a: {  	s1 =	simm.s32 $0x3;
	[sflag:s0] =	ssyncadd.s32 $0xFFFF6000  }
0x11b: {  	_ =	swait.ge [sflag:s1], $0xA000  }
0x11c: {  	s4 =	rddreg [dreg:$0x1c]  }
0x11d: {  	s31 =	rddreg [dreg:$0x19];
	s4 =	sadd.s32 $0x1, s4  }
0x11e: {  	p0 =	sne.s32 s4, s31  }
.Ltmp1:
0x11f: {  	_ = 	snop;
	(pc) =	sbr.rel @p0 .LBB2_1-.Ltmp1, $3  }
0x120: {  	_ =	sdelay $0x1  }
0x121: {  	[sflag:s1] =	ssyncset.done $0x0  }
0x122: {  	[sflag:s1] =	ssyncadd.s32 $0xFFFF6000  }
0x123: {  	_ =	sfence.sel $0x180000  }
0x124: {  	[bflag:$0x0] =	sbarrier.arrive $0xFFFF  }
0x125: {  	_ =	strace $0x90000047  }
0x126: {  	s0 =	stileid.u32;
	[bflag:$0x2] =	sbarrier.arrive $0xFFFF  }
0x127: {  	p0 =	sne.s32 s0, $0x0;
	s0 =	rddreg [dreg:$0x1]  }
0x128: {  	s0 =	sadd.s32 @!p0 $0x100000, s0  }
0x129: {  	[sflag:s0] =	ssyncadd.tile.s32 @!p0 $0x1;
	_ =	shalt  }
.Lfunc_end2:
_tile_overlayer_lowered:
.L_overlay_start_2:
0x12a: {  	(tag) =	ssettag $0x2  }
0x12b: {  	s0 =	rddreg [dreg:$0x0];
	s2 =	stileid.u32  }
0x12c: {  	s1 =	rddreg [dreg:$0x1];
	p0 =	sne.s32 s2, $0x0  }
0x12d: {  	s3 =	rddreg [dreg:$0x2];
	[bflag:$0x3] =	sbarrier.arrive $0xFFFF;
	s2 =	simm.s32 @!p0 $0x1C04  }
0x12e: {  	[timem:s3], [sflag:s2] =	dma.local @!p0 [hbm:s0], s1  }
0x12f: {  	s0 =	simm.s32 @!p0 $0x4  }
0x130: {  	_ =	swait.ge @!p0 [sflag:s0], s1  }
0x131: {  	s1 =	ssub.s32 @!p0 $0x0, s1;
	[sflag:s0] =	ssyncset.done @!p0 $0x0  }
0x132: {  	[sflag:s0] =	ssyncadd.s32 @!p0 s1  }
0x133: {  	[bflag:$0x3] =	sbarrier.arrive $0xFFFF  }
0x134: {  	_ =	shalt  }

// kernel: kernel.7.cloned.1.call-start
scs
__scs_entry_jumppad:
0x0: {  	(pc) =	sbr.rel $0x88, $3  }
0x1: {  	(tag) =	ssettag $0x0;
	lr =	simm.s32 $0x1  }
0x2: {  	[smem:$0x3F97] =	sst lr;
	_ =	strace $0xD0000000  }
0x3: {  	_ = 	snop  }
0x4: {  	_ = 	snop  }
0x5: {  	_ = 	snop  }
0x6: {  	_ = 	snop  }
0x7: {  	_ = 	snop  }
__scs_overlays_trampoline_lowered:
0x8: {  	[smem:$0x3FA6] =	sst s0  }
0x9: {  	[smem:$0x3FA7] =	sst s1  }
0xa: {  	[smem:$0x3FA8] =	sst s2  }
0xb: {  	[smem:$0x3FA9] =	sst s3  }
0xc: {  	[smem:$0x3FAA] =	sst s4  }
0xd: {  	[smem:$0x3FAB] =	sst s5  }
0xe: {  	[smem:$0x3FAC] =	sst s6  }
0xf: {  	[smem:$0x3FAD] =	sst s7  }
0x10: {  	[smem:$0x3FAE] =	sst s8  }
0x11: {  	[smem:$0x3FAF] =	sst s9;
	s0 =	simm.s32 @!p0 $0x0  }
0x12: {  	s1 =	sld [smem:$0x3F95];
	s0 =	simm.s32 @p0 $0x1  }
0x13: {  	[smem:$0x3FB0] =	sst s0;
	s0 =	simm.s32 @!p1 $0x0  }
0x14: {  	s2 =	sld [smem:$0x3F94];
	s0 =	simm.s32 @p1 $0x1  }
0x15: {  	[smem:$0x3FB1] =	sst s0;
	s0 =	simm.s32 @!p2 $0x0  }
0x16: {  	s3 =	sld [smem:$0x3FDB];
	s0 =	simm.s32 @p2 $0x1  }
0x17: {  	s4 =	simm.s32 $0x1BF5;
	[smem:$0x3FB3] =	sst s0  }
0x18: {  	s0 =	sld [smem:$0x3F96];
	_ =	swait.ge [sflag:s4], $0x0  }
0x19: {  	s7 =	sld [smem:$0x3F97]  }
0x1a: {  	s8 =	sadd.s32 $0xFFFFE003, lr  }
0x1b: {  	s9 =	sadd.s32 $0xFFFFFEF7, lr;
	s5 =	simm.s32 $0xFFFFFFFF;
	p2 =	slt.u32 s8, $0xFFFFF086  }
0x1c: {  	p1 =	slt.u32 s9, $0xF7A;
	s5 =	simm.s32 @!p2 $0x0  }
0x1d: {  	s5 =	simm.s32 @p1 $0x1;
	p0 =	seq.s32 s7, s2  }
0x1e: {  	s7 =	smul.u32 @!p0 $0xF7A, s2;
	p2 =	seq.s32 @!p0 s5, $0x0  }
0x1f: {  	s9 =	smul.u32 $0xF7A, s1;
	s8 =	simm.s32 @!p0 $0x1BF5;
	p2 =	por !p2, p0  }
0x20: {  	[sflag:s8] =	ssyncset.s32 @!p0 $0xFFFFF086;
	s6 =	sadd.s32 @!p0 s3, s7;
	s7 =	simm.s32 @!p0 $0x108  }
0x21: {  	s3 =	sadd.s32 s3, s9;
	s6 =	sadd.s32 @!p0 $0x88, s6;
	s7 =	simm.s32 @p2 $0x1082  }
0x22: {  	[simem:s7], [sflag:s8] =	dma.local @!p0 [hbm:s6], $0xF7A  }
0x23: {  	s9 =	sor.u32 $0xD0000000, s2;
	s6 =	simm.s32 $0x108;
	_ =	swait.ge @!p0 [sflag:s8], $0x0  }
0x24: {  	s3 =	sadd.s32 $0x88, s3;
	s6 =	simm.s32 @!p1 $0x1082;
	[sflag:s4] =	ssyncset.s32 $0xFFFFF086  }
0x25: {  	[simem:s6], [sflag:s4] =	dma.local [hbm:s3], $0xF7A  }
0x26: {  	[smem:$0x3F97] =	sst s1;
	(tag) =	ssettag s2;
	_ =	strace s9  }
0x27: {  	s1 =	sld [smem:$0x3FA7]  }
0x28: {  	s2 =	sld [smem:$0x3FA8]  }
0x29: {  	s4 =	sld [smem:$0x3FAA]  }
0x2a: {  	p0 =	seq.s32 s5, $0x0;
	s5 =	sld [smem:$0x3FAB]  }
0x2b: {  	s6 =	sld [smem:$0x3FAC]  }
0x2c: {  	s7 =	sld [smem:$0x3FAD]  }
0x2d: {  	s3 =	simm.s32 $0x108;
	s8 =	sld [smem:$0x3FAE]  }
0x2e: {  	s3 =	simm.s32 @!p0 $0x1082;
	s9 =	sld [smem:$0x3FAF]  }
0x2f: {  	lr =	sadd.s32 s0, s3;
	s0 =	sld [smem:$0x3FA6]  }
0x30: {  	s3 =	sld [smem:$0x3FA9]  }
0x31: {  	[smem:$0x3FB2] =	sst s10  }
0x32: {  	s10 =	sld [smem:$0x3FB0];
	_ =	sdelay $0x3  }
0x33: {  	p0 =	seq.s32 s10, $0x1;
	s10 =	sld [smem:$0x3FB2];
	_ =	sdelay $0x3  }
0x34: {  	[smem:$0x3FB2] =	sst s10  }
0x35: {  	s10 =	sld [smem:$0x3FB1];
	_ =	sdelay $0x3  }
0x36: {  	p1 =	seq.s32 s10, $0x1;
	s10 =	sld [smem:$0x3FB2];
	_ =	sdelay $0x3  }
0x37: {  	[smem:$0x3FB2] =	sst s10  }
0x38: {  	s10 =	sld [smem:$0x3FB3]  }
0x39: {  	_ = 	snop;
	(pc) =	sbr.ind lr, $3  }
0x3a: {  	_ = 	snop  }
0x3b: {  	_ = 	snop  }
0x3c: {  	p2 =	seq.s32 s10, $0x1;
	s10 =	sld [smem:$0x3FB2]  }
0x3d: {  	_ =	shalt  }
0x3e: {  	_ =	shalt  }
0x3f: {  	_ =	shalt  }
0x40: {  	_ =	shalt  }
0x41: {  	_ =	shalt  }
0x42: {  	_ =	shalt  }
0x43: {  	_ =	shalt  }
0x44: {  	_ =	shalt  }
0x45: {  	_ =	shalt  }
0x46: {  	_ =	shalt  }
0x47: {  	_ =	shalt  }
0x48: {  	_ =	shalt  }
0x49: {  	_ =	shalt  }
0x4a: {  	_ =	shalt  }
0x4b: {  	_ =	shalt  }
0x4c: {  	_ =	shalt  }
0x4d: {  	_ =	shalt  }
0x4e: {  	_ =	shalt  }
0x4f: {  	_ =	shalt  }
0x50: {  	_ =	shalt  }
0x51: {  	_ =	shalt  }
0x52: {  	_ =	shalt  }
0x53: {  	_ =	shalt  }
0x54: {  	_ =	shalt  }
0x55: {  	_ =	shalt  }
0x56: {  	_ =	shalt  }
0x57: {  	_ =	shalt  }
0x58: {  	_ =	shalt  }
0x59: {  	_ =	shalt  }
0x5a: {  	_ =	shalt  }
0x5b: {  	_ =	shalt  }
0x5c: {  	_ =	shalt  }
0x5d: {  	_ =	shalt  }
0x5e: {  	_ =	shalt  }
0x5f: {  	_ =	shalt  }
0x60: {  	_ =	shalt  }
0x61: {  	_ =	shalt  }
0x62: {  	_ =	shalt  }
0x63: {  	_ =	shalt  }
0x64: {  	_ =	shalt  }
0x65: {  	_ =	shalt  }
0x66: {  	_ =	shalt  }
0x67: {  	_ =	shalt  }
0x68: {  	_ =	shalt  }
0x69: {  	_ =	shalt  }
0x6a: {  	_ =	shalt  }
0x6b: {  	_ =	shalt  }
0x6c: {  	_ =	shalt  }
0x6d: {  	_ =	shalt  }
0x6e: {  	_ =	shalt  }
0x6f: {  	_ =	shalt  }
0x70: {  	_ =	shalt  }
0x71: {  	_ =	shalt  }
0x72: {  	_ =	shalt  }
0x73: {  	_ =	shalt  }
0x74: {  	_ =	shalt  }
0x75: {  	_ =	shalt  }
0x76: {  	_ =	shalt  }
0x77: {  	_ =	shalt  }
0x78: {  	_ =	shalt  }
0x79: {  	_ =	shalt  }
0x7a: {  	_ =	shalt  }
0x7b: {  	_ =	shalt  }
0x7c: {  	_ =	shalt  }
0x7d: {  	_ =	shalt  }
0x7e: {  	_ =	shalt  }
0x7f: {  	_ =	shalt  }
0x80: {  	_ =	shalt  }
0x81: {  	_ =	shalt  }
0x82: {  	_ =	shalt  }
0x83: {  	_ =	shalt  }
0x84: {  	_ =	shalt  }
0x85: {  	_ =	shalt  }
0x86: {  	_ =	shalt  }
0x87: {  	_ =	shalt  }
.Lfunc_end0:
.L_simem_size_0:
called_computation_lowered:
.L_overlay_start_0:
0x88: {  	s2 =	sld [smem:$0x3FD9]  }
0x89: {  	s3 =	sld [smem:$0x3FFE];
	_ =	sdelay $0x1  }
0x8a: {  	s1 =	srdreg.scid  }
0x8b: {  	s0 =	sand.u32 $0x1, s1  }
0x8c: {  	s17 =	sshll.u32 s0, $0xA;
	s2 =	sadd.s32 s3, s2  }
0x8d: {  	s2 =	sadd.s32 s2, s17  }
0x8e: {  	[smem:$0x3FBE] =	sst s2  }
0x8f: {  	_ = 	snop  }
0x90: {  	(tm) =	ssettm $0x1  }
0x91: {  	s18 =	sld [smem:$0x3FFB];
	_ =	sdelay $0x3  }
0x92: {  	_ =	strace s18  }
0x93: {  	s2 =	sld [smem:$0x3FFC];
	_ =	sdelay $0x3  }
0x94: {  	_ =	strace s2  }
0x95: {  	s2 =	sld [smem:$0x3FFD];
	_ =	sdelay $0x3  }
0x96: {  	_ =	strace s2  }
0x97: {  	_ =	strace $0x8FFFFFFF  }
0x98: {  	s19 =	sld [smem:$0x3FDB];
	_ =	sdelay $0x1  }
0x99: {  	s20 =	simm.s32 $_scs_section_size  }
0x9a: {  	s4 =	simm.s32 $_size__tile_overlayer_lowered;
	s5 =	simm.s32 $_tile_overlayer_lowered  }
0x9b: {  	s6 =	simm.s32 $0x1BFF;
	s21 =	sshll.u32 s5, $0x1;
	s3 =	sadd.s32 s20, s19  }
0x9c: {  	s22 =	simm.s32 $0x0;
	s4 =	sshll.u32 s4, $0x1;
	s5 =	sadd.s32 s21, s3  }
0x9d: {  	[timem:s22], [sflag:s6] =	dma.local [hbm:s5], s4  }
0x9e: {  	_ =	swait.ge [sflag:s6], s4  }
0x9f: {  	s4 =	ssub.s32 $0x0, s4;
	[sflag:s6] =	ssyncset.done $0x0  }
0xa0: {  	[sflag:s6] =	ssyncadd.s32 s4;
	_ =	sdelay $0x1  }
0xa1: {  	s23 =	simm.s32 $0x1B8B  }
0xa2: {  	_ =	swait.ge [sflag:s23], $0x1  }
0xa3: {  	[sflag:s23] =	ssyncset.done $0x0  }
0xa4: {  	[sflag:s23] =	ssyncadd.s32 $0xFFFFFFFF  }
0xa5: {  	s4 =	sld [smem:$0x0]  }
0xa6: {  	s5 =	sand.u32 $0xFFFFFFFE, s1  }
0xa7: {  	p0 =	sne.s32 s1, s5  }
0xa8: {  	s5 =	sshll.u32 @p0 s5, $0xE  }
0xa9: {  	s5 =	sadd.s32 @p0 $0x11B8D, s5;
	s6 =	sshll.u32 @p0 s4, $0x11  }
0xaa: {  	s5 =	sor.u32 @p0 s6, s5  }
0xab: {  	[sflag:s5] =	ssyncadd.remote.s32 @p0 $0x1;
	_ =	sdelay $0x1  }
0xac: {  	s5 =	simm.s32 @p0 $0x1B8D  }
0xad: {  	_ =	swait.eq @p0 [sflag:s5], $0x1  }
0xae: {  	[sflag:s5] =	ssyncadd.s32 @p0 $0xFFFFFFFF  }
0xaf: {  	s6 =	sshll.u32 @!p0 s1, $0xE  }
0xb0: {  	s6 =	sor.u32 @!p0 $0x4000, s6;
	s5 =	simm.s32 @!p0 $0x1B8D  }
0xb1: {  	s4 =	sshll.u32 @!p0 s4, $0x11;
	s6 =	sadd.s32 @!p0 $0x11B8D, s6;
	_ =	swait.eq @!p0 [sflag:s5], $0x1  }
0xb2: {  	s4 =	sor.u32 @!p0 s4, s6;
	[sflag:s5] =	ssyncadd.s32 @!p0 $0xFFFFFFFF  }
0xb3: {  	s25 =	simm.s32 $0x1B8E;
	s24 =	sld [smem:$0x3FFE];
	[sflag:s4] =	ssyncadd.remote.s32 @!p0 $0x1  }
0xb4: {  	s26 =	simm.s32 $execute0_lowered;
	[smem:$0x3FD2] =	sst s25  }
0xb5: {  	s5 =	sshll.u32 s26, $0x1;
	_ =	strace $0x80000049;
	[dreg:$0x1] =	wrdreg $0xFFFFFFFF  }
0xb6: {  	s28 =	simm.s32 $_size_execute0_lowered;
	s3 =	sadd.s32 s3, s5;
	[dreg:$0x0] =	wrdreg $0x0  }
0xb7: {  	s5 =	sshll.u32 s28, $0x1;
	[dreg:$0x2] =	wrdreg s3  }
0xb8: {  	[dreg:$0x3] =	wrdreg s5  }
0xb9: {  	[dreg:$0x4] =	wrdreg $0xC0  }
0xba: {  	_ =	task [dreg:s22], $0x5FFFF  }
0xbb: {  	[dreg:$0x1] =	wrdreg $0xFFFFFFFF  }
0xbc: {  	[dreg:$0x0] =	wrdreg $0x60  }
0xbd: {  	[dreg:$0x2] =	wrdreg s24  }
0xbe: {  	[dreg:$0x3] =	wrdreg $0x9  }
0xbf: {  	_ =	task.clear_ibuf [dreg:s22], $0x4FFFF;
	_ =	strace $0x90000049  }
0xc0: {  	s29 =	simm.s32 $0x9;
	_ =	strace $0x8000004B  }
0xc1: {  	_ =	swait.ge [sflag:s29], $0x1  }
0xc2: {  	[sflag:s29] =	ssyncadd.s32 $0xFFFFFFFF  }
0xc3: {  	_ =	strace $0x9000004B  }
0xc4: {  	_ =	sfence  }
0xc5: {  	s30 =	sld [smem:$0x0];
	_ =	sdelay $0x2  }
0xc6: {  	s31 =	sshll.u32 s1, $0xD;
	s1 =	sshrl.u32 s1, $0x2  }
0xc7: {  	s4 =	sand.u32 $0x4000, s31;
	s1 =	sadd.s32 s1, s30  }
0xc8: {  	s0 =	sor.u32 s4, s0;
	s1 =	sshll.u32 s1, $0x11  }
0xc9: {  	s0 =	sor.u32 s1, s0  }
0xca: {  	s0 =	sadd.s32 $0x8F2B, s0  }
0xcb: {  	[sflag:s0] =	ssyncadd.remote.s32 $0x1  }
0xcc: {  	_ =	sfence.sel $0xFFFF  }
0xcd: {  	[dreg:$0x0] =	wrdreg $0xFFFFFFFF;
	(pc) =	sbr.abs _section_cstart, $3  }
0xce: {  	[dreg:$0x1] =	wrdreg $0xFFFFFFFF  }
0xcf: {  	_ =	task.clear_ibuf [dreg:s22], $0x2FFFF;
	_ =	strace $0x9FFFFFFF  }
0xd0: {  	(tm) =	ssettm $0x7FFFFFFF  }
0xd1: {  	_ =	shalt  }
tec
execute0_lowered:
.L_overlay_start_1:
0x0: {  	(tag) =	ssettag $0x1  }
0x1: {  	s4 =	rddreg [dreg:$0x0];
	s2 =	simm.s32 $0x0  }
0x2: {  	s30 =	simm.s32 $0x1A00;
	[smem:$0x7FF] =	sst s2  }
0x3: {  	s9 =	simm.s32 $0x2A00;
	_ =	strace $0x8000004A;
	[dreg:$0x4] =	wrdreg s30  }
0x4: {  	s10 =	simm.s32 $0x180;
	[dreg:$0x6] =	wrdreg s9  }
0x5: {  	s0 =	srdreg.scid;
	s12 =	simm.s32 $0x3A00;
	[dreg:$0x7] =	wrdreg s10  }
0x6: {  	s8 =	stileid.u32;
	s13 =	simm.s32 $0x200;
	[dreg:$0x8] =	wrdreg s12  }
0x7: {  	s14 =	simm.s32 $0x4A00;
	s16 =	simm.s32 $0x280;
	[dreg:$0x9] =	wrdreg s13  }
0x8: {  	s17 =	simm.s32 $0x5A00;
	s18 =	simm.s32 $0x300;
	[dreg:$0xa] =	wrdreg s14  }
0x9: {  	s19 =	simm.s32 $0x6A00;
	s21 =	simm.s32 $0x380;
	[dreg:$0xb] =	wrdreg s16  }
0xa: {  	s22 =	simm.s32 $0x7A00;
	s23 =	simm.s32 $0x400;
	[dreg:$0xc] =	wrdreg s17  }
0xb: {  	s24 =	simm.s32 $0x8A00;
	s1 =	smul.u32 $0xC8, s8;
	[dreg:$0xd] =	wrdreg s18  }
0xc: {  	s25 =	simm.s32 $0x480;
	s5 =	smul.u32 $0xC80, s8;
	[dreg:$0xe] =	wrdreg s19  }
0xd: {  	s0 =	sand.u32 $0x1, s0;
	s11 =	smul.u32 $0x6400, s8;
	[dreg:$0xf] =	wrdreg s21  }
0xe: {  	s26 =	sadd.s32 $0x1600, s4;
	s20 =	smul.u32 $0x19000, s8;
	[dreg:$0x10] =	wrdreg s22  }
0xf: {  	s29 =	sadd.s32 $0x58A600, s4;
	s3 =	smul.u32 $0x64, s0;
	[dreg:$0x11] =	wrdreg s23  }
0x10: {  	s8 =	simm.s32 $0x80;
	s6 =	smul.u32 $0x640, s0;
	[dreg:$0x12] =	wrdreg s24  }
0x11: {  	s31 =	ssub.s32 $0x2, s0;
	[dreg:$0x13] =	wrdreg s25;
	s9 =	simm.s32 $0xA00  }
0x12: {  	s10 =	simm.s32 $0x1;
	s30 =	simm.s32 $0x600;
	s12 =	simm.s32 $0xAA00  }
0x13: {  	s13 =	simm.s32 $0xDA00;
	s14 =	simm.s32 $0x700;
	s16 =	simm.s32 $0x780  }
0x14: {  	s17 =	simm.s32 $0xFA00;
	s19 =	simm.s32 $0x800;
	s21 =	simm.s32 $0x880  }
0x15: {  	s22 =	simm.s32 $0x11A00;
	s23 =	simm.s32 $0x900;
	s24 =	simm.s32 $0x12A00  }
0x16: {  	s25 =	simm.s32 $0x980;
	s5 =	sadd.s32 s5, s26;
	s7 =	sshrl.u32 s31, $0x1  }
0x17: {  	[dreg:$0x17] =	wrdreg s30;
	s1 =	sadd.s32 s3, s1;
	s3 =	sadd.s32 $0x1A600, s4  }
0x18: {  	s28 =	sadd.s32 s6, s5;
	s4 =	ssub.s32 s31, s7;
	s7 =	smul.u32 $0x3200, s0  }
0x19: {  	s6 =	simm.s32 $0x100;
	s0 =	smul.u32 $0xC800, s0;
	s5 =	sadd.s32 s20, s29  }
0x1a: {  	s31 =	simm.s32 $0xCA00;
	s20 =	simm.s32 $0x10A00;
	[dreg:$0x3] =	wrdreg s28  }
0x1b: {  	s1 =	sshll.u32 s1, $0x4;
	[dreg:$0x5] =	wrdreg s6;
	s4 =	smax.u32 s4, $0x1  }
0x1c: {  	s28 =	simm.s32 $0x580;
	[dreg:$0x18] =	wrdreg s31;
	s6 =	simm.s32 $0x680  }
0x1d: {  	s1 =	sadd.s32 s26, s1;
	[dreg:$0x19] =	wrdreg s4;
	s15 =	sadd.s32 s7, s11  }
0x1e: {  	s0 =	sadd.s32 s0, s5;
	s7 =	simm.s32 $0x4;
	[dreg:$0x15] =	wrdreg s28  }
0x1f: {  	s26 =	simm.s32 $0x9A00;
	s11 =	simm.s32 $0x500;
	[dreg:$0x1b] =	wrdreg s0  }
0x20: {  	s1 =	sadd.s32 $0xA0, s1;
	s4 =	sshll.u32 s15, $0x2;
	[dreg:$0x14] =	wrdreg s26  }
0x21: {  	[dreg:$0x2] =	wrdreg s1;
	s4 =	sadd.s32 s29, s4;
	s29 =	simm.s32 $0xBA00  }
0x22: {  	s15 =	simm.s32 $0xEA00;
	s4 =	sadd.s32 $0x1400, s4;
	[dreg:$0x16] =	wrdreg s29  }
0x23: {  	s26 =	simm.s32 $0x13A00;
	[dreg:$0x1a] =	wrdreg s4;
	s4 =	simm.s32 $0x0  }
.LBB2_1:
0x24: {  	p0 =	por $0x1, $0x1  }
0x25: {  	[dreg:$0x1c] =	wrdreg s4;
	s0 =	simm.s32 @!p0 $0x2  }
0x26: {  	_ =	swait.ge @!p0 [sflag:s0], $0xA000  }
0x27: {  	s1 =	rddreg [dreg:$0x3];
	[sflag:s0] =	ssyncset.done @!p0 $0x0  }
0x28: {  	[sflag:s0] =	ssyncadd.s32 @!p0 $0xFFFF6000;
	s1 =	sadd.s32 $0x0, s1  }
0x29: {  	[tilespmem:s2], [sflag:$0x4] =	stream.linear.gather [hbm4b:s1+s2], $0x500, $0x38;
	[tilespmem:$0x14A00] =	vst v63  }
0x2a: {  	_ =	swait.ge [sflag:s7], $0x500  }
0x2b: {  	s4 =	rddreg [dreg:$0x5]  }
0x2c: {  	s18 =	rddreg [dreg:$0x4]  }
0x2d: {  	s5 =	rddreg [dreg:$0x6]  }
0x2e: {  	[sflag:s7] =	ssyncset.done $0x0;
	s28 =	rddreg [dreg:$0x8]  }
0x2f: {  	s29 =	rddreg [dreg:$0x7];
	[sflag:s7] =	ssyncadd.s32 $0xFFFFFB00  }
0x30: {  	[tilespmem:s9], [sflag:$0x1] =	stream.indirect.gather [hbm4b:s3+s8], $0x20, s2, s8, $0xb8;
	[tilespmem:$0x14A00] =	vst v63  }
0x31: {  	s30 =	rddreg [dreg:$0xa]  }
0x32: {  	[tilespmem:s18], [sflag:$0x1] =	stream.indirect.gather [hbm4b:s3+s8], $0x20, s8, s8, $0xb8;
	[tilespmem:$0x14A00] =	vst v63  }
0x33: {  	s18 =	rddreg [dreg:$0xc]  }
0x34: {  	[tilespmem:s5], [sflag:$0x1] =	stream.indirect.gather [hbm4b:s3+s8], $0x20, s4, s8, $0xb8;
	[tilespmem:$0x14A00] =	vst v63  }
0x35: {  	s4 =	rddreg [dreg:$0x9]  }
0x36: {  	[tilespmem:s28], [sflag:$0x1] =	stream.indirect.gather [hbm4b:s3+s8], $0x20, s29, s8, $0xb8;
	[tilespmem:$0x14A00] =	vst v63  }
0x37: {  	s29 =	rddreg [dreg:$0xb]  }
0x38: {  	[tilespmem:s30], [sflag:$0x1] =	stream.indirect.gather [hbm4b:s3+s8], $0x20, s4, s8, $0xb8;
	[tilespmem:$0x14A00] =	vst v63  }
0x39: {  	s30 =	rddreg [dreg:$0xe]  }
0x3a: {  	s4 =	rddreg [dreg:$0xd]  }
0x3b: {  	[tilespmem:s18], [sflag:$0x1] =	stream.indirect.gather [hbm4b:s3+s8], $0x20, s29, s8, $0xb8;
	[tilespmem:$0x14A00] =	vst v63  }
0x3c: {  	s18 =	rddreg [dreg:$0x10]  }
0x3d: {  	s29 =	rddreg [dreg:$0xf]  }
0x3e: {  	[tilespmem:s30], [sflag:$0x1] =	stream.indirect.gather [hbm4b:s3+s8], $0x20, s4, s8, $0xb8;
	[tilespmem:$0x14A00] =	vst v63  }
0x3f: {  	s30 =	rddreg [dreg:$0x12]  }
0x40: {  	s4 =	rddreg [dreg:$0x11]  }
0x41: {  	[tilespmem:s18], [sflag:$0x1] =	stream.indirect.gather [hbm4b:s3+s8], $0x20, s29, s8, $0xb8;
	[tilespmem:$0x14A00] =	vst v63  }
0x42: {  	s18 =	rddreg [dreg:$0x14]  }
0x43: {  	[tilespmem:s30], [sflag:$0x1] =	stream.indirect.gather [hbm4b:s3+s8], $0x20, s4, s8, $0xb8;
	[tilespmem:$0x14A00] =	vst v63  }
0x44: {  	s29 =	rddreg [dreg:$0x13]  }
0x45: {  	[tilespmem:s18], [sflag:$0x1] =	stream.indirect.gather [hbm4b:s3+s8], $0x20, s29, s8, $0xb8;
	[tilespmem:$0x14A00] =	vst v63  }
0x46: {  	_ =	swait.ge [sflag:s10], $0x1000  }
0x47: {  	[sflag:s10] =	ssyncset.done $0x0  }
0x48: {  	[sflag:s10] =	ssyncadd.s32 $0xFFFFF000  }
0x49: {  	_ =	swait.ge [sflag:s10], $0x1000  }
0x4a: {  	[sflag:s10] =	ssyncset.done $0x0  }
0x4b: {  	[sflag:s10] =	ssyncadd.s32 $0xFFFFF000  }
0x4c: {  	_ =	swait.ge [sflag:s10], $0x1000  }
0x4d: {  	[sflag:s10] =	ssyncset.done $0x0  }
0x4e: {  	[sflag:s10] =	ssyncadd.s32 $0xFFFFF000  }
0x4f: {  	_ =	swait.ge [sflag:s10], $0x1000  }
0x50: {  	[sflag:s10] =	ssyncset.done $0x0  }
0x51: {  	[sflag:s10] =	ssyncadd.s32 $0xFFFFF000  }
0x52: {  	_ =	swait.ge [sflag:s10], $0x1000  }
0x53: {  	[sflag:s10] =	ssyncset.done $0x0  }
0x54: {  	[sflag:s10] =	ssyncadd.s32 $0xFFFFF000  }
0x55: {  	_ =	swait.ge [sflag:s10], $0x1000  }
0x56: {  	[sflag:s10] =	ssyncset.done $0x0  }
0x57: {  	[sflag:s10] =	ssyncadd.s32 $0xFFFFF000  }
0x58: {  	_ =	swait.ge [sflag:s10], $0x1000  }
0x59: {  	[sflag:s10] =	ssyncset.done $0x0  }
0x5a: {  	[sflag:s10] =	ssyncadd.s32 $0xFFFFF000  }
0x5b: {  	_ =	swait.ge [sflag:s10], $0x1000  }
0x5c: {  	[sflag:s10] =	ssyncset.done $0x0  }
0x5d: {  	[sflag:s10] =	ssyncadd.s32 $0xFFFFF000  }
0x5e: {  	_ =	swait.ge [sflag:s10], $0x1000  }
0x5f: {  	[sflag:s10] =	ssyncset.done $0x0  }
0x60: {  	[sflag:s10] =	ssyncadd.s32 $0xFFFFF000  }
0x61: {  	_ =	swait.ge [sflag:s10], $0x1000  }
0x62: {  	[sflag:s10] =	ssyncset.done $0x0  }
0x63: {  	s0 =	simm.s32 @!p0 $0x3;
	s4 =	rddreg [dreg:$0x1b];
	[sflag:s10] =	ssyncadd.s32 $0xFFFFF000  }
0x64: {  	[hbm4b:s4+s2] =	stream.linear.scatter [tilespmem:s9], [sflag:$0x2], $0xA000, $0x38;
	[tilespmem:$0x14A00] =	vst v63  }
0x65: {  	_ =	swait.ge @!p0 [sflag:s0], $0xA000  }
0x66: {  	s30 =	rddreg [dreg:$0x2];
	[sflag:s0] =	ssyncset.done @!p0 $0x0  }
0x67: {  	[sflag:s0] =	ssyncadd.s32 @!p0 $0xFFFF6000;
	s5 =	sadd.s32 $0x0, s30  }
0x68: {  	[tilespmem:s11], [sflag:$0x4] =	stream.linear.gather [hbm4b:s5+s2], $0x500, $0x38;
	[tilespmem:$0x14A00] =	vst v63  }
0x69: {  	_ =	swait.ge [sflag:s7], $0x500  }
0x6a: {  	s0 =	rddreg [dreg:$0x17];
	[sflag:s7] =	ssyncset.done $0x0  }
0x6b: {  	s18 =	rddreg [dreg:$0x15];
	[sflag:s7] =	ssyncadd.s32 $0xFFFFFB00  }
0x6c: {  	[tilespmem:s12], [sflag:$0x1] =	stream.indirect.gather [hbm4b:s3+s8], $0x20, s11, s8, $0xb8;
	[tilespmem:$0x14A00] =	vst v63  }
0x6d: {  	s29 =	rddreg [dreg:$0x16]  }
0x6e: {  	[tilespmem:s29], [sflag:$0x1] =	stream.indirect.gather [hbm4b:s3+s8], $0x20, s18, s8, $0xb8;
	[tilespmem:$0x14A00] =	vst v63  }
0x6f: {  	s30 =	rddreg [dreg:$0x18]  }
0x70: {  	[tilespmem:s30], [sflag:$0x1] =	stream.indirect.gather [hbm4b:s3+s8], $0x20, s0, s8, $0xb8;
	[tilespmem:$0x14A00] =	vst v63  }
0x71: {  	_ = 	snop  }
0x72: {  	[tilespmem:s13], [sflag:$0x1] =	stream.indirect.gather [hbm4b:s3+s8], $0x20, s6, s8, $0xb8;
	[tilespmem:$0x14A00] =	vst v63  }
0x73: {  	_ = 	snop  }
0x74: {  	[tilespmem:s15], [sflag:$0x1] =	stream.indirect.gather [hbm4b:s3+s8], $0x20, s14, s8, $0xb8;
	[tilespmem:$0x14A00] =	vst v63  }
0x75: {  	_ = 	snop  }
0x76: {  	[tilespmem:s17], [sflag:$0x1] =	stream.indirect.gather [hbm4b:s3+s8], $0x20, s16, s8, $0xb8;
	[tilespmem:$0x14A00] =	vst v63  }
0x77: {  	_ = 	snop  }
0x78: {  	[tilespmem:s20], [sflag:$0x1] =	stream.indirect.gather [hbm4b:s3+s8], $0x20, s19, s8, $0xb8;
	[tilespmem:$0x14A00] =	vst v63  }
0x79: {  	_ = 	snop  }
0x7a: {  	[tilespmem:s22], [sflag:$0x1] =	stream.indirect.gather [hbm4b:s3+s8], $0x20, s21, s8, $0xb8;
	[tilespmem:$0x14A00] =	vst v63  }
0x7b: {  	_ = 	snop  }
0x7c: {  	[tilespmem:s24], [sflag:$0x1] =	stream.indirect.gather [hbm4b:s3+s8], $0x20, s23, s8, $0xb8;
	[tilespmem:$0x14A00] =	vst v63  }
0x7d: {  	_ = 	snop  }
0x7e: {  	[tilespmem:s26], [sflag:$0x1] =	stream.indirect.gather [hbm4b:s3+s8], $0x20, s25, s8, $0xb8;
	[tilespmem:$0x14A00] =	vst v63  }
0x7f: {  	_ =	swait.ge [sflag:s10], $0x1000  }
0x80: {  	[sflag:s10] =	ssyncset.done $0x0  }
0x81: {  	[sflag:s10] =	ssyncadd.s32 $0xFFFFF000  }
0x82: {  	_ =	swait.ge [sflag:s10], $0x1000  }
0x83: {  	[sflag:s10] =	ssyncset.done $0x0  }
0x84: {  	[sflag:s10] =	ssyncadd.s32 $0xFFFFF000  }
0x85: {  	_ =	swait.ge [sflag:s10], $0x1000  }
0x86: {  	[sflag:s10] =	ssyncset.done $0x0  }
0x87: {  	[sflag:s10] =	ssyncadd.s32 $0xFFFFF000  }
0x88: {  	_ =	swait.ge [sflag:s10], $0x1000  }
0x89: {  	[sflag:s10] =	ssyncset.done $0x0  }
0x8a: {  	[sflag:s10] =	ssyncadd.s32 $0xFFFFF000  }
0x8b: {  	_ =	swait.ge [sflag:s10], $0x1000  }
0x8c: {  	[sflag:s10] =	ssyncset.done $0x0  }
0x8d: {  	[sflag:s10] =	ssyncadd.s32 $0xFFFFF000  }
0x8e: {  	_ =	swait.ge [sflag:s10], $0x1000  }
0x8f: {  	[sflag:s10] =	ssyncset.done $0x0  }
0x90: {  	[sflag:s10] =	ssyncadd.s32 $0xFFFFF000  }
0x91: {  	_ =	swait.ge [sflag:s10], $0x1000  }
0x92: {  	[sflag:s10] =	ssyncset.done $0x0  }
0x93: {  	[sflag:s10] =	ssyncadd.s32 $0xFFFFF000  }
0x94: {  	_ =	swait.ge [sflag:s10], $0x1000  }
0x95: {  	s31 =	rddreg [dreg:$0x1a]  }
0x96: {  	s1 =	simm.s32 $0x140;
	s0 =	sadd.s32 $0x2800, s4;
	s5 =	smov.u32 s31  }
.LBB2_2:
0x97: {  	[sflag:s10] =	ssyncset.done $0x0  }
0x98: {  	[sflag:s10] =	ssyncadd.s32 $0xFFFFF000  }
0x99: {  	_ =	swait.ge [sflag:s10], $0x1000  }
0x9a: {  	[sflag:s10] =	ssyncset.done $0x0  }
0x9b: {  	[sflag:s10] =	ssyncadd.s32 $0xFFFFF000  }
0x9c: {  	s28 =	smov.u32 s1;
	_ =	swait.ge [sflag:s10], $0x1000  }
0x9d: {  	p1 =	seq.s32 s28, $0x0;
	[sflag:s10] =	ssyncset.done $0x0  }
0x9e: {  	s29 =	simm.s32 @!p1 $0x2;
	[sflag:s10] =	ssyncadd.s32 $0xFFFFF000  }
0x9f: {  	[hbm4b:s31+s2] =	stream.linear.scatter [tilespmem:s12], [sflag:$0x3], $0xA000, $0x38;
	[tilespmem:$0x14A00] =	vst v63  }
0xa0: {  	_ =	swait.ge @!p1 [sflag:s29], $0xA000  }
0xa1: {  	[sflag:s29] =	ssyncset.done @!p1 $0x0;
	s4 =	rddreg [dreg:$0x3]  }
0xa2: {  	[sflag:s29] =	ssyncadd.s32 @!p1 $0xFFFF6000;
	s4 =	sadd.s32 s28, s4  }
0xa3: {  	[tilespmem:s2], [sflag:$0x4] =	stream.linear.gather [hbm4b:s4+s2], $0x500, $0x38;
	[tilespmem:$0x14A00] =	vst v63  }
0xa4: {  	_ =	swait.ge [sflag:s7], $0x500  }
0xa5: {  	s4 =	rddreg [dreg:$0x14]  }
0xa6: {  	s29 =	rddreg [dreg:$0x12]  }
0xa7: {  	s6 =	rddreg [dreg:$0x10]  }
0xa8: {  	s30 =	rddreg [dreg:$0xe]  }
0xa9: {  	s13 =	rddreg [dreg:$0xc]  }
0xaa: {  	s14 =	rddreg [dreg:$0xa]  }
0xab: {  	[sflag:s7] =	ssyncset.done $0x0;
	s15 =	rddreg [dreg:$0x5]  }
0xac: {  	s16 =	rddreg [dreg:$0x4];
	[sflag:s7] =	ssyncadd.s32 $0xFFFFFB00  }
0xad: {  	[tilespmem:s9], [sflag:$0x1] =	stream.indirect.gather [hbm4b:s3+s8], $0x20, s2, s8, $0xb8;
	[tilespmem:$0x14A00] =	vst v63  }
0xae: {  	s17 =	rddreg [dreg:$0x6]  }
0xaf: {  	[tilespmem:s16], [sflag:$0x1] =	stream.indirect.gather [hbm4b:s3+s8], $0x20, s8, s8, $0xb8;
	[tilespmem:$0x14A00] =	vst v63  }
0xb0: {  	s18 =	rddreg [dreg:$0x8]  }
0xb1: {  	[tilespmem:s17], [sflag:$0x1] =	stream.indirect.gather [hbm4b:s3+s8], $0x20, s15, s8, $0xb8;
	[tilespmem:$0x14A00] =	vst v63  }
0xb2: {  	s16 =	rddreg [dreg:$0x7]  }
0xb3: {  	[tilespmem:s18], [sflag:$0x1] =	stream.indirect.gather [hbm4b:s3+s8], $0x20, s16, s8, $0xb8;
	[tilespmem:$0x14A00] =	vst v63  }
0xb4: {  	s15 =	rddreg [dreg:$0x9]  }
0xb5: {  	[tilespmem:s14], [sflag:$0x1] =	stream.indirect.gather [hbm4b:s3+s8], $0x20, s15, s8, $0xb8;
	[tilespmem:$0x14A00] =	vst v63  }
0xb6: {  	s16 =	rddreg [dreg:$0xb]  }
0xb7: {  	[tilespmem:s13], [sflag:$0x1] =	stream.indirect.gather [hbm4b:s3+s8], $0x20, s16, s8, $0xb8;
	[tilespmem:$0x14A00] =	vst v63  }
0xb8: {  	s18 =	rddreg [dreg:$0xd]  }
0xb9: {  	[tilespmem:s30], [sflag:$0x1] =	stream.indirect.gather [hbm4b:s3+s8], $0x20, s18, s8, $0xb8;
	[tilespmem:$0x14A00] =	vst v63  }
0xba: {  	s13 =	rddreg [dreg:$0xf]  }
0xbb: {  	[tilespmem:s6], [sflag:$0x1] =	stream.indirect.gather [hbm4b:s3+s8], $0x20, s13, s8, $0xb8;
	[tilespmem:$0x14A00] =	vst v63  }
0xbc: {  	s18 =	rddreg [dreg:$0x11]  }
0xbd: {  	[tilespmem:s29], [sflag:$0x1] =	stream.indirect.gather [hbm4b:s3+s8], $0x20, s18, s8, $0xb8;
	[tilespmem:$0x14A00] =	vst v63  }
0xbe: {  	s30 =	rddreg [dreg:$0x13]  }
0xbf: {  	[tilespmem:s4], [sflag:$0x1] =	stream.indirect.gather [hbm4b:s3+s8], $0x20, s30, s8, $0xb8;
	[tilespmem:$0x14A00] =	vst v63  }
0xc0: {  	_ =	swait.ge [sflag:s10], $0x1000  }
0xc1: {  	[sflag:s10] =	ssyncset.done $0x0  }
0xc2: {  	[sflag:s10] =	ssyncadd.s32 $0xFFFFF000  }
0xc3: {  	_ =	swait.ge [sflag:s10], $0x1000  }
0xc4: {  	[sflag:s10] =	ssyncset.done $0x0  }
0xc5: {  	[sflag:s10] =	ssyncadd.s32 $0xFFFFF000  }
0xc6: {  	_ =	swait.ge [sflag:s10], $0x1000  }
0xc7: {  	[sflag:s10] =	ssyncset.done $0x0  }
0xc8: {  	[sflag:s10] =	ssyncadd.s32 $0xFFFFF000  }
0xc9: {  	_ =	swait.ge [sflag:s10], $0x1000  }
0xca: {  	[sflag:s10] =	ssyncset.done $0x0  }
0xcb: {  	[sflag:s10] =	ssyncadd.s32 $0xFFFFF000  }
0xcc: {  	_ =	swait.ge [sflag:s10], $0x1000  }
0xcd: {  	[sflag:s10] =	ssyncset.done $0x0  }
0xce: {  	[sflag:s10] =	ssyncadd.s32 $0xFFFFF000  }
0xcf: {  	_ =	swait.ge [sflag:s10], $0x1000  }
0xd0: {  	[sflag:s10] =	ssyncset.done $0x0  }
0xd1: {  	[sflag:s10] =	ssyncadd.s32 $0xFFFFF000  }
0xd2: {  	_ =	swait.ge [sflag:s10], $0x1000  }
0xd3: {  	[sflag:s10] =	ssyncset.done $0x0  }
0xd4: {  	[sflag:s10] =	ssyncadd.s32 $0xFFFFF000  }
0xd5: {  	_ =	swait.ge [sflag:s10], $0x1000  }
0xd6: {  	[sflag:s10] =	ssyncset.done $0x0  }
0xd7: {  	[sflag:s10] =	ssyncadd.s32 $0xFFFFF000  }
0xd8: {  	_ =	swait.ge [sflag:s10], $0x1000  }
0xd9: {  	[sflag:s10] =	ssyncset.done $0x0  }
0xda: {  	[sflag:s10] =	ssyncadd.s32 $0xFFFFF000  }
0xdb: {  	_ =	swait.ge [sflag:s10], $0x1000  }
0xdc: {  	[sflag:s10] =	ssyncset.done $0x0  }
0xdd: {  	s4 =	simm.s32 @!p1 $0x3;
	[sflag:s10] =	ssyncadd.s32 $0xFFFFF000  }
0xde: {  	[hbm4b:s0+s2] =	stream.linear.scatter [tilespmem:s9], [sflag:$0x2], $0xA000, $0x38;
	[tilespmem:$0x14A00] =	vst v63  }
0xdf: {  	_ =	swait.ge @!p1 [sflag:s4], $0xA000  }
0xe0: {  	[sflag:s4] =	ssyncset.done @!p1 $0x0;
	s13 =	rddreg [dreg:$0x2]  }
0xe1: {  	[sflag:s4] =	ssyncadd.s32 @!p1 $0xFFFF6000;
	s14 =	sadd.s32 s28, s13  }
0xe2: {  	[tilespmem:s11], [sflag:$0x4] =	stream.linear.gather [hbm4b:s14+s2], $0x500, $0x38;
	[tilespmem:$0x14A00] =	vst v63  }
0xe3: {  	_ =	swait.ge [sflag:s7], $0x500  }
0xe4: {  	[sflag:s7] =	ssyncset.done $0x0;
	s18 =	rddreg [dreg:$0x17]  }
0xe5: {  	s28 =	rddreg [dreg:$0x15];
	[sflag:s7] =	ssyncadd.s32 $0xFFFFFB00  }
0xe6: {  	[tilespmem:s12], [sflag:$0x1] =	stream.indirect.gather [hbm4b:s3+s8], $0x20, s11, s8, $0xb8;
	[tilespmem:$0x14A00] =	vst v63  }
0xe7: {  	s29 =	rddreg [dreg:$0x16]  }
0xe8: {  	[tilespmem:s29], [sflag:$0x1] =	stream.indirect.gather [hbm4b:s3+s8], $0x20, s28, s8, $0xb8;
	[tilespmem:$0x14A00] =	vst v63  }
0xe9: {  	s30 =	rddreg [dreg:$0x18]  }
0xea: {  	[tilespmem:s30], [sflag:$0x1] =	stream.indirect.gather [hbm4b:s3+s8], $0x20, s18, s8, $0xb8;
	[tilespmem:$0x14A00] =	vst v63  }
0xeb: {  	s6 =	simm.s32 $0x680;
	s13 =	simm.s32 $0xDA00  }
0xec: {  	[tilespmem:s13], [sflag:$0x1] =	stream.indirect.gather [hbm4b:s3+s8], $0x20, s6, s8, $0xb8;
	[tilespmem:$0x14A00] =	vst v63  }
0xed: {  	s15 =	simm.s32 $0xEA00;
	s14 =	simm.s32 $0x700  }
0xee: {  	[tilespmem:s15], [sflag:$0x1] =	stream.indirect.gather [hbm4b:s3+s8], $0x20, s14, s8, $0xb8;
	[tilespmem:$0x14A00] =	vst v63  }
0xef: {  	s17 =	simm.s32 $0xFA00;
	s16 =	simm.s32 $0x780  }
0xf0: {  	[tilespmem:s17], [sflag:$0x1] =	stream.indirect.gather [hbm4b:s3+s8], $0x20, s16, s8, $0xb8;
	[tilespmem:$0x14A00] =	vst v63  }
0xf1: {  	_ = 	snop  }
0xf2: {  	[tilespmem:s20], [sflag:$0x1] =	stream.indirect.gather [hbm4b:s3+s8], $0x20, s19, s8, $0xb8;
	[tilespmem:$0x14A00] =	vst v63  }
0xf3: {  	_ = 	snop  }
0xf4: {  	[tilespmem:s22], [sflag:$0x1] =	stream.indirect.gather [hbm4b:s3+s8], $0x20, s21, s8, $0xb8;
	[tilespmem:$0x14A00] =	vst v63  }
0xf5: {  	_ = 	snop  }
0xf6: {  	[tilespmem:s24], [sflag:$0x1] =	stream.indirect.gather [hbm4b:s3+s8], $0x20, s23, s8, $0xb8;
	[tilespmem:$0x14A00] =	vst v63  }
0xf7: {  	_ = 	snop  }
0xf8: {  	[tilespmem:s26], [sflag:$0x1] =	stream.indirect.gather [hbm4b:s3+s8], $0x20, s25, s8, $0xb8;
	[tilespmem:$0x14A00] =	vst v63  }
0xf9: {  	_ =	swait.ge [sflag:s10], $0x1000  }
0xfa: {  	[sflag:s10] =	ssyncset.done $0x0  }
0xfb: {  	[sflag:s10] =	ssyncadd.s32 $0xFFFFF000  }
0xfc: {  	_ =	swait.ge [sflag:s10], $0x1000  }
0xfd: {  	[sflag:s10] =	ssyncset.done $0x0  }
0xfe: {  	[sflag:s10] =	ssyncadd.s32 $0xFFFFF000  }
0xff: {  	_ =	swait.ge [sflag:s10], $0x1000  }
0x100: {  	[sflag:s10] =	ssyncset.done $0x0  }
0x101: {  	[sflag:s10] =	ssyncadd.s32 $0xFFFFF000  }
0x102: {  	_ =	swait.ge [sflag:s10], $0x1000  }
0x103: {  	[sflag:s10] =	ssyncset.done $0x0  }
0x104: {  	[sflag:s10] =	ssyncadd.s32 $0xFFFFF000  }
0x105: {  	_ =	swait.ge [sflag:s10], $0x1000  }
0x106: {  	[sflag:s10] =	ssyncset.done $0x0  }
0x107: {  	[sflag:s10] =	ssyncadd.s32 $0xFFFFF000  }
0x108: {  	s1 =	sadd.s32 $0x140, s1;
	_ =	swait.ge [sflag:s10], $0x1000  }
0x109: {  	p0 =	sne.s32 s1, $0x640;
	[sflag:s10] =	ssyncset.done $0x0  }
.Ltmp0:
0x10a: {  	[sflag:s10] =	ssyncadd.s32 $0xFFFFF000;
	(pc) =	sbr.rel @p0 .LBB2_2-.Ltmp0, $4  }
0x10b: {  	_ =	swait.ge [sflag:s10], $0x1000  }
0x10c: {  	[sflag:s10] =	ssyncset.done $0x0  }
0x10d: {  	s5 =	sadd.s32 $0x2800, s5;
	[sflag:s10] =	ssyncadd.s32 $0xFFFFF000  }
0x10e: {  	s31 =	smov.u32 s5;
	s0 =	sadd.s32 $0x2800, s0;
	_ =	swait.ge [sflag:s10], $0x1000  }
0x10f: {  	[sflag:s10] =	ssyncset.done $0x0  }
0x110: {  	[sflag:s10] =	ssyncadd.s32 $0xFFFFF000  }
0x111: {  	_ =	swait.ge [sflag:s10], $0x1000  }
0x112: {  	[sflag:s10] =	ssyncset.done $0x0  }
0x113: {  	[sflag:s10] =	ssyncadd.s32 $0xFFFFF000  }
0x114: {  	_ =	swait.ge [sflag:s10], $0x1000  }
0x115: {  	[sflag:s10] =	ssyncset.done $0x0  }
0x116: {  	s0 =	simm.s32 $0x2;
	[sflag:s10] =	ssyncadd.s32 $0xFFFFF000  }
0x117: {  	[hbm4b:s31+s2] =	stream.linear.scatter [tilespmem:s12], [sflag:$0x3], $0xA000, $0x38;
	[tilespmem:$0x14A00] =	vst v63  }
0x118: {  	_ =	swait.ge [sflag:s0], $0xA000  }
0x119: {  	[sflag:s0] =	ssyncset.done $0x0  }
0x11a: {  	s1 =	simm.s32 $0x3;
	[sflag:s0] =	ssyncadd.s32 $0xFFFF6000  }
0x11b: {  	_ =	swait.ge [sflag:s1], $0xA000  }
0x11c: {  	s4 =	rddreg [dreg:$0x1c]  }
0x11d: {  	s31 =	rddreg [dreg:$0x19];
	s4 =	sadd.s32 $0x1, s4  }
0x11e: {  	p0 =	sne.s32 s4, s31  }
.Ltmp1:
0x11f: {  	_ = 	snop;
	(pc) =	sbr.rel @p0 .LBB2_1-.Ltmp1, $3  }
0x120: {  	_ =	sdelay $0x1  }
0x121: {  	[sflag:s1] =	ssyncset.done $0x0  }
0x122: {  	[sflag:s1] =	ssyncadd.s32 $0xFFFF6000  }
0x123: {  	_ =	sfence.sel $0x180000  }
0x124: {  	[bflag:$0x0] =	sbarrier.arrive $0xFFFF  }
0x125: {  	_ =	strace $0x9000004A  }
0x126: {  	s0 =	stileid.u32;
	[bflag:$0x2] =	sbarrier.arrive $0xFFFF  }
0x127: {  	p0 =	sne.s32 s0, $0x0;
	s0 =	rddreg [dreg:$0x1]  }
0x128: {  	s0 =	sadd.s32 @!p0 $0x100000, s0  }
0x129: {  	[sflag:s0] =	ssyncadd.tile.s32 @!p0 $0x1;
	_ =	shalt  }
.Lfunc_end2:
_tile_overlayer_lowered:
.L_overlay_start_2:
0x12a: {  	(tag) =	ssettag $0x2  }
0x12b: {  	s0 =	rddreg [dreg:$0x0];
	s2 =	stileid.u32  }
0x12c: {  	s1 =	rddreg [dreg:$0x1];
	p0 =	sne.s32 s2, $0x0  }
0x12d: {  	s3 =	rddreg [dreg:$0x2];
	[bflag:$0x3] =	sbarrier.arrive $0xFFFF;
	s2 =	simm.s32 @!p0 $0x1C04  }
0x12e: {  	[timem:s3], [sflag:s2] =	dma.local @!p0 [hbm:s0], s1  }
0x12f: {  	s0 =	simm.s32 @!p0 $0x4  }
0x130: {  	_ =	swait.ge @!p0 [sflag:s0], s1  }
0x131: {  	s1 =	ssub.s32 @!p0 $0x0, s1;
	[sflag:s0] =	ssyncset.done @!p0 $0x0  }
0x132: {  	[sflag:s0] =	ssyncadd.s32 @!p0 s1  }
0x133: {  	[bflag:$0x3] =	sbarrier.arrive $0xFFFF  }
0x134: {  	_ =	shalt  }

</sc_bundles>
